<compile_context>
chip_gen: v7x
topology: tpu7x:2x2x1
jax: 0.10.2.dev20260603
libtpu: 0.0.44.dev20260713+nightly
codegen_flags: <defaults>
</compile_context>

<pallas_src>
import functools

import jax
import jax.numpy as jnp
from jax import lax
from jax.experimental import pallas as pl
from jax.experimental.pallas import tpu as pltpu
from jax.experimental.pallas import tpu_sc as plsc

NUM_EMB = 100000
D = 128
NB = 4096
NL = 200
T = NB * NL
NF = 9
LN = 16


_ROWS_BLK = 4000
_PROJ_STEPS = NUM_EMB // _ROWS_BLK


def _proj_body(e1, e2, e3, e4, w1, w2, w3, w4, p1, p2, p3, p4):
    p1[...] = jnp.dot(e1[...], w1[...], preferred_element_type=jnp.float32)
    p2[...] = jnp.dot(e2[...], w2[...], preferred_element_type=jnp.float32)
    p3[...] = jnp.dot(e3[...], w3[...], preferred_element_type=jnp.float32)
    p4[...] = jnp.dot(e4[...], w4[...], preferred_element_type=jnp.float32)


def _project_tables(e1, e2, e3, e4, w1, w2, w3, w4):
    blk = pl.BlockSpec((_ROWS_BLK, D), lambda i: (i, 0))
    wblk = pl.BlockSpec((D, D), lambda i: (0, 0))
    shp = jax.ShapeDtypeStruct((NUM_EMB, D), jnp.float32)
    return pl.pallas_call(
        _proj_body,
        grid=(_PROJ_STEPS,),
        in_specs=[blk, blk, blk, blk, wblk, wblk, wblk, wblk],
        out_specs=[blk, blk, blk, blk],
        out_shape=[shp, shp, shp, shp],
    )(e1, e2, e3, e4, w1, w2, w3, w4)



_C = 128


def _gather_sum(p1, p2, p3, p4, xt1, w0b):
    info = plsc.get_sparse_core_info()
    nc, ns = info.num_cores, info.num_subcores
    nw = nc * ns
    assert NB == nw * _C
    n2 = NL // 2
    mesh = plsc.VectorSubcoreMesh(core_axis_name="c", subcore_axis_name="s")

    @functools.partial(
        pl.kernel,
        out_type=jax.ShapeDtypeStruct((T, D), jnp.float32),
        mesh=mesh,
        scratch_types=[
            pltpu.VMEM((8 * _C,), jnp.float32),
            pltpu.VMEM((8 * _C,), jnp.float32),
            pltpu.VMEM((5, _C), jnp.int32),
            pltpu.VMEM((5, _C), jnp.int32),
            pltpu.VMEM((_C, D), jnp.float32),
            pltpu.VMEM((_C, D), jnp.float32),
            pltpu.VMEM((5, D), jnp.float32),
            pltpu.SemaphoreType.DMA,
            pltpu.SemaphoreType.DMA,
            pltpu.SemaphoreType.DMA,
            pltpu.SemaphoreType.DMA,
            pltpu.SemaphoreType.DMA,
        ],
        compiler_params=pltpu.CompilerParams(needs_layout_passes=False),
    )
    def k(p1h, p2h, p3h, p4h, xh, wh, outh,
          xb0, xb1, idx0, idx1, acc0, acc1, w0v,
          xsem, gsem0, gsem1, osem0, osem1):
        gsems = (gsem0, gsem1)
        wid = lax.axis_index("s") * nc + lax.axis_index("c")
        b0 = wid * _C
        tables = (p1h, p2h, p3h, p4h)
        xbs, idxs, accs = (xb0, xb1), (idx0, idx1), (acc0, acc1)
        osems = (osem0, osem1)

        pltpu.sync_copy(wh, w0v)
        iota200 = lax.iota(jnp.int32, LN) * NL
        wvec = [[w0v[j, pl.ds(cc * LN, LN)] for j in range(4)]
                for cc in range(D // LN)]
        bvec = [w0v[4, pl.ds(cc * LN, LN)] for cc in range(D // LN)]

        def scatter_desc(s):
            return pltpu.make_async_copy(
                accs[s], outh.at[idxs[s].at[4]], osems[s])

        def prepare(s, l, drain):
            xb, idx_v, acc = xbs[s], idxs[s], accs[s]
            dx = []
            for j in range(8):
                off = pl.multiple_of((j * NL + l) * NB + b0, _C)
                dx.append(pltpu.async_copy(
                    xh.at[pl.ds(off, _C)], xb.at[pl.ds(j * _C, _C)], xsem))
            for d in dx:
                d.wait()
            for kk in range(4):
                for m in range(_C // LN):
                    v = xb[pl.ds((4 + kk) * _C + m * LN, LN)]
                    idx_v[kk, pl.ds(m * LN, LN)] = v.astype(jnp.int32)
            for m in range(_C // LN):
                idx_v[4, pl.ds(m * LN, LN)] = (
                    iota200 + ((b0 + m * LN) * NL + l))
            if drain:
                scatter_desc(s).wait()
            def tokbody(t, carry):
                n = [plsc.load_gather(
                        xb, [jnp.full((LN,), j * _C + t, jnp.int32)])
                     for j in range(4)]
                for cc in range(D // LN):
                    v = bvec[cc]
                    for j in range(4):
                        v = v + n[j] * wvec[cc][j]
                    acc[t, pl.ds(cc * LN, LN)] = v
                return carry

            lax.fori_loop(0, _C, tokbody, 0)

        def fire(s):
            idx_v, acc = idxs[s], accs[s]
            return [pltpu.async_copy(
                tables[i].at[idx_v.at[i]], acc, gsems[s], add=True)
                for i in range(4)]

        def body(g2, carry):
            l_a = g2 * 2
            d_a = fire(0)

            @pl.when(g2 > 0)
            def _():
                scatter_desc(1).wait()

            prepare(1, l_a + 1, drain=False)
            d_b = fire(1)
            for cp in d_a:
                cp.wait()
            sc_a = scatter_desc(0)
            sc_a.start()

            @pl.when(g2 < n2 - 1)
            def _():
                prepare(0, l_a + 2, drain=True)

            for cp in d_b:
                cp.wait()
            sc_b = scatter_desc(1)
            sc_b.start()
            return carry

        prepare(0, 0, drain=False)
        lax.fori_loop(0, n2, body, 0, unroll=False)
        scatter_desc(0).wait()
        scatter_desc(1).wait()

    return k(p1, p2, p3, p4, xt1, w0b)


def kernel(x, emb_region, emb_gene, emb_strand, emb_exon, W_proj, b_proj):
    xt1 = jnp.transpose(x, (2, 1, 0)).reshape(NF * NL * NB)
    w1 = W_proj[4:132]
    w2 = W_proj[132:260]
    w3 = W_proj[260:388]
    w4 = W_proj[388:516]
    w0b = jnp.concatenate([W_proj[:4], b_proj.reshape(1, D)], axis=0)
    p1, p2, p3, p4 = _project_tables(
        emb_region, emb_gene, emb_strand, emb_exon, w1, w2, w3, w4)
    out = _gather_sum(p1, p2, p3, p4, xt1, w0b)
    return out.reshape(NB, NL, D)

# --- scband reference (transcript-rebuilt; emitter-appended) ---
"""Pipeline reference for scband-custom-embedding-69114613727452 (READ-ONLY COPY).

The authoritative reference and input builder live on the scoring server;
editing this copy changes nothing except your own understanding.
"""

import jax, jax.numpy as jnp
import numpy as np

NUM_EMB = 100000
D_MODEL = 128
B = 4096
L = 200
N_FEAT = 9  # len(bp_vector_schema)
N_CAT_USED = 4  # schema[4:len-1] -> region, gene, strand, exon
IN_DIM = 4 + N_CAT_USED * D_MODEL  # 516


def setup_inputs(seed: int = 0) -> dict:
    key = jax.random.key(seed)
    ks = jax.random.split(key, 8)
    # x holds one-hot-ish nucleotide floats in first 4 cols and categorical ids
    # (stored as floats, cast to int in forward) in the remaining cols.
    x = jax.random.randint(ks[0], (B, L, N_FEAT), 0, NUM_EMB).astype(jnp.float32)
    emb_region = jax.random.normal(ks[1], (NUM_EMB, D_MODEL), dtype=jnp.float32)
    emb_gene = jax.random.normal(ks[2], (NUM_EMB, D_MODEL), dtype=jnp.float32)
    emb_strand = jax.random.normal(ks[3], (NUM_EMB, D_MODEL), dtype=jnp.float32)
    emb_exon = jax.random.normal(ks[4], (NUM_EMB, D_MODEL), dtype=jnp.float32)
    bound = 1.0 / np.sqrt(IN_DIM)
    W_proj = jax.random.uniform(ks[5], (IN_DIM, D_MODEL), minval=-bound, maxval=bound, dtype=jnp.float32)
    b_proj = jax.random.uniform(ks[6], (D_MODEL,), minval=-bound, maxval=bound, dtype=jnp.float32)
    return {"x": x, "emb_region": emb_region, "emb_gene": emb_gene,
            "emb_strand": emb_strand, "emb_exon": emb_exon,
            "W_proj": W_proj, "b_proj": b_proj}


def reference(x, emb_region, emb_gene, emb_strand, emb_exon, W_proj, b_proj):
    nucleotides = x[:, :, :4]
    feature_vectors = [nucleotides]
    tables = [emb_region, emb_gene, emb_strand, emb_exon]
    for i, table in enumerate(tables):
        col = 4 + i
        idx = jax.lax.stop_gradient(x[:, :, col]).astype(jnp.int32).reshape(-1)
        fv = jnp.take(table, idx, axis=0)
        fv = fv.reshape(x.shape[0], x.shape[1], -1)
        feature_vectors.append(fv)
    model_input = jnp.concatenate(feature_vectors, axis=-1)
    out = model_input @ W_proj + b_proj
    return out

if __name__ == "__main__":
    import jax
    _d = setup_inputs()
    print(jax.jit(kernel)(*tuple(_d.values())))

</pallas_src>

<mosaic_0001>
#map = affine_map<(d0, d1) -> (0, 0)>
#map1 = affine_map<(d0, d1) -> (0)>
module attributes {stable_mosaic.version = 14 : i64} {
  func.func @k(%arg0: i32, %arg1: i32, %arg2: memref<100000x128xf32, #tpu.memory_space<hbm>>, %arg3: memref<100000x128xf32, #tpu.memory_space<hbm>>, %arg4: memref<100000x128xf32, #tpu.memory_space<hbm>>, %arg5: memref<100000x128xf32, #tpu.memory_space<hbm>>, %arg6: memref<7372800xf32, #tpu.memory_space<hbm>>, %arg7: memref<5x128xf32, #tpu.memory_space<hbm>>, %arg8: memref<819200x128xf32, #tpu.memory_space<hbm>>, %arg9: memref<1024xf32, #tpu.memory_space<vmem>>, %arg10: memref<1024xf32, #tpu.memory_space<vmem>>, %arg11: memref<5x128xi32, #tpu.memory_space<vmem>>, %arg12: memref<5x128xi32, #tpu.memory_space<vmem>>, %arg13: memref<128x128xf32, #tpu.memory_space<vmem>>, %arg14: memref<128x128xf32, #tpu.memory_space<vmem>>, %arg15: memref<5x128xf32, #tpu.memory_space<vmem>>, %arg16: memref<!tpu.dma_semaphore, #tpu.memory_space<semaphore_mem>>, %arg17: memref<!tpu.dma_semaphore, #tpu.memory_space<semaphore_mem>>, %arg18: memref<!tpu.dma_semaphore, #tpu.memory_space<semaphore_mem>>, %arg19: memref<!tpu.dma_semaphore, #tpu.memory_space<semaphore_mem>>, %arg20: memref<!tpu.dma_semaphore, #tpu.memory_space<semaphore_mem>>) attributes {dimension_semantics = [#tpu.dimension_semantics<core_parallel>, #tpu.dimension_semantics<subcore_parallel>], iteration_bounds = array<i64: 2, 16>, scalar_prefetch = 0 : i64, scratch_operands = 12 : i64, tpu.core_type = #tpu.core_type<sc_vector_subcore>, window_params = [{transform_indices = #map}, {transform_indices = #map}, {transform_indices = #map}, {transform_indices = #map}, {transform_indices = #map1}, {transform_indices = #map}, {transform_indices = #map}]} {
    %mul3A = arith.constant 2 : i32
    %mul3A_0 = arith.muli %arg1, %mul3A : i32
    %add3A = arith.addi %mul3A_0, %arg0 : i32
    %mul3A_1 = arith.constant 128 : i32
    %mul3A_2 = arith.muli %add3A, %mul3A_1 : i32
    "tpu.region"() ({
      %run_scoped3A = tpu.sem_alloc : memref<!tpu.dma_semaphore, #tpu.memory_space<semaphore_mem>>
      tpu.enqueue_dma source(%arg7 : memref<5x128xf32, #tpu.memory_space<hbm>>) target(%arg15 : memref<5x128xf32, #tpu.memory_space<vmem>>) target_semaphore(%run_scoped3A : memref<!tpu.dma_semaphore, #tpu.memory_space<semaphore_mem>>)
      tpu.wait_dma2 semaphore(%run_scoped3A : memref<!tpu.dma_semaphore, #tpu.memory_space<semaphore_mem>>) src(%arg7 : memref<5x128xf32, #tpu.memory_space<hbm>>) dst(%arg15 : memref<5x128xf32, #tpu.memory_space<vmem>>)
      tpu.yield
    }) : () -> ()
    %iota3A = tpu.iota {dimensions = array<i32: 0>} : vector<16xi32>
    %mul3A_3 = arith.constant 200 : i32
    %mul3A_4 = vector.broadcast %mul3A_3 : i32 to vector<16xi32>
    %mul3A_5 = arith.muli %iota3A, %mul3A_4 : vector<16xi32>
    %get3A = arith.constant 0 : i32
    %get3A_6 = arith.index_cast %get3A : i32 to index
    %get3A_7 = arith.constant 0 : index
    %get3A_8 = tpu.vector_load %arg15[%get3A_6, %get3A_7] {strides = array<i32>} : memref<5x128xf32, #tpu.memory_space<vmem>>, vector<16xf32>,
    %get3A_9 = arith.constant 1 : i32
    %get3A_10 = arith.index_cast %get3A_9 : i32 to index
    %get3A_11 = arith.constant 0 : index
    %get3A_12 = tpu.vector_load %arg15[%get3A_10, %get3A_11] {strides = array<i32>} : memref<5x128xf32, #tpu.memory_space<vmem>>, vector<16xf32>,
    %get3A_13 = arith.constant 2 : i32
    %get3A_14 = arith.index_cast %get3A_13 : i32 to index
    %get3A_15 = arith.constant 0 : index
    %get3A_16 = tpu.vector_load %arg15[%get3A_14, %get3A_15] {strides = array<i32>} : memref<5x128xf32, #tpu.memory_space<vmem>>, vector<16xf32>,
    %get3A_17 = arith.constant 3 : i32
    %get3A_18 = arith.index_cast %get3A_17 : i32 to index
    %get3A_19 = arith.constant 0 : index
    %get3A_20 = tpu.vector_load %arg15[%get3A_18, %get3A_19] {strides = array<i32>} : memref<5x128xf32, #tpu.memory_space<vmem>>, vector<16xf32>,
    %get3A_21 = arith.constant 0 : i32
    %get3A_22 = arith.index_cast %get3A_21 : i32 to index
    %get3A_23 = arith.constant 16 : index
    %get3A_24 = tpu.vector_load %arg15[%get3A_22, %get3A_23] {strides = array<i32>} : memref<5x128xf32, #tpu.memory_space<vmem>>, vector<16xf32>,
    %get3A_25 = arith.constant 1 : i32
    %get3A_26 = arith.index_cast %get3A_25 : i32 to index
    %get3A_27 = arith.constant 16 : index
    %get3A_28 = tpu.vector_load %arg15[%get3A_26, %get3A_27] {strides = array<i32>} : memref<5x128xf32, #tpu.memory_space<vmem>>, vector<16xf32>,
    %get3A_29 = arith.constant 2 : i32
    %get3A_30 = arith.index_cast %get3A_29 : i32 to index
    %get3A_31 = arith.constant 16 : index
    %get3A_32 = tpu.vector_load %arg15[%get3A_30, %get3A_31] {strides = array<i32>} : memref<5x128xf32, #tpu.memory_space<vmem>>, vector<16xf32>,
    %get3A_33 = arith.constant 3 : i32
    %get3A_34 = arith.index_cast %get3A_33 : i32 to index
    %get3A_35 = arith.constant 16 : index
    %get3A_36 = tpu.vector_load %arg15[%get3A_34, %get3A_35] {strides = array<i32>} : memref<5x128xf32, #tpu.memory_space<vmem>>, vector<16xf32>,
    %get3A_37 = arith.constant 0 : i32
    %get3A_38 = arith.index_cast %get3A_37 : i32 to index
    %get3A_39 = arith.constant 32 : index
    %get3A_40 = tpu.vector_load %arg15[%get3A_38, %get3A_39] {strides = array<i32>} : memref<5x128xf32, #tpu.memory_space<vmem>>, vector<16xf32>,
    %get3A_41 = arith.constant 1 : i32
    %get3A_42 = arith.index_cast %get3A_41 : i32 to index
    %get3A_43 = arith.constant 32 : index
    %get3A_44 = tpu.vector_load %arg15[%get3A_42, %get3A_43] {strides = array<i32>} : memref<5x128xf32, #tpu.memory_space<vmem>>, vector<16xf32>,
    %get3A_45 = arith.constant 2 : i32
    %get3A_46 = arith.index_cast %get3A_45 : i32 to index
    %get3A_47 = arith.constant 32 : index
    %get3A_48 = tpu.vector_load %arg15[%get3A_46, %get3A_47] {strides = array<i32>} : memref<5x128xf32, #tpu.memory_space<vmem>>, vector<16xf32>,
    %get3A_49 = arith.constant 3 : i32
    %get3A_50 = arith.index_cast %get3A_49 : i32 to index
    %get3A_51 = arith.constant 32 : index
    %get3A_52 = tpu.vector_load %arg15[%get3A_50, %get3A_51] {strides = array<i32>} : memref<5x128xf32, #tpu.memory_space<vmem>>, vector<16xf32>,
    %get3A_53 = arith.constant 0 : i32
    %get3A_54 = arith.index_cast %get3A_53 : i32 to index
    %get3A_55 = arith.constant 48 : index
    %get3A_56 = tpu.vector_load %arg15[%get3A_54, %get3A_55] {strides = array<i32>} : memref<5x128xf32, #tpu.memory_space<vmem>>, vector<16xf32>,
    %get3A_57 = arith.constant 1 : i32
    %get3A_58 = arith.index_cast %get3A_57 : i32 to index
    %get3A_59 = arith.constant 48 : index
    %get3A_60 = tpu.vector_load %arg15[%get3A_58, %get3A_59] {strides = array<i32>} : memref<5x128xf32, #tpu.memory_space<vmem>>, vector<16xf32>,
    %get3A_61 = arith.constant 2 : i32
    %get3A_62 = arith.index_cast %get3A_61 : i32 to index
    %get3A_63 = arith.constant 48 : index
    %get3A_64 = tpu.vector_load %arg15[%get3A_62, %get3A_63] {strides = array<i32>} : memref<5x128xf32, #tpu.memory_space<vmem>>, vector<16xf32>,
    %get3A_65 = arith.constant 3 : i32
    %get3A_66 = arith.index_cast %get3A_65 : i32 to index
    %get3A_67 = arith.constant 48 : index
    %get3A_68 = tpu.vector_load %arg15[%get3A_66, %get3A_67] {strides = array<i32>} : memref<5x128xf32, #tpu.memory_space<vmem>>, vector<16xf32>,
    %get3A_69 = arith.constant 0 : i32
    %get3A_70 = arith.index_cast %get3A_69 : i32 to index
    %get3A_71 = arith.constant 64 : index
    %get3A_72 = tpu.vector_load %arg15[%get3A_70, %get3A_71] {strides = array<i32>} : memref<5x128xf32, #tpu.memory_space<vmem>>, vector<16xf32>,
    %get3A_73 = arith.constant 1 : i32
    %get3A_74 = arith.index_cast %get3A_73 : i32 to index
    %get3A_75 = arith.constant 64 : index
    %get3A_76 = tpu.vector_load %arg15[%get3A_74, %get3A_75] {strides = array<i32>} : memref<5x128xf32, #tpu.memory_space<vmem>>, vector<16xf32>,
    %get3A_77 = arith.constant 2 : i32
    %get3A_78 = arith.index_cast %get3A_77 : i32 to index
    %get3A_79 = arith.constant 64 : index
    %get3A_80 = tpu.vector_load %arg15[%get3A_78, %get3A_79] {strides = array<i32>} : memref<5x128xf32, #tpu.memory_space<vmem>>, vector<16xf32>,
    %get3A_81 = arith.constant 3 : i32
    %get3A_82 = arith.index_cast %get3A_81 : i32 to index
    %get3A_83 = arith.constant 64 : index
    %get3A_84 = tpu.vector_load %arg15[%get3A_82, %get3A_83] {strides = array<i32>} : memref<5x128xf32, #tpu.memory_space<vmem>>, vector<16xf32>,
    %get3A_85 = arith.constant 0 : i32
    %get3A_86 = arith.index_cast %get3A_85 : i32 to index
    %get3A_87 = arith.constant 80 : index
    %get3A_88 = tpu.vector_load %arg15[%get3A_86, %get3A_87] {strides = array<i32>} : memref<5x128xf32, #tpu.memory_space<vmem>>, vector<16xf32>,
    %get3A_89 = arith.constant 1 : i32
    %get3A_90 = arith.index_cast %get3A_89 : i32 to index
    %get3A_91 = arith.constant 80 : index
    %get3A_92 = tpu.vector_load %arg15[%get3A_90, %get3A_91] {strides = array<i32>} : memref<5x128xf32, #tpu.memory_space<vmem>>, vector<16xf32>,
    %get3A_93 = arith.constant 2 : i32
    %get3A_94 = arith.index_cast %get3A_93 : i32 to index
    %get3A_95 = arith.constant 80 : index
    %get3A_96 = tpu.vector_load %arg15[%get3A_94, %get3A_95] {strides = array<i32>} : memref<5x128xf32, #tpu.memory_space<vmem>>, vector<16xf32>,
    %get3A_97 = arith.constant 3 : i32
    %get3A_98 = arith.index_cast %get3A_97 : i32 to index
    %get3A_99 = arith.constant 80 : index
    %get3A_100 = tpu.vector_load %arg15[%get3A_98, %get3A_99] {strides = array<i32>} : memref<5x128xf32, #tpu.memory_space<vmem>>, vector<16xf32>,
    %get3A_101 = arith.constant 0 : i32
    %get3A_102 = arith.index_cast %get3A_101 : i32 to index
    %get3A_103 = arith.constant 96 : index
    %get3A_104 = tpu.vector_load %arg15[%get3A_102, %get3A_103] {strides = array<i32>} : memref<5x128xf32, #tpu.memory_space<vmem>>, vector<16xf32>,
    %get3A_105 = arith.constant 1 : i32
    %get3A_106 = arith.index_cast %get3A_105 : i32 to index
    %get3A_107 = arith.constant 96 : index
    %get3A_108 = tpu.vector_load %arg15[%get3A_106, %get3A_107] {strides = array<i32>} : memref<5x128xf32, #tpu.memory_space<vmem>>, vector<16xf32>,
    %get3A_109 = arith.constant 2 : i32
    %get3A_110 = arith.index_cast %get3A_109 : i32 to index
    %get3A_111 = arith.constant 96 : index
    %get3A_112 = tpu.vector_load %arg15[%get3A_110, %get3A_111] {strides = array<i32>} : memref<5x128xf32, #tpu.memory_space<vmem>>, vector<16xf32>,
    %get3A_113 = arith.constant 3 : i32
    %get3A_114 = arith.index_cast %get3A_113 : i32 to index
    %get3A_115 = arith.constant 96 : index
    %get3A_116 = tpu.vector_load %arg15[%get3A_114, %get3A_115] {strides = array<i32>} : memref<5x128xf32, #tpu.memory_space<vmem>>, vector<16xf32>,
    %get3A_117 = arith.constant 0 : i32
    %get3A_118 = arith.index_cast %get3A_117 : i32 to index
    %get3A_119 = arith.constant 112 : index
    %get3A_120 = tpu.vector_load %arg15[%get3A_118, %get3A_119] {strides = array<i32>} : memref<5x128xf32, #tpu.memory_space<vmem>>, vector<16xf32>,
    %get3A_121 = arith.constant 1 : i32
    %get3A_122 = arith.index_cast %get3A_121 : i32 to index
    %get3A_123 = arith.constant 112 : index
    %get3A_124 = tpu.vector_load %arg15[%get3A_122, %get3A_123] {strides = array<i32>} : memref<5x128xf32, #tpu.memory_space<vmem>>, vector<16xf32>,
    %get3A_125 = arith.constant 2 : i32
    %get3A_126 = arith.index_cast %get3A_125 : i32 to index
    %get3A_127 = arith.constant 112 : index
    %get3A_128 = tpu.vector_load %arg15[%get3A_126, %get3A_127] {strides = array<i32>} : memref<5x128xf32, #tpu.memory_space<vmem>>, vector<16xf32>,
    %get3A_129 = arith.constant 3 : i32
    %get3A_130 = arith.index_cast %get3A_129 : i32 to index
    %get3A_131 = arith.constant 112 : index
    %get3A_132 = tpu.vector_load %arg15[%get3A_130, %get3A_131] {strides = array<i32>} : memref<5x128xf32, #tpu.memory_space<vmem>>, vector<16xf32>,
    %get3A_133 = arith.constant 4 : i32
    %get3A_134 = arith.index_cast %get3A_133 : i32 to index
    %get3A_135 = arith.constant 0 : index
    %get3A_136 = tpu.vector_load %arg15[%get3A_134, %get3A_135] {strides = array<i32>} : memref<5x128xf32, #tpu.memory_space<vmem>>, vector<16xf32>,
    %get3A_137 = arith.constant 4 : i32
    %get3A_138 = arith.index_cast %get3A_137 : i32 to index
    %get3A_139 = arith.constant 16 : index
    %get3A_140 = tpu.vector_load %arg15[%get3A_138, %get3A_139] {strides = array<i32>} : memref<5x128xf32, #tpu.memory_space<vmem>>, vector<16xf32>,
    %get3A_141 = arith.constant 4 : i32
    %get3A_142 = arith.index_cast %get3A_141 : i32 to index
    %get3A_143 = arith.constant 32 : index
    %get3A_144 = tpu.vector_load %arg15[%get3A_142, %get3A_143] {strides = array<i32>} : memref<5x128xf32, #tpu.memory_space<vmem>>, vector<16xf32>,
    %get3A_145 = arith.constant 4 : i32
    %get3A_146 = arith.index_cast %get3A_145 : i32 to index
    %get3A_147 = arith.constant 48 : index
    %get3A_148 = tpu.vector_load %arg15[%get3A_146, %get3A_147] {strides = array<i32>} : memref<5x128xf32, #tpu.memory_space<vmem>>, vector<16xf32>,
    %get3A_149 = arith.constant 4 : i32
    %get3A_150 = arith.index_cast %get3A_149 : i32 to index
    %get3A_151 = arith.constant 64 : index
    %get3A_152 = tpu.vector_load %arg15[%get3A_150, %get3A_151] {strides = array<i32>} : memref<5x128xf32, #tpu.memory_space<vmem>>, vector<16xf32>,
    %get3A_153 = arith.constant 4 : i32
    %get3A_154 = arith.index_cast %get3A_153 : i32 to index
    %get3A_155 = arith.constant 80 : index
    %get3A_156 = tpu.vector_load %arg15[%get3A_154, %get3A_155] {strides = array<i32>} : memref<5x128xf32, #tpu.memory_space<vmem>>, vector<16xf32>,
    %get3A_157 = arith.constant 4 : i32
    %get3A_158 = arith.index_cast %get3A_157 : i32 to index
    %get3A_159 = arith.constant 96 : index
    %get3A_160 = tpu.vector_load %arg15[%get3A_158, %get3A_159] {strides = array<i32>} : memref<5x128xf32, #tpu.memory_space<vmem>>, vector<16xf32>,
    %get3A_161 = arith.constant 4 : i32
    %get3A_162 = arith.index_cast %get3A_161 : i32 to index
    %get3A_163 = arith.constant 112 : index
    %get3A_164 = tpu.vector_load %arg15[%get3A_162, %get3A_163] {strides = array<i32>} : memref<5x128xf32, #tpu.memory_space<vmem>>, vector<16xf32>,
    %add3A_165 = arith.constant 0 : i32
    %add3A_166 = arith.addi %add3A_165, %mul3A_2 : i32
    %multiple_of3A = tpu.assume_multiple %add3A_166, 128 : i32
    %dma_start3A = arith.constant 0 : i32
    %dma_start3A_167 = tpu.memref_slice %arg9[%dma_start3A] : memref<1024xf32, #tpu.memory_space<vmem>> -> memref<128xf32, #tpu.memory_space<vmem>>
    %dma_start3A_168 = tpu.memref_slice %arg6[%multiple_of3A] : memref<7372800xf32, #tpu.memory_space<hbm>> -> memref<128xf32, #tpu.memory_space<hbm>>
    %dma_start3A_169 = arith.constant 0 : i32
    %dma_start3A_170 = tpu.memref_slice %arg9[%dma_start3A_169] : memref<1024xf32, #tpu.memory_space<vmem>> -> memref<128xf32, #tpu.memory_space<vmem>>
    %dma_start3A_171 = tpu.memref_slice %arg6[%multiple_of3A] : memref<7372800xf32, #tpu.memory_space<hbm>> -> memref<128xf32, #tpu.memory_space<hbm>>
    tpu.enqueue_dma source(%dma_start3A_171 : memref<128xf32, #tpu.memory_space<hbm>>) target(%dma_start3A_170 : memref<128xf32, #tpu.memory_space<vmem>>) target_semaphore(%arg16 : memref<!tpu.dma_semaphore, #tpu.memory_space<semaphore_mem>>)
    %add3A_172 = arith.constant 819200 : i32
    %add3A_173 = arith.addi %add3A_172, %mul3A_2 : i32
    %multiple_of3A_174 = tpu.assume_multiple %add3A_173, 128 : i32
    %dma_start3A_175 = arith.constant 128 : i32
    %dma_start3A_176 = tpu.memref_slice %arg9[%dma_start3A_175] : memref<1024xf32, #tpu.memory_space<vmem>> -> memref<128xf32, #tpu.memory_space<vmem>>
    %dma_start3A_177 = tpu.memref_slice %arg6[%multiple_of3A_174] : memref<7372800xf32, #tpu.memory_space<hbm>> -> memref<128xf32, #tpu.memory_space<hbm>>
    %dma_start3A_178 = arith.constant 128 : i32
    %dma_start3A_179 = tpu.memref_slice %arg9[%dma_start3A_178] : memref<1024xf32, #tpu.memory_space<vmem>> -> memref<128xf32, #tpu.memory_space<vmem>>
    %dma_start3A_180 = tpu.memref_slice %arg6[%multiple_of3A_174] : memref<7372800xf32, #tpu.memory_space<hbm>> -> memref<128xf32, #tpu.memory_space<hbm>>
    tpu.enqueue_dma source(%dma_start3A_180 : memref<128xf32, #tpu.memory_space<hbm>>) target(%dma_start3A_179 : memref<128xf32, #tpu.memory_space<vmem>>) target_semaphore(%arg16 : memref<!tpu.dma_semaphore, #tpu.memory_space<semaphore_mem>>)
    %add3A_181 = arith.constant 1638400 : i32
    %add3A_182 = arith.addi %add3A_181, %mul3A_2 : i32
    %multiple_of3A_183 = tpu.assume_multiple %add3A_182, 128 : i32
    %dma_start3A_184 = arith.constant 256 : i32
    %dma_start3A_185 = tpu.memref_slice %arg9[%dma_start3A_184] : memref<1024xf32, #tpu.memory_space<vmem>> -> memref<128xf32, #tpu.memory_space<vmem>>
    %dma_start3A_186 = tpu.memref_slice %arg6[%multiple_of3A_183] : memref<7372800xf32, #tpu.memory_space<hbm>> -> memref<128xf32, #tpu.memory_space<hbm>>
    %dma_start3A_187 = arith.constant 256 : i32
    %dma_start3A_188 = tpu.memref_slice %arg9[%dma_start3A_187] : memref<1024xf32, #tpu.memory_space<vmem>> -> memref<128xf32, #tpu.memory_space<vmem>>
    %dma_start3A_189 = tpu.memref_slice %arg6[%multiple_of3A_183] : memref<7372800xf32, #tpu.memory_space<hbm>> -> memref<128xf32, #tpu.memory_space<hbm>>
    tpu.enqueue_dma source(%dma_start3A_189 : memref<128xf32, #tpu.memory_space<hbm>>) target(%dma_start3A_188 : memref<128xf32, #tpu.memory_space<vmem>>) target_semaphore(%arg16 : memref<!tpu.dma_semaphore, #tpu.memory_space<semaphore_mem>>)
    %add3A_190 = arith.constant 2457600 : i32
    %add3A_191 = arith.addi %add3A_190, %mul3A_2 : i32
    %multiple_of3A_192 = tpu.assume_multiple %add3A_191, 128 : i32
    %dma_start3A_193 = arith.constant 384 : i32
    %dma_start3A_194 = tpu.memref_slice %arg9[%dma_start3A_193] : memref<1024xf32, #tpu.memory_space<vmem>> -> memref<128xf32, #tpu.memory_space<vmem>>
    %dma_start3A_195 = tpu.memref_slice %arg6[%multiple_of3A_192] : memref<7372800xf32, #tpu.memory_space<hbm>> -> memref<128xf32, #tpu.memory_space<hbm>>
    %dma_start3A_196 = arith.constant 384 : i32
    %dma_start3A_197 = tpu.memref_slice %arg9[%dma_start3A_196] : memref<1024xf32, #tpu.memory_space<vmem>> -> memref<128xf32, #tpu.memory_space<vmem>>
    %dma_start3A_198 = tpu.memref_slice %arg6[%multiple_of3A_192] : memref<7372800xf32, #tpu.memory_space<hbm>> -> memref<128xf32, #tpu.memory_space<hbm>>
    tpu.enqueue_dma source(%dma_start3A_198 : memref<128xf32, #tpu.memory_space<hbm>>) target(%dma_start3A_197 : memref<128xf32, #tpu.memory_space<vmem>>) target_semaphore(%arg16 : memref<!tpu.dma_semaphore, #tpu.memory_space<semaphore_mem>>)
    %add3A_199 = arith.constant 3276800 : i32
    %add3A_200 = arith.addi %add3A_199, %mul3A_2 : i32
    %multiple_of3A_201 = tpu.assume_multiple %add3A_200, 128 : i32
    %dma_start3A_202 = arith.constant 512 : i32
    %dma_start3A_203 = tpu.memref_slice %arg9[%dma_start3A_202] : memref<1024xf32, #tpu.memory_space<vmem>> -> memref<128xf32, #tpu.memory_space<vmem>>
    %dma_start3A_204 = tpu.memref_slice %arg6[%multiple_of3A_201] : memref<7372800xf32, #tpu.memory_space<hbm>> -> memref<128xf32, #tpu.memory_space<hbm>>
    %dma_start3A_205 = arith.constant 512 : i32
    %dma_start3A_206 = tpu.memref_slice %arg9[%dma_start3A_205] : memref<1024xf32, #tpu.memory_space<vmem>> -> memref<128xf32, #tpu.memory_space<vmem>>
    %dma_start3A_207 = tpu.memref_slice %arg6[%multiple_of3A_201] : memref<7372800xf32, #tpu.memory_space<hbm>> -> memref<128xf32, #tpu.memory_space<hbm>>
    tpu.enqueue_dma source(%dma_start3A_207 : memref<128xf32, #tpu.memory_space<hbm>>) target(%dma_start3A_206 : memref<128xf32, #tpu.memory_space<vmem>>) target_semaphore(%arg16 : memref<!tpu.dma_semaphore, #tpu.memory_space<semaphore_mem>>)
    %add3A_208 = arith.constant 4096000 : i32
    %add3A_209 = arith.addi %add3A_208, %mul3A_2 : i32
    %multiple_of3A_210 = tpu.assume_multiple %add3A_209, 128 : i32
    %dma_start3A_211 = arith.constant 640 : i32
    %dma_start3A_212 = tpu.memref_slice %arg9[%dma_start3A_211] : memref<1024xf32, #tpu.memory_space<vmem>> -> memref<128xf32, #tpu.memory_space<vmem>>
    %dma_start3A_213 = tpu.memref_slice %arg6[%multiple_of3A_210] : memref<7372800xf32, #tpu.memory_space<hbm>> -> memref<128xf32, #tpu.memory_space<hbm>>
    %dma_start3A_214 = arith.constant 640 : i32
    %dma_start3A_215 = tpu.memref_slice %arg9[%dma_start3A_214] : memref<1024xf32, #tpu.memory_space<vmem>> -> memref<128xf32, #tpu.memory_space<vmem>>
    %dma_start3A_216 = tpu.memref_slice %arg6[%multiple_of3A_210] : memref<7372800xf32, #tpu.memory_space<hbm>> -> memref<128xf32, #tpu.memory_space<hbm>>
    tpu.enqueue_dma source(%dma_start3A_216 : memref<128xf32, #tpu.memory_space<hbm>>) target(%dma_start3A_215 : memref<128xf32, #tpu.memory_space<vmem>>) target_semaphore(%arg16 : memref<!tpu.dma_semaphore, #tpu.memory_space<semaphore_mem>>)
    %add3A_217 = arith.constant 4915200 : i32
    %add3A_218 = arith.addi %add3A_217, %mul3A_2 : i32
    %multiple_of3A_219 = tpu.assume_multiple %add3A_218, 128 : i32
    %dma_start3A_220 = arith.constant 768 : i32
    %dma_start3A_221 = tpu.memref_slice %arg9[%dma_start3A_220] : memref<1024xf32, #tpu.memory_space<vmem>> -> memref<128xf32, #tpu.memory_space<vmem>>
    %dma_start3A_222 = tpu.memref_slice %arg6[%multiple_of3A_219] : memref<7372800xf32, #tpu.memory_space<hbm>> -> memref<128xf32, #tpu.memory_space<hbm>>
    %dma_start3A_223 = arith.constant 768 : i32
    %dma_start3A_224 = tpu.memref_slice %arg9[%dma_start3A_223] : memref<1024xf32, #tpu.memory_space<vmem>> -> memref<128xf32, #tpu.memory_space<vmem>>
    %dma_start3A_225 = tpu.memref_slice %arg6[%multiple_of3A_219] : memref<7372800xf32, #tpu.memory_space<hbm>> -> memref<128xf32, #tpu.memory_space<hbm>>
    tpu.enqueue_dma source(%dma_start3A_225 : memref<128xf32, #tpu.memory_space<hbm>>) target(%dma_start3A_224 : memref<128xf32, #tpu.memory_space<vmem>>) target_semaphore(%arg16 : memref<!tpu.dma_semaphore, #tpu.memory_space<semaphore_mem>>)
    %add3A_226 = arith.constant 5734400 : i32
    %add3A_227 = arith.addi %add3A_226, %mul3A_2 : i32
    %multiple_of3A_228 = tpu.assume_multiple %add3A_227, 128 : i32
    %dma_start3A_229 = arith.constant 896 : i32
    %dma_start3A_230 = tpu.memref_slice %arg9[%dma_start3A_229] : memref<1024xf32, #tpu.memory_space<vmem>> -> memref<128xf32, #tpu.memory_space<vmem>>
    %dma_start3A_231 = tpu.memref_slice %arg6[%multiple_of3A_228] : memref<7372800xf32, #tpu.memory_space<hbm>> -> memref<128xf32, #tpu.memory_space<hbm>>
    %dma_start3A_232 = arith.constant 896 : i32
    %dma_start3A_233 = tpu.memref_slice %arg9[%dma_start3A_232] : memref<1024xf32, #tpu.memory_space<vmem>> -> memref<128xf32, #tpu.memory_space<vmem>>
    %dma_start3A_234 = tpu.memref_slice %arg6[%multiple_of3A_228] : memref<7372800xf32, #tpu.memory_space<hbm>> -> memref<128xf32, #tpu.memory_space<hbm>>
    tpu.enqueue_dma source(%dma_start3A_234 : memref<128xf32, #tpu.memory_space<hbm>>) target(%dma_start3A_233 : memref<128xf32, #tpu.memory_space<vmem>>) target_semaphore(%arg16 : memref<!tpu.dma_semaphore, #tpu.memory_space<semaphore_mem>>)
    %dma_wait3A = arith.constant 0 : i32
    %dma_wait3A_235 = tpu.memref_slice %arg9[%dma_wait3A] : memref<1024xf32, #tpu.memory_space<vmem>> -> memref<128xf32, #tpu.memory_space<vmem>>
    %dma_wait3A_236 = tpu.memref_slice %arg6[%multiple_of3A] : memref<7372800xf32, #tpu.memory_space<hbm>> -> memref<128xf32, #tpu.memory_space<hbm>>
    %dma_wait3A_237 = arith.constant 0 : i32
    %dma_wait3A_238 = tpu.memref_slice %arg9[%dma_wait3A_237] : memref<1024xf32, #tpu.memory_space<vmem>> -> memref<128xf32, #tpu.memory_space<vmem>>
    %dma_wait3A_239 = tpu.memref_slice %arg6[%multiple_of3A] : memref<7372800xf32, #tpu.memory_space<hbm>> -> memref<128xf32, #tpu.memory_space<hbm>>
    tpu.wait_dma2 semaphore(%arg16 : memref<!tpu.dma_semaphore, #tpu.memory_space<semaphore_mem>>) src(%dma_wait3A_239 : memref<128xf32, #tpu.memory_space<hbm>>) dst(%dma_wait3A_238 : memref<128xf32, #tpu.memory_space<vmem>>)
    %dma_wait3A_240 = arith.constant 128 : i32
    %dma_wait3A_241 = tpu.memref_slice %arg9[%dma_wait3A_240] : memref<1024xf32, #tpu.memory_space<vmem>> -> memref<128xf32, #tpu.memory_space<vmem>>
    %dma_wait3A_242 = tpu.memref_slice %arg6[%multiple_of3A_174] : memref<7372800xf32, #tpu.memory_space<hbm>> -> memref<128xf32, #tpu.memory_space<hbm>>
    %dma_wait3A_243 = arith.constant 128 : i32
    %dma_wait3A_244 = tpu.memref_slice %arg9[%dma_wait3A_243] : memref<1024xf32, #tpu.memory_space<vmem>> -> memref<128xf32, #tpu.memory_space<vmem>>
    %dma_wait3A_245 = tpu.memref_slice %arg6[%multiple_of3A_174] : memref<7372800xf32, #tpu.memory_space<hbm>> -> memref<128xf32, #tpu.memory_space<hbm>>
    tpu.wait_dma2 semaphore(%arg16 : memref<!tpu.dma_semaphore, #tpu.memory_space<semaphore_mem>>) src(%dma_wait3A_245 : memref<128xf32, #tpu.memory_space<hbm>>) dst(%dma_wait3A_244 : memref<128xf32, #tpu.memory_space<vmem>>)
    %dma_wait3A_246 = arith.constant 256 : i32
    %dma_wait3A_247 = tpu.memref_slice %arg9[%dma_wait3A_246] : memref<1024xf32, #tpu.memory_space<vmem>> -> memref<128xf32, #tpu.memory_space<vmem>>
    %dma_wait3A_248 = tpu.memref_slice %arg6[%multiple_of3A_183] : memref<7372800xf32, #tpu.memory_space<hbm>> -> memref<128xf32, #tpu.memory_space<hbm>>
    %dma_wait3A_249 = arith.constant 256 : i32
    %dma_wait3A_250 = tpu.memref_slice %arg9[%dma_wait3A_249] : memref<1024xf32, #tpu.memory_space<vmem>> -> memref<128xf32, #tpu.memory_space<vmem>>
    %dma_wait3A_251 = tpu.memref_slice %arg6[%multiple_of3A_183] : memref<7372800xf32, #tpu.memory_space<hbm>> -> memref<128xf32, #tpu.memory_space<hbm>>
    tpu.wait_dma2 semaphore(%arg16 : memref<!tpu.dma_semaphore, #tpu.memory_space<semaphore_mem>>) src(%dma_wait3A_251 : memref<128xf32, #tpu.memory_space<hbm>>) dst(%dma_wait3A_250 : memref<128xf32, #tpu.memory_space<vmem>>)
    %dma_wait3A_252 = arith.constant 384 : i32
    %dma_wait3A_253 = tpu.memref_slice %arg9[%dma_wait3A_252] : memref<1024xf32, #tpu.memory_space<vmem>> -> memref<128xf32, #tpu.memory_space<vmem>>
    %dma_wait3A_254 = tpu.memref_slice %arg6[%multiple_of3A_192] : memref<7372800xf32, #tpu.memory_space<hbm>> -> memref<128xf32, #tpu.memory_space<hbm>>
    %dma_wait3A_255 = arith.constant 384 : i32
    %dma_wait3A_256 = tpu.memref_slice %arg9[%dma_wait3A_255] : memref<1024xf32, #tpu.memory_space<vmem>> -> memref<128xf32, #tpu.memory_space<vmem>>
    %dma_wait3A_257 = tpu.memref_slice %arg6[%multiple_of3A_192] : memref<7372800xf32, #tpu.memory_space<hbm>> -> memref<128xf32, #tpu.memory_space<hbm>>
    tpu.wait_dma2 semaphore(%arg16 : memref<!tpu.dma_semaphore, #tpu.memory_space<semaphore_mem>>) src(%dma_wait3A_257 : memref<128xf32, #tpu.memory_space<hbm>>) dst(%dma_wait3A_256 : memref<128xf32, #tpu.memory_space<vmem>>)
    %dma_wait3A_258 = arith.constant 512 : i32
    %dma_wait3A_259 = tpu.memref_slice %arg9[%dma_wait3A_258] : memref<1024xf32, #tpu.memory_space<vmem>> -> memref<128xf32, #tpu.memory_space<vmem>>
    %dma_wait3A_260 = tpu.memref_slice %arg6[%multiple_of3A_201] : memref<7372800xf32, #tpu.memory_space<hbm>> -> memref<128xf32, #tpu.memory_space<hbm>>
    %dma_wait3A_261 = arith.constant 512 : i32
    %dma_wait3A_262 = tpu.memref_slice %arg9[%dma_wait3A_261] : memref<1024xf32, #tpu.memory_space<vmem>> -> memref<128xf32, #tpu.memory_space<vmem>>
    %dma_wait3A_263 = tpu.memref_slice %arg6[%multiple_of3A_201] : memref<7372800xf32, #tpu.memory_space<hbm>> -> memref<128xf32, #tpu.memory_space<hbm>>
    tpu.wait_dma2 semaphore(%arg16 : memref<!tpu.dma_semaphore, #tpu.memory_space<semaphore_mem>>) src(%dma_wait3A_263 : memref<128xf32, #tpu.memory_space<hbm>>) dst(%dma_wait3A_262 : memref<128xf32, #tpu.memory_space<vmem>>)
    %dma_wait3A_264 = arith.constant 640 : i32
    %dma_wait3A_265 = tpu.memref_slice %arg9[%dma_wait3A_264] : memref<1024xf32, #tpu.memory_space<vmem>> -> memref<128xf32, #tpu.memory_space<vmem>>
    %dma_wait3A_266 = tpu.memref_slice %arg6[%multiple_of3A_210] : memref<7372800xf32, #tpu.memory_space<hbm>> -> memref<128xf32, #tpu.memory_space<hbm>>
    %dma_wait3A_267 = arith.constant 640 : i32
    %dma_wait3A_268 = tpu.memref_slice %arg9[%dma_wait3A_267] : memref<1024xf32, #tpu.memory_space<vmem>> -> memref<128xf32, #tpu.memory_space<vmem>>
    %dma_wait3A_269 = tpu.memref_slice %arg6[%multiple_of3A_210] : memref<7372800xf32, #tpu.memory_space<hbm>> -> memref<128xf32, #tpu.memory_space<hbm>>
    tpu.wait_dma2 semaphore(%arg16 : memref<!tpu.dma_semaphore, #tpu.memory_space<semaphore_mem>>) src(%dma_wait3A_269 : memref<128xf32, #tpu.memory_space<hbm>>) dst(%dma_wait3A_268 : memref<128xf32, #tpu.memory_space<vmem>>)
    %dma_wait3A_270 = arith.constant 768 : i32
    %dma_wait3A_271 = tpu.memref_slice %arg9[%dma_wait3A_270] : memref<1024xf32, #tpu.memory_space<vmem>> -> memref<128xf32, #tpu.memory_space<vmem>>
    %dma_wait3A_272 = tpu.memref_slice %arg6[%multiple_of3A_219] : memref<7372800xf32, #tpu.memory_space<hbm>> -> memref<128xf32, #tpu.memory_space<hbm>>
    %dma_wait3A_273 = arith.constant 768 : i32
    %dma_wait3A_274 = tpu.memref_slice %arg9[%dma_wait3A_273] : memref<1024xf32, #tpu.memory_space<vmem>> -> memref<128xf32, #tpu.memory_space<vmem>>
    %dma_wait3A_275 = tpu.memref_slice %arg6[%multiple_of3A_219] : memref<7372800xf32, #tpu.memory_space<hbm>> -> memref<128xf32, #tpu.memory_space<hbm>>
    tpu.wait_dma2 semaphore(%arg16 : memref<!tpu.dma_semaphore, #tpu.memory_space<semaphore_mem>>) src(%dma_wait3A_275 : memref<128xf32, #tpu.memory_space<hbm>>) dst(%dma_wait3A_274 : memref<128xf32, #tpu.memory_space<vmem>>)
    %dma_wait3A_276 = arith.constant 896 : i32
    %dma_wait3A_277 = tpu.memref_slice %arg9[%dma_wait3A_276] : memref<1024xf32, #tpu.memory_space<vmem>> -> memref<128xf32, #tpu.memory_space<vmem>>
    %dma_wait3A_278 = tpu.memref_slice %arg6[%multiple_of3A_228] : memref<7372800xf32, #tpu.memory_space<hbm>> -> memref<128xf32, #tpu.memory_space<hbm>>
    %dma_wait3A_279 = arith.constant 896 : i32
    %dma_wait3A_280 = tpu.memref_slice %arg9[%dma_wait3A_279] : memref<1024xf32, #tpu.memory_space<vmem>> -> memref<128xf32, #tpu.memory_space<vmem>>
    %dma_wait3A_281 = tpu.memref_slice %arg6[%multiple_of3A_228] : memref<7372800xf32, #tpu.memory_space<hbm>> -> memref<128xf32, #tpu.memory_space<hbm>>
    tpu.wait_dma2 semaphore(%arg16 : memref<!tpu.dma_semaphore, #tpu.memory_space<semaphore_mem>>) src(%dma_wait3A_281 : memref<128xf32, #tpu.memory_space<hbm>>) dst(%dma_wait3A_280 : memref<128xf32, #tpu.memory_space<vmem>>)
    %get3A_282 = arith.constant 512 : index
    %get3A_283 = tpu.vector_load %arg9[%get3A_282] {strides = array<i32>} : memref<1024xf32, #tpu.memory_space<vmem>>, vector<16xf32>,
    %convert_element_type3A = arith.fptosi %get3A_283 : vector<16xf32> to vector<16xi32>
    %swap3A = arith.constant 0 : i32
    %swap3A_284 = arith.index_cast %swap3A : i32 to index
    %swap3A_285 = arith.constant 0 : index
    %swap3A_286 = tpu.vector_load %arg11[%swap3A_284, %swap3A_285] {strides = array<i32>} : memref<5x128xi32, #tpu.memory_space<vmem>>, vector<16xi32>,
    tpu.vector_store %arg11[%swap3A_284, %swap3A_285], %convert_element_type3A {strides = array<i32>} : memref<5x128xi32, #tpu.memory_space<vmem>>, vector<16xi32>,
    %get3A_287 = arith.constant 528 : index
    %get3A_288 = tpu.vector_load %arg9[%get3A_287] {strides = array<i32>} : memref<1024xf32, #tpu.memory_space<vmem>>, vector<16xf32>,
    %convert_element_type3A_289 = arith.fptosi %get3A_288 : vector<16xf32> to vector<16xi32>
    %swap3A_290 = arith.constant 0 : i32
    %swap3A_291 = arith.index_cast %swap3A_290 : i32 to index
    %swap3A_292 = arith.constant 16 : index
    %swap3A_293 = tpu.vector_load %arg11[%swap3A_291, %swap3A_292] {strides = array<i32>} : memref<5x128xi32, #tpu.memory_space<vmem>>, vector<16xi32>,
    tpu.vector_store %arg11[%swap3A_291, %swap3A_292], %convert_element_type3A_289 {strides = array<i32>} : memref<5x128xi32, #tpu.memory_space<vmem>>, vector<16xi32>,
    %get3A_294 = arith.constant 544 : index
    %get3A_295 = tpu.vector_load %arg9[%get3A_294] {strides = array<i32>} : memref<1024xf32, #tpu.memory_space<vmem>>, vector<16xf32>,
    %convert_element_type3A_296 = arith.fptosi %get3A_295 : vector<16xf32> to vector<16xi32>
    %swap3A_297 = arith.constant 0 : i32
    %swap3A_298 = arith.index_cast %swap3A_297 : i32 to index
    %swap3A_299 = arith.constant 32 : index
    %swap3A_300 = tpu.vector_load %arg11[%swap3A_298, %swap3A_299] {strides = array<i32>} : memref<5x128xi32, #tpu.memory_space<vmem>>, vector<16xi32>,
    tpu.vector_store %arg11[%swap3A_298, %swap3A_299], %convert_element_type3A_296 {strides = array<i32>} : memref<5x128xi32, #tpu.memory_space<vmem>>, vector<16xi32>,
    %get3A_301 = arith.constant 560 : index
    %get3A_302 = tpu.vector_load %arg9[%get3A_301] {strides = array<i32>} : memref<1024xf32, #tpu.memory_space<vmem>>, vector<16xf32>,
    %convert_element_type3A_303 = arith.fptosi %get3A_302 : vector<16xf32> to vector<16xi32>
    %swap3A_304 = arith.constant 0 : i32
    %swap3A_305 = arith.index_cast %swap3A_304 : i32 to index
    %swap3A_306 = arith.constant 48 : index
    %swap3A_307 = tpu.vector_load %arg11[%swap3A_305, %swap3A_306] {strides = array<i32>} : memref<5x128xi32, #tpu.memory_space<vmem>>, vector<16xi32>,
    tpu.vector_store %arg11[%swap3A_305, %swap3A_306], %convert_element_type3A_303 {strides = array<i32>} : memref<5x128xi32, #tpu.memory_space<vmem>>, vector<16xi32>,
    %get3A_308 = arith.constant 576 : index
    %get3A_309 = tpu.vector_load %arg9[%get3A_308] {strides = array<i32>} : memref<1024xf32, #tpu.memory_space<vmem>>, vector<16xf32>,
    %convert_element_type3A_310 = arith.fptosi %get3A_309 : vector<16xf32> to vector<16xi32>
    %swap3A_311 = arith.constant 0 : i32
    %swap3A_312 = arith.index_cast %swap3A_311 : i32 to index
    %swap3A_313 = arith.constant 64 : index
    %swap3A_314 = tpu.vector_load %arg11[%swap3A_312, %swap3A_313] {strides = array<i32>} : memref<5x128xi32, #tpu.memory_space<vmem>>, vector<16xi32>,
    tpu.vector_store %arg11[%swap3A_312, %swap3A_313], %convert_element_type3A_310 {strides = array<i32>} : memref<5x128xi32, #tpu.memory_space<vmem>>, vector<16xi32>,
    %get3A_315 = arith.constant 592 : index
    %get3A_316 = tpu.vector_load %arg9[%get3A_315] {strides = array<i32>} : memref<1024xf32, #tpu.memory_space<vmem>>, vector<16xf32>,
    %convert_element_type3A_317 = arith.fptosi %get3A_316 : vector<16xf32> to vector<16xi32>
    %swap3A_318 = arith.constant 0 : i32
    %swap3A_319 = arith.index_cast %swap3A_318 : i32 to index
    %swap3A_320 = arith.constant 80 : index
    %swap3A_321 = tpu.vector_load %arg11[%swap3A_319, %swap3A_320] {strides = array<i32>} : memref<5x128xi32, #tpu.memory_space<vmem>>, vector<16xi32>,
    tpu.vector_store %arg11[%swap3A_319, %swap3A_320], %convert_element_type3A_317 {strides = array<i32>} : memref<5x128xi32, #tpu.memory_space<vmem>>, vector<16xi32>,
    %get3A_322 = arith.constant 608 : index
    %get3A_323 = tpu.vector_load %arg9[%get3A_322] {strides = array<i32>} : memref<1024xf32, #tpu.memory_space<vmem>>, vector<16xf32>,
    %convert_element_type3A_324 = arith.fptosi %get3A_323 : vector<16xf32> to vector<16xi32>
    %swap3A_325 = arith.constant 0 : i32
    %swap3A_326 = arith.index_cast %swap3A_325 : i32 to index
    %swap3A_327 = arith.constant 96 : index
    %swap3A_328 = tpu.vector_load %arg11[%swap3A_326, %swap3A_327] {strides = array<i32>} : memref<5x128xi32, #tpu.memory_space<vmem>>, vector<16xi32>,
    tpu.vector_store %arg11[%swap3A_326, %swap3A_327], %convert_element_type3A_324 {strides = array<i32>} : memref<5x128xi32, #tpu.memory_space<vmem>>, vector<16xi32>,
    %get3A_329 = arith.constant 624 : index
    %get3A_330 = tpu.vector_load %arg9[%get3A_329] {strides = array<i32>} : memref<1024xf32, #tpu.memory_space<vmem>>, vector<16xf32>,
    %convert_element_type3A_331 = arith.fptosi %get3A_330 : vector<16xf32> to vector<16xi32>
    %swap3A_332 = arith.constant 0 : i32
    %swap3A_333 = arith.index_cast %swap3A_332 : i32 to index
    %swap3A_334 = arith.constant 112 : index
    %swap3A_335 = tpu.vector_load %arg11[%swap3A_333, %swap3A_334] {strides = array<i32>} : memref<5x128xi32, #tpu.memory_space<vmem>>, vector<16xi32>,
    tpu.vector_store %arg11[%swap3A_333, %swap3A_334], %convert_element_type3A_331 {strides = array<i32>} : memref<5x128xi32, #tpu.memory_space<vmem>>, vector<16xi32>,
    %get3A_336 = arith.constant 640 : index
    %get3A_337 = tpu.vector_load %arg9[%get3A_336] {strides = array<i32>} : memref<1024xf32, #tpu.memory_space<vmem>>, vector<16xf32>,
    %convert_element_type3A_338 = arith.fptosi %get3A_337 : vector<16xf32> to vector<16xi32>
    %swap3A_339 = arith.constant 1 : i32
    %swap3A_340 = arith.index_cast %swap3A_339 : i32 to index
    %swap3A_341 = arith.constant 0 : index
    %swap3A_342 = tpu.vector_load %arg11[%swap3A_340, %swap3A_341] {strides = array<i32>} : memref<5x128xi32, #tpu.memory_space<vmem>>, vector<16xi32>,
    tpu.vector_store %arg11[%swap3A_340, %swap3A_341], %convert_element_type3A_338 {strides = array<i32>} : memref<5x128xi32, #tpu.memory_space<vmem>>, vector<16xi32>,
    %get3A_343 = arith.constant 656 : index
    %get3A_344 = tpu.vector_load %arg9[%get3A_343] {strides = array<i32>} : memref<1024xf32, #tpu.memory_space<vmem>>, vector<16xf32>,
    %convert_element_type3A_345 = arith.fptosi %get3A_344 : vector<16xf32> to vector<16xi32>
    %swap3A_346 = arith.constant 1 : i32
    %swap3A_347 = arith.index_cast %swap3A_346 : i32 to index
    %swap3A_348 = arith.constant 16 : index
    %swap3A_349 = tpu.vector_load %arg11[%swap3A_347, %swap3A_348] {strides = array<i32>} : memref<5x128xi32, #tpu.memory_space<vmem>>, vector<16xi32>,
    tpu.vector_store %arg11[%swap3A_347, %swap3A_348], %convert_element_type3A_345 {strides = array<i32>} : memref<5x128xi32, #tpu.memory_space<vmem>>, vector<16xi32>,
    %get3A_350 = arith.constant 672 : index
    %get3A_351 = tpu.vector_load %arg9[%get3A_350] {strides = array<i32>} : memref<1024xf32, #tpu.memory_space<vmem>>, vector<16xf32>,
    %convert_element_type3A_352 = arith.fptosi %get3A_351 : vector<16xf32> to vector<16xi32>
    %swap3A_353 = arith.constant 1 : i32
    %swap3A_354 = arith.index_cast %swap3A_353 : i32 to index
    %swap3A_355 = arith.constant 32 : index
    %swap3A_356 = tpu.vector_load %arg11[%swap3A_354, %swap3A_355] {strides = array<i32>} : memref<5x128xi32, #tpu.memory_space<vmem>>, vector<16xi32>,
    tpu.vector_store %arg11[%swap3A_354, %swap3A_355], %convert_element_type3A_352 {strides = array<i32>} : memref<5x128xi32, #tpu.memory_space<vmem>>, vector<16xi32>,
    %get3A_357 = arith.constant 688 : index
    %get3A_358 = tpu.vector_load %arg9[%get3A_357] {strides = array<i32>} : memref<1024xf32, #tpu.memory_space<vmem>>, vector<16xf32>,
    %convert_element_type3A_359 = arith.fptosi %get3A_358 : vector<16xf32> to vector<16xi32>
    %swap3A_360 = arith.constant 1 : i32
    %swap3A_361 = arith.index_cast %swap3A_360 : i32 to index
    %swap3A_362 = arith.constant 48 : index
    %swap3A_363 = tpu.vector_load %arg11[%swap3A_361, %swap3A_362] {strides = array<i32>} : memref<5x128xi32, #tpu.memory_space<vmem>>, vector<16xi32>,
    tpu.vector_store %arg11[%swap3A_361, %swap3A_362], %convert_element_type3A_359 {strides = array<i32>} : memref<5x128xi32, #tpu.memory_space<vmem>>, vector<16xi32>,
    %get3A_364 = arith.constant 704 : index
    %get3A_365 = tpu.vector_load %arg9[%get3A_364] {strides = array<i32>} : memref<1024xf32, #tpu.memory_space<vmem>>, vector<16xf32>,
    %convert_element_type3A_366 = arith.fptosi %get3A_365 : vector<16xf32> to vector<16xi32>
    %swap3A_367 = arith.constant 1 : i32
    %swap3A_368 = arith.index_cast %swap3A_367 : i32 to index
    %swap3A_369 = arith.constant 64 : index
    %swap3A_370 = tpu.vector_load %arg11[%swap3A_368, %swap3A_369] {strides = array<i32>} : memref<5x128xi32, #tpu.memory_space<vmem>>, vector<16xi32>,
    tpu.vector_store %arg11[%swap3A_368, %swap3A_369], %convert_element_type3A_366 {strides = array<i32>} : memref<5x128xi32, #tpu.memory_space<vmem>>, vector<16xi32>,
    %get3A_371 = arith.constant 720 : index
    %get3A_372 = tpu.vector_load %arg9[%get3A_371] {strides = array<i32>} : memref<1024xf32, #tpu.memory_space<vmem>>, vector<16xf32>,
    %convert_element_type3A_373 = arith.fptosi %get3A_372 : vector<16xf32> to vector<16xi32>
    %swap3A_374 = arith.constant 1 : i32
    %swap3A_375 = arith.index_cast %swap3A_374 : i32 to index
    %swap3A_376 = arith.constant 80 : index
    %swap3A_377 = tpu.vector_load %arg11[%swap3A_375, %swap3A_376] {strides = array<i32>} : memref<5x128xi32, #tpu.memory_space<vmem>>, vector<16xi32>,
    tpu.vector_store %arg11[%swap3A_375, %swap3A_376], %convert_element_type3A_373 {strides = array<i32>} : memref<5x128xi32, #tpu.memory_space<vmem>>, vector<16xi32>,
    %get3A_378 = arith.constant 736 : index
    %get3A_379 = tpu.vector_load %arg9[%get3A_378] {strides = array<i32>} : memref<1024xf32, #tpu.memory_space<vmem>>, vector<16xf32>,
    %convert_element_type3A_380 = arith.fptosi %get3A_379 : vector<16xf32> to vector<16xi32>
    %swap3A_381 = arith.constant 1 : i32
    %swap3A_382 = arith.index_cast %swap3A_381 : i32 to index
    %swap3A_383 = arith.constant 96 : index
    %swap3A_384 = tpu.vector_load %arg11[%swap3A_382, %swap3A_383] {strides = array<i32>} : memref<5x128xi32, #tpu.memory_space<vmem>>, vector<16xi32>,
    tpu.vector_store %arg11[%swap3A_382, %swap3A_383], %convert_element_type3A_380 {strides = array<i32>} : memref<5x128xi32, #tpu.memory_space<vmem>>, vector<16xi32>,
    %get3A_385 = arith.constant 752 : index
    %get3A_386 = tpu.vector_load %arg9[%get3A_385] {strides = array<i32>} : memref<1024xf32, #tpu.memory_space<vmem>>, vector<16xf32>,
    %convert_element_type3A_387 = arith.fptosi %get3A_386 : vector<16xf32> to vector<16xi32>
    %swap3A_388 = arith.constant 1 : i32
    %swap3A_389 = arith.index_cast %swap3A_388 : i32 to index
    %swap3A_390 = arith.constant 112 : index
    %swap3A_391 = tpu.vector_load %arg11[%swap3A_389, %swap3A_390] {strides = array<i32>} : memref<5x128xi32, #tpu.memory_space<vmem>>, vector<16xi32>,
    tpu.vector_store %arg11[%swap3A_389, %swap3A_390], %convert_element_type3A_387 {strides = array<i32>} : memref<5x128xi32, #tpu.memory_space<vmem>>, vector<16xi32>,
    %get3A_392 = arith.constant 768 : index
    %get3A_393 = tpu.vector_load %arg9[%get3A_392] {strides = array<i32>} : memref<1024xf32, #tpu.memory_space<vmem>>, vector<16xf32>,
    %convert_element_type3A_394 = arith.fptosi %get3A_393 : vector<16xf32> to vector<16xi32>
    %swap3A_395 = arith.constant 2 : i32
    %swap3A_396 = arith.index_cast %swap3A_395 : i32 to index
    %swap3A_397 = arith.constant 0 : index
    %swap3A_398 = tpu.vector_load %arg11[%swap3A_396, %swap3A_397] {strides = array<i32>} : memref<5x128xi32, #tpu.memory_space<vmem>>, vector<16xi32>,
    tpu.vector_store %arg11[%swap3A_396, %swap3A_397], %convert_element_type3A_394 {strides = array<i32>} : memref<5x128xi32, #tpu.memory_space<vmem>>, vector<16xi32>,
    %get3A_399 = arith.constant 784 : index
    %get3A_400 = tpu.vector_load %arg9[%get3A_399] {strides = array<i32>} : memref<1024xf32, #tpu.memory_space<vmem>>, vector<16xf32>,
    %convert_element_type3A_401 = arith.fptosi %get3A_400 : vector<16xf32> to vector<16xi32>
    %swap3A_402 = arith.constant 2 : i32
    %swap3A_403 = arith.index_cast %swap3A_402 : i32 to index
    %swap3A_404 = arith.constant 16 : index
    %swap3A_405 = tpu.vector_load %arg11[%swap3A_403, %swap3A_404] {strides = array<i32>} : memref<5x128xi32, #tpu.memory_space<vmem>>, vector<16xi32>,
    tpu.vector_store %arg11[%swap3A_403, %swap3A_404], %convert_element_type3A_401 {strides = array<i32>} : memref<5x128xi32, #tpu.memory_space<vmem>>, vector<16xi32>,
    %get3A_406 = arith.constant 800 : index
    %get3A_407 = tpu.vector_load %arg9[%get3A_406] {strides = array<i32>} : memref<1024xf32, #tpu.memory_space<vmem>>, vector<16xf32>,
    %convert_element_type3A_408 = arith.fptosi %get3A_407 : vector<16xf32> to vector<16xi32>
    %swap3A_409 = arith.constant 2 : i32
    %swap3A_410 = arith.index_cast %swap3A_409 : i32 to index
    %swap3A_411 = arith.constant 32 : index
    %swap3A_412 = tpu.vector_load %arg11[%swap3A_410, %swap3A_411] {strides = array<i32>} : memref<5x128xi32, #tpu.memory_space<vmem>>, vector<16xi32>,
    tpu.vector_store %arg11[%swap3A_410, %swap3A_411], %convert_element_type3A_408 {strides = array<i32>} : memref<5x128xi32, #tpu.memory_space<vmem>>, vector<16xi32>,
    %get3A_413 = arith.constant 816 : index
    %get3A_414 = tpu.vector_load %arg9[%get3A_413] {strides = array<i32>} : memref<1024xf32, #tpu.memory_space<vmem>>, vector<16xf32>,
    %convert_element_type3A_415 = arith.fptosi %get3A_414 : vector<16xf32> to vector<16xi32>
    %swap3A_416 = arith.constant 2 : i32
    %swap3A_417 = arith.index_cast %swap3A_416 : i32 to index
    %swap3A_418 = arith.constant 48 : index
    %swap3A_419 = tpu.vector_load %arg11[%swap3A_417, %swap3A_418] {strides = array<i32>} : memref<5x128xi32, #tpu.memory_space<vmem>>, vector<16xi32>,
    tpu.vector_store %arg11[%swap3A_417, %swap3A_418], %convert_element_type3A_415 {strides = array<i32>} : memref<5x128xi32, #tpu.memory_space<vmem>>, vector<16xi32>,
    %get3A_420 = arith.constant 832 : index
    %get3A_421 = tpu.vector_load %arg9[%get3A_420] {strides = array<i32>} : memref<1024xf32, #tpu.memory_space<vmem>>, vector<16xf32>,
    %convert_element_type3A_422 = arith.fptosi %get3A_421 : vector<16xf32> to vector<16xi32>
    %swap3A_423 = arith.constant 2 : i32
    %swap3A_424 = arith.index_cast %swap3A_423 : i32 to index
    %swap3A_425 = arith.constant 64 : index
    %swap3A_426 = tpu.vector_load %arg11[%swap3A_424, %swap3A_425] {strides = array<i32>} : memref<5x128xi32, #tpu.memory_space<vmem>>, vector<16xi32>,
    tpu.vector_store %arg11[%swap3A_424, %swap3A_425], %convert_element_type3A_422 {strides = array<i32>} : memref<5x128xi32, #tpu.memory_space<vmem>>, vector<16xi32>,
    %get3A_427 = arith.constant 848 : index
    %get3A_428 = tpu.vector_load %arg9[%get3A_427] {strides = array<i32>} : memref<1024xf32, #tpu.memory_space<vmem>>, vector<16xf32>,
    %convert_element_type3A_429 = arith.fptosi %get3A_428 : vector<16xf32> to vector<16xi32>
    %swap3A_430 = arith.constant 2 : i32
    %swap3A_431 = arith.index_cast %swap3A_430 : i32 to index
    %swap3A_432 = arith.constant 80 : index
    %swap3A_433 = tpu.vector_load %arg11[%swap3A_431, %swap3A_432] {strides = array<i32>} : memref<5x128xi32, #tpu.memory_space<vmem>>, vector<16xi32>,
    tpu.vector_store %arg11[%swap3A_431, %swap3A_432], %convert_element_type3A_429 {strides = array<i32>} : memref<5x128xi32, #tpu.memory_space<vmem>>, vector<16xi32>,
    %get3A_434 = arith.constant 864 : index
    %get3A_435 = tpu.vector_load %arg9[%get3A_434] {strides = array<i32>} : memref<1024xf32, #tpu.memory_space<vmem>>, vector<16xf32>,
    %convert_element_type3A_436 = arith.fptosi %get3A_435 : vector<16xf32> to vector<16xi32>
    %swap3A_437 = arith.constant 2 : i32
    %swap3A_438 = arith.index_cast %swap3A_437 : i32 to index
    %swap3A_439 = arith.constant 96 : index
    %swap3A_440 = tpu.vector_load %arg11[%swap3A_438, %swap3A_439] {strides = array<i32>} : memref<5x128xi32, #tpu.memory_space<vmem>>, vector<16xi32>,
    tpu.vector_store %arg11[%swap3A_438, %swap3A_439], %convert_element_type3A_436 {strides = array<i32>} : memref<5x128xi32, #tpu.memory_space<vmem>>, vector<16xi32>,
    %get3A_441 = arith.constant 880 : index
    %get3A_442 = tpu.vector_load %arg9[%get3A_441] {strides = array<i32>} : memref<1024xf32, #tpu.memory_space<vmem>>, vector<16xf32>,
    %convert_element_type3A_443 = arith.fptosi %get3A_442 : vector<16xf32> to vector<16xi32>
    %swap3A_444 = arith.constant 2 : i32
    %swap3A_445 = arith.index_cast %swap3A_444 : i32 to index
    %swap3A_446 = arith.constant 112 : index
    %swap3A_447 = tpu.vector_load %arg11[%swap3A_445, %swap3A_446] {strides = array<i32>} : memref<5x128xi32, #tpu.memory_space<vmem>>, vector<16xi32>,
    tpu.vector_store %arg11[%swap3A_445, %swap3A_446], %convert_element_type3A_443 {strides = array<i32>} : memref<5x128xi32, #tpu.memory_space<vmem>>, vector<16xi32>,
    %get3A_448 = arith.constant 896 : index
    %get3A_449 = tpu.vector_load %arg9[%get3A_448] {strides = array<i32>} : memref<1024xf32, #tpu.memory_space<vmem>>, vector<16xf32>,
    %convert_element_type3A_450 = arith.fptosi %get3A_449 : vector<16xf32> to vector<16xi32>
    %swap3A_451 = arith.constant 3 : i32
    %swap3A_452 = arith.index_cast %swap3A_451 : i32 to index
    %swap3A_453 = arith.constant 0 : index
    %swap3A_454 = tpu.vector_load %arg11[%swap3A_452, %swap3A_453] {strides = array<i32>} : memref<5x128xi32, #tpu.memory_space<vmem>>, vector<16xi32>,
    tpu.vector_store %arg11[%swap3A_452, %swap3A_453], %convert_element_type3A_450 {strides = array<i32>} : memref<5x128xi32, #tpu.memory_space<vmem>>, vector<16xi32>,
    %get3A_455 = arith.constant 912 : index
    %get3A_456 = tpu.vector_load %arg9[%get3A_455] {strides = array<i32>} : memref<1024xf32, #tpu.memory_space<vmem>>, vector<16xf32>,
    %convert_element_type3A_457 = arith.fptosi %get3A_456 : vector<16xf32> to vector<16xi32>
    %swap3A_458 = arith.constant 3 : i32
    %swap3A_459 = arith.index_cast %swap3A_458 : i32 to index
    %swap3A_460 = arith.constant 16 : index
    %swap3A_461 = tpu.vector_load %arg11[%swap3A_459, %swap3A_460] {strides = array<i32>} : memref<5x128xi32, #tpu.memory_space<vmem>>, vector<16xi32>,
    tpu.vector_store %arg11[%swap3A_459, %swap3A_460], %convert_element_type3A_457 {strides = array<i32>} : memref<5x128xi32, #tpu.memory_space<vmem>>, vector<16xi32>,
    %get3A_462 = arith.constant 928 : index
    %get3A_463 = tpu.vector_load %arg9[%get3A_462] {strides = array<i32>} : memref<1024xf32, #tpu.memory_space<vmem>>, vector<16xf32>,
    %convert_element_type3A_464 = arith.fptosi %get3A_463 : vector<16xf32> to vector<16xi32>
    %swap3A_465 = arith.constant 3 : i32
    %swap3A_466 = arith.index_cast %swap3A_465 : i32 to index
    %swap3A_467 = arith.constant 32 : index
    %swap3A_468 = tpu.vector_load %arg11[%swap3A_466, %swap3A_467] {strides = array<i32>} : memref<5x128xi32, #tpu.memory_space<vmem>>, vector<16xi32>,
    tpu.vector_store %arg11[%swap3A_466, %swap3A_467], %convert_element_type3A_464 {strides = array<i32>} : memref<5x128xi32, #tpu.memory_space<vmem>>, vector<16xi32>,
    %get3A_469 = arith.constant 944 : index
    %get3A_470 = tpu.vector_load %arg9[%get3A_469] {strides = array<i32>} : memref<1024xf32, #tpu.memory_space<vmem>>, vector<16xf32>,
    %convert_element_type3A_471 = arith.fptosi %get3A_470 : vector<16xf32> to vector<16xi32>
    %swap3A_472 = arith.constant 3 : i32
    %swap3A_473 = arith.index_cast %swap3A_472 : i32 to index
    %swap3A_474 = arith.constant 48 : index
    %swap3A_475 = tpu.vector_load %arg11[%swap3A_473, %swap3A_474] {strides = array<i32>} : memref<5x128xi32, #tpu.memory_space<vmem>>, vector<16xi32>,
    tpu.vector_store %arg11[%swap3A_473, %swap3A_474], %convert_element_type3A_471 {strides = array<i32>} : memref<5x128xi32, #tpu.memory_space<vmem>>, vector<16xi32>,
    %get3A_476 = arith.constant 960 : index
    %get3A_477 = tpu.vector_load %arg9[%get3A_476] {strides = array<i32>} : memref<1024xf32, #tpu.memory_space<vmem>>, vector<16xf32>,
    %convert_element_type3A_478 = arith.fptosi %get3A_477 : vector<16xf32> to vector<16xi32>
    %swap3A_479 = arith.constant 3 : i32
    %swap3A_480 = arith.index_cast %swap3A_479 : i32 to index
    %swap3A_481 = arith.constant 64 : index
    %swap3A_482 = tpu.vector_load %arg11[%swap3A_480, %swap3A_481] {strides = array<i32>} : memref<5x128xi32, #tpu.memory_space<vmem>>, vector<16xi32>,
    tpu.vector_store %arg11[%swap3A_480, %swap3A_481], %convert_element_type3A_478 {strides = array<i32>} : memref<5x128xi32, #tpu.memory_space<vmem>>, vector<16xi32>,
    %get3A_483 = arith.constant 976 : index
    %get3A_484 = tpu.vector_load %arg9[%get3A_483] {strides = array<i32>} : memref<1024xf32, #tpu.memory_space<vmem>>, vector<16xf32>,
    %convert_element_type3A_485 = arith.fptosi %get3A_484 : vector<16xf32> to vector<16xi32>
    %swap3A_486 = arith.constant 3 : i32
    %swap3A_487 = arith.index_cast %swap3A_486 : i32 to index
    %swap3A_488 = arith.constant 80 : index
    %swap3A_489 = tpu.vector_load %arg11[%swap3A_487, %swap3A_488] {strides = array<i32>} : memref<5x128xi32, #tpu.memory_space<vmem>>, vector<16xi32>,
    tpu.vector_store %arg11[%swap3A_487, %swap3A_488], %convert_element_type3A_485 {strides = array<i32>} : memref<5x128xi32, #tpu.memory_space<vmem>>, vector<16xi32>,
    %get3A_490 = arith.constant 992 : index
    %get3A_491 = tpu.vector_load %arg9[%get3A_490] {strides = array<i32>} : memref<1024xf32, #tpu.memory_space<vmem>>, vector<16xf32>,
    %convert_element_type3A_492 = arith.fptosi %get3A_491 : vector<16xf32> to vector<16xi32>
    %swap3A_493 = arith.constant 3 : i32
    %swap3A_494 = arith.index_cast %swap3A_493 : i32 to index
    %swap3A_495 = arith.constant 96 : index
    %swap3A_496 = tpu.vector_load %arg11[%swap3A_494, %swap3A_495] {strides = array<i32>} : memref<5x128xi32, #tpu.memory_space<vmem>>, vector<16xi32>,
    tpu.vector_store %arg11[%swap3A_494, %swap3A_495], %convert_element_type3A_492 {strides = array<i32>} : memref<5x128xi32, #tpu.memory_space<vmem>>, vector<16xi32>,
    %get3A_497 = arith.constant 1008 : index
    %get3A_498 = tpu.vector_load %arg9[%get3A_497] {strides = array<i32>} : memref<1024xf32, #tpu.memory_space<vmem>>, vector<16xf32>,
    %convert_element_type3A_499 = arith.fptosi %get3A_498 : vector<16xf32> to vector<16xi32>
    %swap3A_500 = arith.constant 3 : i32
    %swap3A_501 = arith.index_cast %swap3A_500 : i32 to index
    %swap3A_502 = arith.constant 112 : index
    %swap3A_503 = tpu.vector_load %arg11[%swap3A_501, %swap3A_502] {strides = array<i32>} : memref<5x128xi32, #tpu.memory_space<vmem>>, vector<16xi32>,
    tpu.vector_store %arg11[%swap3A_501, %swap3A_502], %convert_element_type3A_499 {strides = array<i32>} : memref<5x128xi32, #tpu.memory_space<vmem>>, vector<16xi32>,
    %add3A_504 = arith.constant 0 : i32
    %add3A_505 = arith.addi %mul3A_2, %add3A_504 : i32
    %mul3A_506 = arith.constant 200 : i32
    %mul3A_507 = arith.muli %add3A_505, %mul3A_506 : i32
    %add3A_508 = arith.constant 0 : i32
    %add3A_509 = arith.addi %mul3A_507, %add3A_508 : i32
    %add3A_510 = vector.broadcast %add3A_509 : i32 to vector<16xi32>
    %add3A_511 = arith.addi %mul3A_5, %add3A_510 : vector<16xi32>
    %swap3A_512 = arith.constant 4 : i32
    %swap3A_513 = arith.index_cast %swap3A_512 : i32 to index
    %swap3A_514 = arith.constant 0 : index
    %swap3A_515 = tpu.vector_load %arg11[%swap3A_513, %swap3A_514] {strides = array<i32>} : memref<5x128xi32, #tpu.memory_space<vmem>>, vector<16xi32>,
    tpu.vector_store %arg11[%swap3A_513, %swap3A_514], %add3A_511 {strides = array<i32>} : memref<5x128xi32, #tpu.memory_space<vmem>>, vector<16xi32>,
    %add3A_516 = arith.constant 16 : i32
    %add3A_517 = arith.addi %mul3A_2, %add3A_516 : i32
    %mul3A_518 = arith.constant 200 : i32
    %mul3A_519 = arith.muli %add3A_517, %mul3A_518 : i32
    %add3A_520 = arith.constant 0 : i32
    %add3A_521 = arith.addi %mul3A_519, %add3A_520 : i32
    %add3A_522 = vector.broadcast %add3A_521 : i32 to vector<16xi32>
    %add3A_523 = arith.addi %mul3A_5, %add3A_522 : vector<16xi32>
    %swap3A_524 = arith.constant 4 : i32
    %swap3A_525 = arith.index_cast %swap3A_524 : i32 to index
    %swap3A_526 = arith.constant 16 : index
    %swap3A_527 = tpu.vector_load %arg11[%swap3A_525, %swap3A_526] {strides = array<i32>} : memref<5x128xi32, #tpu.memory_space<vmem>>, vector<16xi32>,
    tpu.vector_store %arg11[%swap3A_525, %swap3A_526], %add3A_523 {strides = array<i32>} : memref<5x128xi32, #tpu.memory_space<vmem>>, vector<16xi32>,
    %add3A_528 = arith.constant 32 : i32
    %add3A_529 = arith.addi %mul3A_2, %add3A_528 : i32
    %mul3A_530 = arith.constant 200 : i32
    %mul3A_531 = arith.muli %add3A_529, %mul3A_530 : i32
    %add3A_532 = arith.constant 0 : i32
    %add3A_533 = arith.addi %mul3A_531, %add3A_532 : i32
    %add3A_534 = vector.broadcast %add3A_533 : i32 to vector<16xi32>
    %add3A_535 = arith.addi %mul3A_5, %add3A_534 : vector<16xi32>
    %swap3A_536 = arith.constant 4 : i32
    %swap3A_537 = arith.index_cast %swap3A_536 : i32 to index
    %swap3A_538 = arith.constant 32 : index
    %swap3A_539 = tpu.vector_load %arg11[%swap3A_537, %swap3A_538] {strides = array<i32>} : memref<5x128xi32, #tpu.memory_space<vmem>>, vector<16xi32>,
    tpu.vector_store %arg11[%swap3A_537, %swap3A_538], %add3A_535 {strides = array<i32>} : memref<5x128xi32, #tpu.memory_space<vmem>>, vector<16xi32>,
    %add3A_540 = arith.constant 48 : i32
    %add3A_541 = arith.addi %mul3A_2, %add3A_540 : i32
    %mul3A_542 = arith.constant 200 : i32
    %mul3A_543 = arith.muli %add3A_541, %mul3A_542 : i32
    %add3A_544 = arith.constant 0 : i32
    %add3A_545 = arith.addi %mul3A_543, %add3A_544 : i32
    %add3A_546 = vector.broadcast %add3A_545 : i32 to vector<16xi32>
    %add3A_547 = arith.addi %mul3A_5, %add3A_546 : vector<16xi32>
    %swap3A_548 = arith.constant 4 : i32
    %swap3A_549 = arith.index_cast %swap3A_548 : i32 to index
    %swap3A_550 = arith.constant 48 : index
    %swap3A_551 = tpu.vector_load %arg11[%swap3A_549, %swap3A_550] {strides = array<i32>} : memref<5x128xi32, #tpu.memory_space<vmem>>, vector<16xi32>,
    tpu.vector_store %arg11[%swap3A_549, %swap3A_550], %add3A_547 {strides = array<i32>} : memref<5x128xi32, #tpu.memory_space<vmem>>, vector<16xi32>,
    %add3A_552 = arith.constant 64 : i32
    %add3A_553 = arith.addi %mul3A_2, %add3A_552 : i32
    %mul3A_554 = arith.constant 200 : i32
    %mul3A_555 = arith.muli %add3A_553, %mul3A_554 : i32
    %add3A_556 = arith.constant 0 : i32
    %add3A_557 = arith.addi %mul3A_555, %add3A_556 : i32
    %add3A_558 = vector.broadcast %add3A_557 : i32 to vector<16xi32>
    %add3A_559 = arith.addi %mul3A_5, %add3A_558 : vector<16xi32>
    %swap3A_560 = arith.constant 4 : i32
    %swap3A_561 = arith.index_cast %swap3A_560 : i32 to index
    %swap3A_562 = arith.constant 64 : index
    %swap3A_563 = tpu.vector_load %arg11[%swap3A_561, %swap3A_562] {strides = array<i32>} : memref<5x128xi32, #tpu.memory_space<vmem>>, vector<16xi32>,
    tpu.vector_store %arg11[%swap3A_561, %swap3A_562], %add3A_559 {strides = array<i32>} : memref<5x128xi32, #tpu.memory_space<vmem>>, vector<16xi32>,
    %add3A_564 = arith.constant 80 : i32
    %add3A_565 = arith.addi %mul3A_2, %add3A_564 : i32
    %mul3A_566 = arith.constant 200 : i32
    %mul3A_567 = arith.muli %add3A_565, %mul3A_566 : i32
    %add3A_568 = arith.constant 0 : i32
    %add3A_569 = arith.addi %mul3A_567, %add3A_568 : i32
    %add3A_570 = vector.broadcast %add3A_569 : i32 to vector<16xi32>
    %add3A_571 = arith.addi %mul3A_5, %add3A_570 : vector<16xi32>
    %swap3A_572 = arith.constant 4 : i32
    %swap3A_573 = arith.index_cast %swap3A_572 : i32 to index
    %swap3A_574 = arith.constant 80 : index
    %swap3A_575 = tpu.vector_load %arg11[%swap3A_573, %swap3A_574] {strides = array<i32>} : memref<5x128xi32, #tpu.memory_space<vmem>>, vector<16xi32>,
    tpu.vector_store %arg11[%swap3A_573, %swap3A_574], %add3A_571 {strides = array<i32>} : memref<5x128xi32, #tpu.memory_space<vmem>>, vector<16xi32>,
    %add3A_576 = arith.constant 96 : i32
    %add3A_577 = arith.addi %mul3A_2, %add3A_576 : i32
    %mul3A_578 = arith.constant 200 : i32
    %mul3A_579 = arith.muli %add3A_577, %mul3A_578 : i32
    %add3A_580 = arith.constant 0 : i32
    %add3A_581 = arith.addi %mul3A_579, %add3A_580 : i32
    %add3A_582 = vector.broadcast %add3A_581 : i32 to vector<16xi32>
    %add3A_583 = arith.addi %mul3A_5, %add3A_582 : vector<16xi32>
    %swap3A_584 = arith.constant 4 : i32
    %swap3A_585 = arith.index_cast %swap3A_584 : i32 to index
    %swap3A_586 = arith.constant 96 : index
    %swap3A_587 = tpu.vector_load %arg11[%swap3A_585, %swap3A_586] {strides = array<i32>} : memref<5x128xi32, #tpu.memory_space<vmem>>, vector<16xi32>,
    tpu.vector_store %arg11[%swap3A_585, %swap3A_586], %add3A_583 {strides = array<i32>} : memref<5x128xi32, #tpu.memory_space<vmem>>, vector<16xi32>,
    %add3A_588 = arith.constant 112 : i32
    %add3A_589 = arith.addi %mul3A_2, %add3A_588 : i32
    %mul3A_590 = arith.constant 200 : i32
    %mul3A_591 = arith.muli %add3A_589, %mul3A_590 : i32
    %add3A_592 = arith.constant 0 : i32
    %add3A_593 = arith.addi %mul3A_591, %add3A_592 : i32
    %add3A_594 = vector.broadcast %add3A_593 : i32 to vector<16xi32>
    %add3A_595 = arith.addi %mul3A_5, %add3A_594 : vector<16xi32>
    %swap3A_596 = arith.constant 4 : i32
    %swap3A_597 = arith.index_cast %swap3A_596 : i32 to index
    %swap3A_598 = arith.constant 112 : index
    %swap3A_599 = tpu.vector_load %arg11[%swap3A_597, %swap3A_598] {strides = array<i32>} : memref<5x128xi32, #tpu.memory_space<vmem>>, vector<16xi32>,
    tpu.vector_store %arg11[%swap3A_597, %swap3A_598], %add3A_595 {strides = array<i32>} : memref<5x128xi32, #tpu.memory_space<vmem>>, vector<16xi32>,
    %scan3A = arith.constant 0 : i32
    %scan3A_600 = arith.constant 0 : i32
    %scan3A_601 = arith.constant 128 : i32
    %scan3A_602 = arith.addi %scan3A_600, %scan3A_601 : i32
    %scan3A_603 = arith.constant 1 : i32
    scf.for %scan3A_625 = %scan3A_600 to %scan3A_602 step %scan3A_603  : i32 {
      %add3A_626 = arith.constant 0 : i32
      %add3A_627 = arith.addi %add3A_626, %scan3A_625 : i32
      %broadcast_in_dim3A = vector.broadcast %add3A_627 : i32 to vector<16xi32>
      %gather3A = tpu.vector_load_idx %arg9[%broadcast_in_dim3A] : memref<1024xf32, #tpu.memory_space<vmem>>[vector<16xi32>], vector<16xf32>,
      %add3A_628 = arith.constant 128 : i32
      %add3A_629 = arith.addi %add3A_628, %scan3A_625 : i32
      %broadcast_in_dim3A_630 = vector.broadcast %add3A_629 : i32 to vector<16xi32>
      %gather3A_631 = tpu.vector_load_idx %arg9[%broadcast_in_dim3A_630] : memref<1024xf32, #tpu.memory_space<vmem>>[vector<16xi32>], vector<16xf32>,
      %add3A_632 = arith.constant 256 : i32
      %add3A_633 = arith.addi %add3A_632, %scan3A_625 : i32
      %broadcast_in_dim3A_634 = vector.broadcast %add3A_633 : i32 to vector<16xi32>
      %gather3A_635 = tpu.vector_load_idx %arg9[%broadcast_in_dim3A_634] : memref<1024xf32, #tpu.memory_space<vmem>>[vector<16xi32>], vector<16xf32>,
      %add3A_636 = arith.constant 384 : i32
      %add3A_637 = arith.addi %add3A_636, %scan3A_625 : i32
      %broadcast_in_dim3A_638 = vector.broadcast %add3A_637 : i32 to vector<16xi32>
      %gather3A_639 = tpu.vector_load_idx %arg9[%broadcast_in_dim3A_638] : memref<1024xf32, #tpu.memory_space<vmem>>[vector<16xi32>], vector<16xf32>,
      %mul3A_640 = arith.mulf %gather3A, %get3A_8 : vector<16xf32>
      %add3A_641 = arith.addf %get3A_136, %mul3A_640 : vector<16xf32>
      %mul3A_642 = arith.mulf %gather3A_631, %get3A_12 : vector<16xf32>
      %add3A_643 = arith.addf %add3A_641, %mul3A_642 : vector<16xf32>
      %mul3A_644 = arith.mulf %gather3A_635, %get3A_16 : vector<16xf32>
      %add3A_645 = arith.addf %add3A_643, %mul3A_644 : vector<16xf32>
      %mul3A_646 = arith.mulf %gather3A_639, %get3A_20 : vector<16xf32>
      %add3A_647 = arith.addf %add3A_645, %mul3A_646 : vector<16xf32>
      %swap3A_648 = arith.index_cast %scan3A_625 : i32 to index
      %swap3A_649 = arith.constant 0 : index
      %swap3A_650 = tpu.vector_load %arg13[%swap3A_648, %swap3A_649] {strides = array<i32>} : memref<128x128xf32, #tpu.memory_space<vmem>>, vector<16xf32>,
      tpu.vector_store %arg13[%swap3A_648, %swap3A_649], %add3A_647 {strides = array<i32>} : memref<128x128xf32, #tpu.memory_space<vmem>>, vector<16xf32>,
      %mul3A_651 = arith.mulf %gather3A, %get3A_24 : vector<16xf32>
      %add3A_652 = arith.addf %get3A_140, %mul3A_651 : vector<16xf32>
      %mul3A_653 = arith.mulf %gather3A_631, %get3A_28 : vector<16xf32>
      %add3A_654 = arith.addf %add3A_652, %mul3A_653 : vector<16xf32>
      %mul3A_655 = arith.mulf %gather3A_635, %get3A_32 : vector<16xf32>
      %add3A_656 = arith.addf %add3A_654, %mul3A_655 : vector<16xf32>
      %mul3A_657 = arith.mulf %gather3A_639, %get3A_36 : vector<16xf32>
      %add3A_658 = arith.addf %add3A_656, %mul3A_657 : vector<16xf32>
      %swap3A_659 = arith.index_cast %scan3A_625 : i32 to index
      %swap3A_660 = arith.constant 16 : index
      %swap3A_661 = tpu.vector_load %arg13[%swap3A_659, %swap3A_660] {strides = array<i32>} : memref<128x128xf32, #tpu.memory_space<vmem>>, vector<16xf32>,
      tpu.vector_store %arg13[%swap3A_659, %swap3A_660], %add3A_658 {strides = array<i32>} : memref<128x128xf32, #tpu.memory_space<vmem>>, vector<16xf32>,
      %mul3A_662 = arith.mulf %gather3A, %get3A_40 : vector<16xf32>
      %add3A_663 = arith.addf %get3A_144, %mul3A_662 : vector<16xf32>
      %mul3A_664 = arith.mulf %gather3A_631, %get3A_44 : vector<16xf32>
      %add3A_665 = arith.addf %add3A_663, %mul3A_664 : vector<16xf32>
      %mul3A_666 = arith.mulf %gather3A_635, %get3A_48 : vector<16xf32>
      %add3A_667 = arith.addf %add3A_665, %mul3A_666 : vector<16xf32>
      %mul3A_668 = arith.mulf %gather3A_639, %get3A_52 : vector<16xf32>
      %add3A_669 = arith.addf %add3A_667, %mul3A_668 : vector<16xf32>
      %swap3A_670 = arith.index_cast %scan3A_625 : i32 to index
      %swap3A_671 = arith.constant 32 : index
      %swap3A_672 = tpu.vector_load %arg13[%swap3A_670, %swap3A_671] {strides = array<i32>} : memref<128x128xf32, #tpu.memory_space<vmem>>, vector<16xf32>,
      tpu.vector_store %arg13[%swap3A_670, %swap3A_671], %add3A_669 {strides = array<i32>} : memref<128x128xf32, #tpu.memory_space<vmem>>, vector<16xf32>,
      %mul3A_673 = arith.mulf %gather3A, %get3A_56 : vector<16xf32>
      %add3A_674 = arith.addf %get3A_148, %mul3A_673 : vector<16xf32>
      %mul3A_675 = arith.mulf %gather3A_631, %get3A_60 : vector<16xf32>
      %add3A_676 = arith.addf %add3A_674, %mul3A_675 : vector<16xf32>
      %mul3A_677 = arith.mulf %gather3A_635, %get3A_64 : vector<16xf32>
      %add3A_678 = arith.addf %add3A_676, %mul3A_677 : vector<16xf32>
      %mul3A_679 = arith.mulf %gather3A_639, %get3A_68 : vector<16xf32>
      %add3A_680 = arith.addf %add3A_678, %mul3A_679 : vector<16xf32>
      %swap3A_681 = arith.index_cast %scan3A_625 : i32 to index
      %swap3A_682 = arith.constant 48 : index
      %swap3A_683 = tpu.vector_load %arg13[%swap3A_681, %swap3A_682] {strides = array<i32>} : memref<128x128xf32, #tpu.memory_space<vmem>>, vector<16xf32>,
      tpu.vector_store %arg13[%swap3A_681, %swap3A_682], %add3A_680 {strides = array<i32>} : memref<128x128xf32, #tpu.memory_space<vmem>>, vector<16xf32>,
      %mul3A_684 = arith.mulf %gather3A, %get3A_72 : vector<16xf32>
      %add3A_685 = arith.addf %get3A_152, %mul3A_684 : vector<16xf32>
      %mul3A_686 = arith.mulf %gather3A_631, %get3A_76 : vector<16xf32>
      %add3A_687 = arith.addf %add3A_685, %mul3A_686 : vector<16xf32>
      %mul3A_688 = arith.mulf %gather3A_635, %get3A_80 : vector<16xf32>
      %add3A_689 = arith.addf %add3A_687, %mul3A_688 : vector<16xf32>
      %mul3A_690 = arith.mulf %gather3A_639, %get3A_84 : vector<16xf32>
      %add3A_691 = arith.addf %add3A_689, %mul3A_690 : vector<16xf32>
      %swap3A_692 = arith.index_cast %scan3A_625 : i32 to index
      %swap3A_693 = arith.constant 64 : index
      %swap3A_694 = tpu.vector_load %arg13[%swap3A_692, %swap3A_693] {strides = array<i32>} : memref<128x128xf32, #tpu.memory_space<vmem>>, vector<16xf32>,
      tpu.vector_store %arg13[%swap3A_692, %swap3A_693], %add3A_691 {strides = array<i32>} : memref<128x128xf32, #tpu.memory_space<vmem>>, vector<16xf32>,
      %mul3A_695 = arith.mulf %gather3A, %get3A_88 : vector<16xf32>
      %add3A_696 = arith.addf %get3A_156, %mul3A_695 : vector<16xf32>
      %mul3A_697 = arith.mulf %gather3A_631, %get3A_92 : vector<16xf32>
      %add3A_698 = arith.addf %add3A_696, %mul3A_697 : vector<16xf32>
      %mul3A_699 = arith.mulf %gather3A_635, %get3A_96 : vector<16xf32>
      %add3A_700 = arith.addf %add3A_698, %mul3A_699 : vector<16xf32>
      %mul3A_701 = arith.mulf %gather3A_639, %get3A_100 : vector<16xf32>
      %add3A_702 = arith.addf %add3A_700, %mul3A_701 : vector<16xf32>
      %swap3A_703 = arith.index_cast %scan3A_625 : i32 to index
      %swap3A_704 = arith.constant 80 : index
      %swap3A_705 = tpu.vector_load %arg13[%swap3A_703, %swap3A_704] {strides = array<i32>} : memref<128x128xf32, #tpu.memory_space<vmem>>, vector<16xf32>,
      tpu.vector_store %arg13[%swap3A_703, %swap3A_704], %add3A_702 {strides = array<i32>} : memref<128x128xf32, #tpu.memory_space<vmem>>, vector<16xf32>,
      %mul3A_706 = arith.mulf %gather3A, %get3A_104 : vector<16xf32>
      %add3A_707 = arith.addf %get3A_160, %mul3A_706 : vector<16xf32>
      %mul3A_708 = arith.mulf %gather3A_631, %get3A_108 : vector<16xf32>
      %add3A_709 = arith.addf %add3A_707, %mul3A_708 : vector<16xf32>
      %mul3A_710 = arith.mulf %gather3A_635, %get3A_112 : vector<16xf32>
      %add3A_711 = arith.addf %add3A_709, %mul3A_710 : vector<16xf32>
      %mul3A_712 = arith.mulf %gather3A_639, %get3A_116 : vector<16xf32>
      %add3A_713 = arith.addf %add3A_711, %mul3A_712 : vector<16xf32>
      %swap3A_714 = arith.index_cast %scan3A_625 : i32 to index
      %swap3A_715 = arith.constant 96 : index
      %swap3A_716 = tpu.vector_load %arg13[%swap3A_714, %swap3A_715] {strides = array<i32>} : memref<128x128xf32, #tpu.memory_space<vmem>>, vector<16xf32>,
      tpu.vector_store %arg13[%swap3A_714, %swap3A_715], %add3A_713 {strides = array<i32>} : memref<128x128xf32, #tpu.memory_space<vmem>>, vector<16xf32>,
      %mul3A_717 = arith.mulf %gather3A, %get3A_120 : vector<16xf32>
      %add3A_718 = arith.addf %get3A_164, %mul3A_717 : vector<16xf32>
      %mul3A_719 = arith.mulf %gather3A_631, %get3A_124 : vector<16xf32>
      %add3A_720 = arith.addf %add3A_718, %mul3A_719 : vector<16xf32>
      %mul3A_721 = arith.mulf %gather3A_635, %get3A_128 : vector<16xf32>
      %add3A_722 = arith.addf %add3A_720, %mul3A_721 : vector<16xf32>
      %mul3A_723 = arith.mulf %gather3A_639, %get3A_132 : vector<16xf32>
      %add3A_724 = arith.addf %add3A_722, %mul3A_723 : vector<16xf32>
      %swap3A_725 = arith.index_cast %scan3A_625 : i32 to index
      %swap3A_726 = arith.constant 112 : index
      %swap3A_727 = tpu.vector_load %arg13[%swap3A_725, %swap3A_726] {strides = array<i32>} : memref<128x128xf32, #tpu.memory_space<vmem>>, vector<16xf32>,
      tpu.vector_store %arg13[%swap3A_725, %swap3A_726], %add3A_724 {strides = array<i32>} : memref<128x128xf32, #tpu.memory_space<vmem>>, vector<16xf32>,
    }
    %scan3A_604 = arith.constant 128 : i32
    %scan3A_605 = arith.constant 0 : i32
    %scan3A_606 = arith.constant 0 : i32
    %scan3A_607 = arith.constant 100 : i32
    %scan3A_608 = arith.addi %scan3A_606, %scan3A_607 : i32
    %scan3A_609 = arith.constant 1 : i32
    scf.for %scan3A_625 = %scan3A_606 to %scan3A_608 step %scan3A_609  : i32 {
      %mul3A_626 = arith.constant 2 : i32
      %mul3A_627 = arith.muli %scan3A_625, %mul3A_626 : i32
      %dma_start3A_628 = arith.constant 0 : i32
      %dma_start3A_629 = arith.constant 0 : i32
      %dma_start3A_630 = tpu.memref_slice %arg11[%dma_start3A_628, %dma_start3A_629] : memref<5x128xi32, #tpu.memory_space<vmem>> -> memref<1x128xi32, #tpu.memory_space<vmem>>
      %dma_start3A_631 = tpu.memref_squeeze %dma_start3A_630 : memref<1x128xi32, #tpu.memory_space<vmem>> -> memref<128xi32, #tpu.memory_space<vmem>>
      %dma_start3A_632 = arith.constant 0 : i32
      %dma_start3A_633 = arith.constant 0 : i32
      %dma_start3A_634 = tpu.memref_slice %arg2[%dma_start3A_632, %dma_start3A_633] : memref<100000x128xf32, #tpu.memory_space<hbm>> -> memref<100000x128xf32, #tpu.memory_space<hbm>>
      tpu.enqueue_indirect_dma source(%dma_start3A_634 : memref<100000x128xf32, #tpu.memory_space<hbm>>) target(%arg13 : memref<128x128xf32, #tpu.memory_space<vmem>>) offsets(%dma_start3A_631 : memref<128xi32, #tpu.memory_space<vmem>>) semaphore(%arg17 : memref<!tpu.dma_semaphore, #tpu.memory_space<semaphore_mem>>) {add = true}
      %dma_start3A_635 = arith.constant 1 : i32
      %dma_start3A_636 = arith.constant 0 : i32
      %dma_start3A_637 = tpu.memref_slice %arg11[%dma_start3A_635, %dma_start3A_636] : memref<5x128xi32, #tpu.memory_space<vmem>> -> memref<1x128xi32, #tpu.memory_space<vmem>>
      %dma_start3A_638 = tpu.memref_squeeze %dma_start3A_637 : memref<1x128xi32, #tpu.memory_space<vmem>> -> memref<128xi32, #tpu.memory_space<vmem>>
      %dma_start3A_639 = arith.constant 0 : i32
      %dma_start3A_640 = arith.constant 0 : i32
      %dma_start3A_641 = tpu.memref_slice %arg3[%dma_start3A_639, %dma_start3A_640] : memref<100000x128xf32, #tpu.memory_space<hbm>> -> memref<100000x128xf32, #tpu.memory_space<hbm>>
      tpu.enqueue_indirect_dma source(%dma_start3A_641 : memref<100000x128xf32, #tpu.memory_space<hbm>>) target(%arg13 : memref<128x128xf32, #tpu.memory_space<vmem>>) offsets(%dma_start3A_638 : memref<128xi32, #tpu.memory_space<vmem>>) semaphore(%arg17 : memref<!tpu.dma_semaphore, #tpu.memory_space<semaphore_mem>>) {add = true}
      %dma_start3A_642 = arith.constant 2 : i32
      %dma_start3A_643 = arith.constant 0 : i32
      %dma_start3A_644 = tpu.memref_slice %arg11[%dma_start3A_642, %dma_start3A_643] : memref<5x128xi32, #tpu.memory_space<vmem>> -> memref<1x128xi32, #tpu.memory_space<vmem>>
      %dma_start3A_645 = tpu.memref_squeeze %dma_start3A_644 : memref<1x128xi32, #tpu.memory_space<vmem>> -> memref<128xi32, #tpu.memory_space<vmem>>
      %dma_start3A_646 = arith.constant 0 : i32
      %dma_start3A_647 = arith.constant 0 : i32
      %dma_start3A_648 = tpu.memref_slice %arg4[%dma_start3A_646, %dma_start3A_647] : memref<100000x128xf32, #tpu.memory_space<hbm>> -> memref<100000x128xf32, #tpu.memory_space<hbm>>
      tpu.enqueue_indirect_dma source(%dma_start3A_648 : memref<100000x128xf32, #tpu.memory_space<hbm>>) target(%arg13 : memref<128x128xf32, #tpu.memory_space<vmem>>) offsets(%dma_start3A_645 : memref<128xi32, #tpu.memory_space<vmem>>) semaphore(%arg17 : memref<!tpu.dma_semaphore, #tpu.memory_space<semaphore_mem>>) {add = true}
      %dma_start3A_649 = arith.constant 3 : i32
      %dma_start3A_650 = arith.constant 0 : i32
      %dma_start3A_651 = tpu.memref_slice %arg11[%dma_start3A_649, %dma_start3A_650] : memref<5x128xi32, #tpu.memory_space<vmem>> -> memref<1x128xi32, #tpu.memory_space<vmem>>
      %dma_start3A_652 = tpu.memref_squeeze %dma_start3A_651 : memref<1x128xi32, #tpu.memory_space<vmem>> -> memref<128xi32, #tpu.memory_space<vmem>>
      %dma_start3A_653 = arith.constant 0 : i32
      %dma_start3A_654 = arith.constant 0 : i32
      %dma_start3A_655 = tpu.memref_slice %arg5[%dma_start3A_653, %dma_start3A_654] : memref<100000x128xf32, #tpu.memory_space<hbm>> -> memref<100000x128xf32, #tpu.memory_space<hbm>>
      tpu.enqueue_indirect_dma source(%dma_start3A_655 : memref<100000x128xf32, #tpu.memory_space<hbm>>) target(%arg13 : memref<128x128xf32, #tpu.memory_space<vmem>>) offsets(%dma_start3A_652 : memref<128xi32, #tpu.memory_space<vmem>>) semaphore(%arg17 : memref<!tpu.dma_semaphore, #tpu.memory_space<semaphore_mem>>) {add = true}
      %gt3A = arith.constant 0 : i32
      %gt3A_656 = arith.cmpi sgt, %scan3A_625, %gt3A : i32
      %convert_element_type3A_657 = arith.extui %gt3A_656 : i1 to i32
      %cond3A = arith.constant 0 : i32
      %cond3A_658 = arith.cmpi ne, %convert_element_type3A_657, %cond3A : i32
      scf.if %cond3A_658 {
        %dma_wait3A_1225 = arith.constant 4 : i32
        %dma_wait3A_1226 = arith.constant 0 : i32
        %dma_wait3A_1227 = tpu.memref_slice %arg12[%dma_wait3A_1225, %dma_wait3A_1226] : memref<5x128xi32, #tpu.memory_space<vmem>> -> memref<1x128xi32, #tpu.memory_space<vmem>>
        %dma_wait3A_1228 = tpu.memref_squeeze %dma_wait3A_1227 : memref<1x128xi32, #tpu.memory_space<vmem>> -> memref<128xi32, #tpu.memory_space<vmem>>
        %dma_wait3A_1229 = arith.constant 0 : i32
        %dma_wait3A_1230 = arith.constant 0 : i32
        %dma_wait3A_1231 = tpu.memref_slice %arg8[%dma_wait3A_1229, %dma_wait3A_1230] : memref<819200x128xf32, #tpu.memory_space<hbm>> -> memref<819200x128xf32, #tpu.memory_space<hbm>>
        tpu.wait_indirect_dma semaphore(%arg20 : memref<!tpu.dma_semaphore, #tpu.memory_space<semaphore_mem>>) src(%arg14 : memref<128x128xf32, #tpu.memory_space<vmem>>) dst(%dma_wait3A_1231 : memref<819200x128xf32, #tpu.memory_space<hbm>>)
      } else {
      }
      %add3A_659 = arith.constant 1 : i32
      %add3A_660 = arith.addi %mul3A_627, %add3A_659 : i32
      %add3A_661 = arith.constant 0 : i32
      %add3A_662 = arith.addi %add3A_661, %add3A_660 : i32
      %mul3A_663 = arith.constant 4096 : i32
      %mul3A_664 = arith.muli %add3A_662, %mul3A_663 : i32
      %add3A_665 = arith.addi %mul3A_664, %mul3A_2 : i32
      %multiple_of3A_666 = tpu.assume_multiple %add3A_665, 128 : i32
      %dma_start3A_667 = arith.constant 0 : i32
      %dma_start3A_668 = tpu.memref_slice %arg10[%dma_start3A_667] : memref<1024xf32, #tpu.memory_space<vmem>> -> memref<128xf32, #tpu.memory_space<vmem>>
      %dma_start3A_669 = tpu.memref_slice %arg6[%multiple_of3A_666] : memref<7372800xf32, #tpu.memory_space<hbm>> -> memref<128xf32, #tpu.memory_space<hbm>>
      %dma_start3A_670 = arith.constant 0 : i32
      %dma_start3A_671 = tpu.memref_slice %arg10[%dma_start3A_670] : memref<1024xf32, #tpu.memory_space<vmem>> -> memref<128xf32, #tpu.memory_space<vmem>>
      %dma_start3A_672 = tpu.memref_slice %arg6[%multiple_of3A_666] : memref<7372800xf32, #tpu.memory_space<hbm>> -> memref<128xf32, #tpu.memory_space<hbm>>
      tpu.enqueue_dma source(%dma_start3A_672 : memref<128xf32, #tpu.memory_space<hbm>>) target(%dma_start3A_671 : memref<128xf32, #tpu.memory_space<vmem>>) target_semaphore(%arg16 : memref<!tpu.dma_semaphore, #tpu.memory_space<semaphore_mem>>)
      %add3A_673 = arith.constant 200 : i32
      %add3A_674 = arith.addi %add3A_673, %add3A_660 : i32
      %mul3A_675 = arith.constant 4096 : i32
      %mul3A_676 = arith.muli %add3A_674, %mul3A_675 : i32
      %add3A_677 = arith.addi %mul3A_676, %mul3A_2 : i32
      %multiple_of3A_678 = tpu.assume_multiple %add3A_677, 128 : i32
      %dma_start3A_679 = arith.constant 128 : i32
      %dma_start3A_680 = tpu.memref_slice %arg10[%dma_start3A_679] : memref<1024xf32, #tpu.memory_space<vmem>> -> memref<128xf32, #tpu.memory_space<vmem>>
      %dma_start3A_681 = tpu.memref_slice %arg6[%multiple_of3A_678] : memref<7372800xf32, #tpu.memory_space<hbm>> -> memref<128xf32, #tpu.memory_space<hbm>>
      %dma_start3A_682 = arith.constant 128 : i32
      %dma_start3A_683 = tpu.memref_slice %arg10[%dma_start3A_682] : memref<1024xf32, #tpu.memory_space<vmem>> -> memref<128xf32, #tpu.memory_space<vmem>>
      %dma_start3A_684 = tpu.memref_slice %arg6[%multiple_of3A_678] : memref<7372800xf32, #tpu.memory_space<hbm>> -> memref<128xf32, #tpu.memory_space<hbm>>
      tpu.enqueue_dma source(%dma_start3A_684 : memref<128xf32, #tpu.memory_space<hbm>>) target(%dma_start3A_683 : memref<128xf32, #tpu.memory_space<vmem>>) target_semaphore(%arg16 : memref<!tpu.dma_semaphore, #tpu.memory_space<semaphore_mem>>)
      %add3A_685 = arith.constant 400 : i32
      %add3A_686 = arith.addi %add3A_685, %add3A_660 : i32
      %mul3A_687 = arith.constant 4096 : i32
      %mul3A_688 = arith.muli %add3A_686, %mul3A_687 : i32
      %add3A_689 = arith.addi %mul3A_688, %mul3A_2 : i32
      %multiple_of3A_690 = tpu.assume_multiple %add3A_689, 128 : i32
      %dma_start3A_691 = arith.constant 256 : i32
      %dma_start3A_692 = tpu.memref_slice %arg10[%dma_start3A_691] : memref<1024xf32, #tpu.memory_space<vmem>> -> memref<128xf32, #tpu.memory_space<vmem>>
      %dma_start3A_693 = tpu.memref_slice %arg6[%multiple_of3A_690] : memref<7372800xf32, #tpu.memory_space<hbm>> -> memref<128xf32, #tpu.memory_space<hbm>>
      %dma_start3A_694 = arith.constant 256 : i32
      %dma_start3A_695 = tpu.memref_slice %arg10[%dma_start3A_694] : memref<1024xf32, #tpu.memory_space<vmem>> -> memref<128xf32, #tpu.memory_space<vmem>>
      %dma_start3A_696 = tpu.memref_slice %arg6[%multiple_of3A_690] : memref<7372800xf32, #tpu.memory_space<hbm>> -> memref<128xf32, #tpu.memory_space<hbm>>
      tpu.enqueue_dma source(%dma_start3A_696 : memref<128xf32, #tpu.memory_space<hbm>>) target(%dma_start3A_695 : memref<128xf32, #tpu.memory_space<vmem>>) target_semaphore(%arg16 : memref<!tpu.dma_semaphore, #tpu.memory_space<semaphore_mem>>)
      %add3A_697 = arith.constant 600 : i32
      %add3A_698 = arith.addi %add3A_697, %add3A_660 : i32
      %mul3A_699 = arith.constant 4096 : i32
      %mul3A_700 = arith.muli %add3A_698, %mul3A_699 : i32
      %add3A_701 = arith.addi %mul3A_700, %mul3A_2 : i32
      %multiple_of3A_702 = tpu.assume_multiple %add3A_701, 128 : i32
      %dma_start3A_703 = arith.constant 384 : i32
      %dma_start3A_704 = tpu.memref_slice %arg10[%dma_start3A_703] : memref<1024xf32, #tpu.memory_space<vmem>> -> memref<128xf32, #tpu.memory_space<vmem>>
      %dma_start3A_705 = tpu.memref_slice %arg6[%multiple_of3A_702] : memref<7372800xf32, #tpu.memory_space<hbm>> -> memref<128xf32, #tpu.memory_space<hbm>>
      %dma_start3A_706 = arith.constant 384 : i32
      %dma_start3A_707 = tpu.memref_slice %arg10[%dma_start3A_706] : memref<1024xf32, #tpu.memory_space<vmem>> -> memref<128xf32, #tpu.memory_space<vmem>>
      %dma_start3A_708 = tpu.memref_slice %arg6[%multiple_of3A_702] : memref<7372800xf32, #tpu.memory_space<hbm>> -> memref<128xf32, #tpu.memory_space<hbm>>
      tpu.enqueue_dma source(%dma_start3A_708 : memref<128xf32, #tpu.memory_space<hbm>>) target(%dma_start3A_707 : memref<128xf32, #tpu.memory_space<vmem>>) target_semaphore(%arg16 : memref<!tpu.dma_semaphore, #tpu.memory_space<semaphore_mem>>)
      %add3A_709 = arith.constant 800 : i32
      %add3A_710 = arith.addi %add3A_709, %add3A_660 : i32
      %mul3A_711 = arith.constant 4096 : i32
      %mul3A_712 = arith.muli %add3A_710, %mul3A_711 : i32
      %add3A_713 = arith.addi %mul3A_712, %mul3A_2 : i32
      %multiple_of3A_714 = tpu.assume_multiple %add3A_713, 128 : i32
      %dma_start3A_715 = arith.constant 512 : i32
      %dma_start3A_716 = tpu.memref_slice %arg10[%dma_start3A_715] : memref<1024xf32, #tpu.memory_space<vmem>> -> memref<128xf32, #tpu.memory_space<vmem>>
      %dma_start3A_717 = tpu.memref_slice %arg6[%multiple_of3A_714] : memref<7372800xf32, #tpu.memory_space<hbm>> -> memref<128xf32, #tpu.memory_space<hbm>>
      %dma_start3A_718 = arith.constant 512 : i32
      %dma_start3A_719 = tpu.memref_slice %arg10[%dma_start3A_718] : memref<1024xf32, #tpu.memory_space<vmem>> -> memref<128xf32, #tpu.memory_space<vmem>>
      %dma_start3A_720 = tpu.memref_slice %arg6[%multiple_of3A_714] : memref<7372800xf32, #tpu.memory_space<hbm>> -> memref<128xf32, #tpu.memory_space<hbm>>
      tpu.enqueue_dma source(%dma_start3A_720 : memref<128xf32, #tpu.memory_space<hbm>>) target(%dma_start3A_719 : memref<128xf32, #tpu.memory_space<vmem>>) target_semaphore(%arg16 : memref<!tpu.dma_semaphore, #tpu.memory_space<semaphore_mem>>)
      %add3A_721 = arith.constant 1000 : i32
      %add3A_722 = arith.addi %add3A_721, %add3A_660 : i32
      %mul3A_723 = arith.constant 4096 : i32
      %mul3A_724 = arith.muli %add3A_722, %mul3A_723 : i32
      %add3A_725 = arith.addi %mul3A_724, %mul3A_2 : i32
      %multiple_of3A_726 = tpu.assume_multiple %add3A_725, 128 : i32
      %dma_start3A_727 = arith.constant 640 : i32
      %dma_start3A_728 = tpu.memref_slice %arg10[%dma_start3A_727] : memref<1024xf32, #tpu.memory_space<vmem>> -> memref<128xf32, #tpu.memory_space<vmem>>
      %dma_start3A_729 = tpu.memref_slice %arg6[%multiple_of3A_726] : memref<7372800xf32, #tpu.memory_space<hbm>> -> memref<128xf32, #tpu.memory_space<hbm>>
      %dma_start3A_730 = arith.constant 640 : i32
      %dma_start3A_731 = tpu.memref_slice %arg10[%dma_start3A_730] : memref<1024xf32, #tpu.memory_space<vmem>> -> memref<128xf32, #tpu.memory_space<vmem>>
      %dma_start3A_732 = tpu.memref_slice %arg6[%multiple_of3A_726] : memref<7372800xf32, #tpu.memory_space<hbm>> -> memref<128xf32, #tpu.memory_space<hbm>>
      tpu.enqueue_dma source(%dma_start3A_732 : memref<128xf32, #tpu.memory_space<hbm>>) target(%dma_start3A_731 : memref<128xf32, #tpu.memory_space<vmem>>) target_semaphore(%arg16 : memref<!tpu.dma_semaphore, #tpu.memory_space<semaphore_mem>>)
      %add3A_733 = arith.constant 1200 : i32
      %add3A_734 = arith.addi %add3A_733, %add3A_660 : i32
      %mul3A_735 = arith.constant 4096 : i32
      %mul3A_736 = arith.muli %add3A_734, %mul3A_735 : i32
      %add3A_737 = arith.addi %mul3A_736, %mul3A_2 : i32
      %multiple_of3A_738 = tpu.assume_multiple %add3A_737, 128 : i32
      %dma_start3A_739 = arith.constant 768 : i32
      %dma_start3A_740 = tpu.memref_slice %arg10[%dma_start3A_739] : memref<1024xf32, #tpu.memory_space<vmem>> -> memref<128xf32, #tpu.memory_space<vmem>>
      %dma_start3A_741 = tpu.memref_slice %arg6[%multiple_of3A_738] : memref<7372800xf32, #tpu.memory_space<hbm>> -> memref<128xf32, #tpu.memory_space<hbm>>
      %dma_start3A_742 = arith.constant 768 : i32
      %dma_start3A_743 = tpu.memref_slice %arg10[%dma_start3A_742] : memref<1024xf32, #tpu.memory_space<vmem>> -> memref<128xf32, #tpu.memory_space<vmem>>
      %dma_start3A_744 = tpu.memref_slice %arg6[%multiple_of3A_738] : memref<7372800xf32, #tpu.memory_space<hbm>> -> memref<128xf32, #tpu.memory_space<hbm>>
      tpu.enqueue_dma source(%dma_start3A_744 : memref<128xf32, #tpu.memory_space<hbm>>) target(%dma_start3A_743 : memref<128xf32, #tpu.memory_space<vmem>>) target_semaphore(%arg16 : memref<!tpu.dma_semaphore, #tpu.memory_space<semaphore_mem>>)
      %add3A_745 = arith.constant 1400 : i32
      %add3A_746 = arith.addi %add3A_745, %add3A_660 : i32
      %mul3A_747 = arith.constant 4096 : i32
      %mul3A_748 = arith.muli %add3A_746, %mul3A_747 : i32
      %add3A_749 = arith.addi %mul3A_748, %mul3A_2 : i32
      %multiple_of3A_750 = tpu.assume_multiple %add3A_749, 128 : i32
      %dma_start3A_751 = arith.constant 896 : i32
      %dma_start3A_752 = tpu.memref_slice %arg10[%dma_start3A_751] : memref<1024xf32, #tpu.memory_space<vmem>> -> memref<128xf32, #tpu.memory_space<vmem>>
      %dma_start3A_753 = tpu.memref_slice %arg6[%multiple_of3A_750] : memref<7372800xf32, #tpu.memory_space<hbm>> -> memref<128xf32, #tpu.memory_space<hbm>>
      %dma_start3A_754 = arith.constant 896 : i32
      %dma_start3A_755 = tpu.memref_slice %arg10[%dma_start3A_754] : memref<1024xf32, #tpu.memory_space<vmem>> -> memref<128xf32, #tpu.memory_space<vmem>>
      %dma_start3A_756 = tpu.memref_slice %arg6[%multiple_of3A_750] : memref<7372800xf32, #tpu.memory_space<hbm>> -> memref<128xf32, #tpu.memory_space<hbm>>
      tpu.enqueue_dma source(%dma_start3A_756 : memref<128xf32, #tpu.memory_space<hbm>>) target(%dma_start3A_755 : memref<128xf32, #tpu.memory_space<vmem>>) target_semaphore(%arg16 : memref<!tpu.dma_semaphore, #tpu.memory_space<semaphore_mem>>)
      %dma_wait3A_757 = arith.constant 0 : i32
      %dma_wait3A_758 = tpu.memref_slice %arg10[%dma_wait3A_757] : memref<1024xf32, #tpu.memory_space<vmem>> -> memref<128xf32, #tpu.memory_space<vmem>>
      %dma_wait3A_759 = tpu.memref_slice %arg6[%multiple_of3A_666] : memref<7372800xf32, #tpu.memory_space<hbm>> -> memref<128xf32, #tpu.memory_space<hbm>>
      %dma_wait3A_760 = arith.constant 0 : i32
      %dma_wait3A_761 = tpu.memref_slice %arg10[%dma_wait3A_760] : memref<1024xf32, #tpu.memory_space<vmem>> -> memref<128xf32, #tpu.memory_space<vmem>>
      %dma_wait3A_762 = tpu.memref_slice %arg6[%multiple_of3A_666] : memref<7372800xf32, #tpu.memory_space<hbm>> -> memref<128xf32, #tpu.memory_space<hbm>>
      tpu.wait_dma2 semaphore(%arg16 : memref<!tpu.dma_semaphore, #tpu.memory_space<semaphore_mem>>) src(%dma_wait3A_762 : memref<128xf32, #tpu.memory_space<hbm>>) dst(%dma_wait3A_761 : memref<128xf32, #tpu.memory_space<vmem>>)
      %dma_wait3A_763 = arith.constant 128 : i32
      %dma_wait3A_764 = tpu.memref_slice %arg10[%dma_wait3A_763] : memref<1024xf32, #tpu.memory_space<vmem>> -> memref<128xf32, #tpu.memory_space<vmem>>
      %dma_wait3A_765 = tpu.memref_slice %arg6[%multiple_of3A_678] : memref<7372800xf32, #tpu.memory_space<hbm>> -> memref<128xf32, #tpu.memory_space<hbm>>
      %dma_wait3A_766 = arith.constant 128 : i32
      %dma_wait3A_767 = tpu.memref_slice %arg10[%dma_wait3A_766] : memref<1024xf32, #tpu.memory_space<vmem>> -> memref<128xf32, #tpu.memory_space<vmem>>
      %dma_wait3A_768 = tpu.memref_slice %arg6[%multiple_of3A_678] : memref<7372800xf32, #tpu.memory_space<hbm>> -> memref<128xf32, #tpu.memory_space<hbm>>
      tpu.wait_dma2 semaphore(%arg16 : memref<!tpu.dma_semaphore, #tpu.memory_space<semaphore_mem>>) src(%dma_wait3A_768 : memref<128xf32, #tpu.memory_space<hbm>>) dst(%dma_wait3A_767 : memref<128xf32, #tpu.memory_space<vmem>>)
      %dma_wait3A_769 = arith.constant 256 : i32
      %dma_wait3A_770 = tpu.memref_slice %arg10[%dma_wait3A_769] : memref<1024xf32, #tpu.memory_space<vmem>> -> memref<128xf32, #tpu.memory_space<vmem>>
      %dma_wait3A_771 = tpu.memref_slice %arg6[%multiple_of3A_690] : memref<7372800xf32, #tpu.memory_space<hbm>> -> memref<128xf32, #tpu.memory_space<hbm>>
      %dma_wait3A_772 = arith.constant 256 : i32
      %dma_wait3A_773 = tpu.memref_slice %arg10[%dma_wait3A_772] : memref<1024xf32, #tpu.memory_space<vmem>> -> memref<128xf32, #tpu.memory_space<vmem>>
      %dma_wait3A_774 = tpu.memref_slice %arg6[%multiple_of3A_690] : memref<7372800xf32, #tpu.memory_space<hbm>> -> memref<128xf32, #tpu.memory_space<hbm>>
      tpu.wait_dma2 semaphore(%arg16 : memref<!tpu.dma_semaphore, #tpu.memory_space<semaphore_mem>>) src(%dma_wait3A_774 : memref<128xf32, #tpu.memory_space<hbm>>) dst(%dma_wait3A_773 : memref<128xf32, #tpu.memory_space<vmem>>)
      %dma_wait3A_775 = arith.constant 384 : i32
      %dma_wait3A_776 = tpu.memref_slice %arg10[%dma_wait3A_775] : memref<1024xf32, #tpu.memory_space<vmem>> -> memref<128xf32, #tpu.memory_space<vmem>>
      %dma_wait3A_777 = tpu.memref_slice %arg6[%multiple_of3A_702] : memref<7372800xf32, #tpu.memory_space<hbm>> -> memref<128xf32, #tpu.memory_space<hbm>>
      %dma_wait3A_778 = arith.constant 384 : i32
      %dma_wait3A_779 = tpu.memref_slice %arg10[%dma_wait3A_778] : memref<1024xf32, #tpu.memory_space<vmem>> -> memref<128xf32, #tpu.memory_space<vmem>>
      %dma_wait3A_780 = tpu.memref_slice %arg6[%multiple_of3A_702] : memref<7372800xf32, #tpu.memory_space<hbm>> -> memref<128xf32, #tpu.memory_space<hbm>>
      tpu.wait_dma2 semaphore(%arg16 : memref<!tpu.dma_semaphore, #tpu.memory_space<semaphore_mem>>) src(%dma_wait3A_780 : memref<128xf32, #tpu.memory_space<hbm>>) dst(%dma_wait3A_779 : memref<128xf32, #tpu.memory_space<vmem>>)
      %dma_wait3A_781 = arith.constant 512 : i32
      %dma_wait3A_782 = tpu.memref_slice %arg10[%dma_wait3A_781] : memref<1024xf32, #tpu.memory_space<vmem>> -> memref<128xf32, #tpu.memory_space<vmem>>
      %dma_wait3A_783 = tpu.memref_slice %arg6[%multiple_of3A_714] : memref<7372800xf32, #tpu.memory_space<hbm>> -> memref<128xf32, #tpu.memory_space<hbm>>
      %dma_wait3A_784 = arith.constant 512 : i32
      %dma_wait3A_785 = tpu.memref_slice %arg10[%dma_wait3A_784] : memref<1024xf32, #tpu.memory_space<vmem>> -> memref<128xf32, #tpu.memory_space<vmem>>
      %dma_wait3A_786 = tpu.memref_slice %arg6[%multiple_of3A_714] : memref<7372800xf32, #tpu.memory_space<hbm>> -> memref<128xf32, #tpu.memory_space<hbm>>
      tpu.wait_dma2 semaphore(%arg16 : memref<!tpu.dma_semaphore, #tpu.memory_space<semaphore_mem>>) src(%dma_wait3A_786 : memref<128xf32, #tpu.memory_space<hbm>>) dst(%dma_wait3A_785 : memref<128xf32, #tpu.memory_space<vmem>>)
      %dma_wait3A_787 = arith.constant 640 : i32
      %dma_wait3A_788 = tpu.memref_slice %arg10[%dma_wait3A_787] : memref<1024xf32, #tpu.memory_space<vmem>> -> memref<128xf32, #tpu.memory_space<vmem>>
      %dma_wait3A_789 = tpu.memref_slice %arg6[%multiple_of3A_726] : memref<7372800xf32, #tpu.memory_space<hbm>> -> memref<128xf32, #tpu.memory_space<hbm>>
      %dma_wait3A_790 = arith.constant 640 : i32
      %dma_wait3A_791 = tpu.memref_slice %arg10[%dma_wait3A_790] : memref<1024xf32, #tpu.memory_space<vmem>> -> memref<128xf32, #tpu.memory_space<vmem>>
      %dma_wait3A_792 = tpu.memref_slice %arg6[%multiple_of3A_726] : memref<7372800xf32, #tpu.memory_space<hbm>> -> memref<128xf32, #tpu.memory_space<hbm>>
      tpu.wait_dma2 semaphore(%arg16 : memref<!tpu.dma_semaphore, #tpu.memory_space<semaphore_mem>>) src(%dma_wait3A_792 : memref<128xf32, #tpu.memory_space<hbm>>) dst(%dma_wait3A_791 : memref<128xf32, #tpu.memory_space<vmem>>)
      %dma_wait3A_793 = arith.constant 768 : i32
      %dma_wait3A_794 = tpu.memref_slice %arg10[%dma_wait3A_793] : memref<1024xf32, #tpu.memory_space<vmem>> -> memref<128xf32, #tpu.memory_space<vmem>>
      %dma_wait3A_795 = tpu.memref_slice %arg6[%multiple_of3A_738] : memref<7372800xf32, #tpu.memory_space<hbm>> -> memref<128xf32, #tpu.memory_space<hbm>>
      %dma_wait3A_796 = arith.constant 768 : i32
      %dma_wait3A_797 = tpu.memref_slice %arg10[%dma_wait3A_796] : memref<1024xf32, #tpu.memory_space<vmem>> -> memref<128xf32, #tpu.memory_space<vmem>>
      %dma_wait3A_798 = tpu.memref_slice %arg6[%multiple_of3A_738] : memref<7372800xf32, #tpu.memory_space<hbm>> -> memref<128xf32, #tpu.memory_space<hbm>>
      tpu.wait_dma2 semaphore(%arg16 : memref<!tpu.dma_semaphore, #tpu.memory_space<semaphore_mem>>) src(%dma_wait3A_798 : memref<128xf32, #tpu.memory_space<hbm>>) dst(%dma_wait3A_797 : memref<128xf32, #tpu.memory_space<vmem>>)
      %dma_wait3A_799 = arith.constant 896 : i32
      %dma_wait3A_800 = tpu.memref_slice %arg10[%dma_wait3A_799] : memref<1024xf32, #tpu.memory_space<vmem>> -> memref<128xf32, #tpu.memory_space<vmem>>
      %dma_wait3A_801 = tpu.memref_slice %arg6[%multiple_of3A_750] : memref<7372800xf32, #tpu.memory_space<hbm>> -> memref<128xf32, #tpu.memory_space<hbm>>
      %dma_wait3A_802 = arith.constant 896 : i32
      %dma_wait3A_803 = tpu.memref_slice %arg10[%dma_wait3A_802] : memref<1024xf32, #tpu.memory_space<vmem>> -> memref<128xf32, #tpu.memory_space<vmem>>
      %dma_wait3A_804 = tpu.memref_slice %arg6[%multiple_of3A_750] : memref<7372800xf32, #tpu.memory_space<hbm>> -> memref<128xf32, #tpu.memory_space<hbm>>
      tpu.wait_dma2 semaphore(%arg16 : memref<!tpu.dma_semaphore, #tpu.memory_space<semaphore_mem>>) src(%dma_wait3A_804 : memref<128xf32, #tpu.memory_space<hbm>>) dst(%dma_wait3A_803 : memref<128xf32, #tpu.memory_space<vmem>>)
      %get3A_805 = arith.constant 512 : index
      %get3A_806 = tpu.vector_load %arg10[%get3A_805] {strides = array<i32>} : memref<1024xf32, #tpu.memory_space<vmem>>, vector<16xf32>,
      %convert_element_type3A_807 = arith.fptosi %get3A_806 : vector<16xf32> to vector<16xi32>
      %swap3A_808 = arith.constant 0 : i32
      %swap3A_809 = arith.index_cast %swap3A_808 : i32 to index
      %swap3A_810 = arith.constant 0 : index
      %swap3A_811 = tpu.vector_load %arg12[%swap3A_809, %swap3A_810] {strides = array<i32>} : memref<5x128xi32, #tpu.memory_space<vmem>>, vector<16xi32>,
      tpu.vector_store %arg12[%swap3A_809, %swap3A_810], %convert_element_type3A_807 {strides = array<i32>} : memref<5x128xi32, #tpu.memory_space<vmem>>, vector<16xi32>,
      %get3A_812 = arith.constant 528 : index
      %get3A_813 = tpu.vector_load %arg10[%get3A_812] {strides = array<i32>} : memref<1024xf32, #tpu.memory_space<vmem>>, vector<16xf32>,
      %convert_element_type3A_814 = arith.fptosi %get3A_813 : vector<16xf32> to vector<16xi32>
      %swap3A_815 = arith.constant 0 : i32
      %swap3A_816 = arith.index_cast %swap3A_815 : i32 to index
      %swap3A_817 = arith.constant 16 : index
      %swap3A_818 = tpu.vector_load %arg12[%swap3A_816, %swap3A_817] {strides = array<i32>} : memref<5x128xi32, #tpu.memory_space<vmem>>, vector<16xi32>,
      tpu.vector_store %arg12[%swap3A_816, %swap3A_817], %convert_element_type3A_814 {strides = array<i32>} : memref<5x128xi32, #tpu.memory_space<vmem>>, vector<16xi32>,
      %get3A_819 = arith.constant 544 : index
      %get3A_820 = tpu.vector_load %arg10[%get3A_819] {strides = array<i32>} : memref<1024xf32, #tpu.memory_space<vmem>>, vector<16xf32>,
      %convert_element_type3A_821 = arith.fptosi %get3A_820 : vector<16xf32> to vector<16xi32>
      %swap3A_822 = arith.constant 0 : i32
      %swap3A_823 = arith.index_cast %swap3A_822 : i32 to index
      %swap3A_824 = arith.constant 32 : index
      %swap3A_825 = tpu.vector_load %arg12[%swap3A_823, %swap3A_824] {strides = array<i32>} : memref<5x128xi32, #tpu.memory_space<vmem>>, vector<16xi32>,
      tpu.vector_store %arg12[%swap3A_823, %swap3A_824], %convert_element_type3A_821 {strides = array<i32>} : memref<5x128xi32, #tpu.memory_space<vmem>>, vector<16xi32>,
      %get3A_826 = arith.constant 560 : index
      %get3A_827 = tpu.vector_load %arg10[%get3A_826] {strides = array<i32>} : memref<1024xf32, #tpu.memory_space<vmem>>, vector<16xf32>,
      %convert_element_type3A_828 = arith.fptosi %get3A_827 : vector<16xf32> to vector<16xi32>
      %swap3A_829 = arith.constant 0 : i32
      %swap3A_830 = arith.index_cast %swap3A_829 : i32 to index
      %swap3A_831 = arith.constant 48 : index
      %swap3A_832 = tpu.vector_load %arg12[%swap3A_830, %swap3A_831] {strides = array<i32>} : memref<5x128xi32, #tpu.memory_space<vmem>>, vector<16xi32>,
      tpu.vector_store %arg12[%swap3A_830, %swap3A_831], %convert_element_type3A_828 {strides = array<i32>} : memref<5x128xi32, #tpu.memory_space<vmem>>, vector<16xi32>,
      %get3A_833 = arith.constant 576 : index
      %get3A_834 = tpu.vector_load %arg10[%get3A_833] {strides = array<i32>} : memref<1024xf32, #tpu.memory_space<vmem>>, vector<16xf32>,
      %convert_element_type3A_835 = arith.fptosi %get3A_834 : vector<16xf32> to vector<16xi32>
      %swap3A_836 = arith.constant 0 : i32
      %swap3A_837 = arith.index_cast %swap3A_836 : i32 to index
      %swap3A_838 = arith.constant 64 : index
      %swap3A_839 = tpu.vector_load %arg12[%swap3A_837, %swap3A_838] {strides = array<i32>} : memref<5x128xi32, #tpu.memory_space<vmem>>, vector<16xi32>,
      tpu.vector_store %arg12[%swap3A_837, %swap3A_838], %convert_element_type3A_835 {strides = array<i32>} : memref<5x128xi32, #tpu.memory_space<vmem>>, vector<16xi32>,
      %get3A_840 = arith.constant 592 : index
      %get3A_841 = tpu.vector_load %arg10[%get3A_840] {strides = array<i32>} : memref<1024xf32, #tpu.memory_space<vmem>>, vector<16xf32>,
      %convert_element_type3A_842 = arith.fptosi %get3A_841 : vector<16xf32> to vector<16xi32>
      %swap3A_843 = arith.constant 0 : i32
      %swap3A_844 = arith.index_cast %swap3A_843 : i32 to index
      %swap3A_845 = arith.constant 80 : index
      %swap3A_846 = tpu.vector_load %arg12[%swap3A_844, %swap3A_845] {strides = array<i32>} : memref<5x128xi32, #tpu.memory_space<vmem>>, vector<16xi32>,
      tpu.vector_store %arg12[%swap3A_844, %swap3A_845], %convert_element_type3A_842 {strides = array<i32>} : memref<5x128xi32, #tpu.memory_space<vmem>>, vector<16xi32>,
      %get3A_847 = arith.constant 608 : index
      %get3A_848 = tpu.vector_load %arg10[%get3A_847] {strides = array<i32>} : memref<1024xf32, #tpu.memory_space<vmem>>, vector<16xf32>,
      %convert_element_type3A_849 = arith.fptosi %get3A_848 : vector<16xf32> to vector<16xi32>
      %swap3A_850 = arith.constant 0 : i32
      %swap3A_851 = arith.index_cast %swap3A_850 : i32 to index
      %swap3A_852 = arith.constant 96 : index
      %swap3A_853 = tpu.vector_load %arg12[%swap3A_851, %swap3A_852] {strides = array<i32>} : memref<5x128xi32, #tpu.memory_space<vmem>>, vector<16xi32>,
      tpu.vector_store %arg12[%swap3A_851, %swap3A_852], %convert_element_type3A_849 {strides = array<i32>} : memref<5x128xi32, #tpu.memory_space<vmem>>, vector<16xi32>,
      %get3A_854 = arith.constant 624 : index
      %get3A_855 = tpu.vector_load %arg10[%get3A_854] {strides = array<i32>} : memref<1024xf32, #tpu.memory_space<vmem>>, vector<16xf32>,
      %convert_element_type3A_856 = arith.fptosi %get3A_855 : vector<16xf32> to vector<16xi32>
      %swap3A_857 = arith.constant 0 : i32
      %swap3A_858 = arith.index_cast %swap3A_857 : i32 to index
      %swap3A_859 = arith.constant 112 : index
      %swap3A_860 = tpu.vector_load %arg12[%swap3A_858, %swap3A_859] {strides = array<i32>} : memref<5x128xi32, #tpu.memory_space<vmem>>, vector<16xi32>,
      tpu.vector_store %arg12[%swap3A_858, %swap3A_859], %convert_element_type3A_856 {strides = array<i32>} : memref<5x128xi32, #tpu.memory_space<vmem>>, vector<16xi32>,
      %get3A_861 = arith.constant 640 : index
      %get3A_862 = tpu.vector_load %arg10[%get3A_861] {strides = array<i32>} : memref<1024xf32, #tpu.memory_space<vmem>>, vector<16xf32>,
      %convert_element_type3A_863 = arith.fptosi %get3A_862 : vector<16xf32> to vector<16xi32>
      %swap3A_864 = arith.constant 1 : i32
      %swap3A_865 = arith.index_cast %swap3A_864 : i32 to index
      %swap3A_866 = arith.constant 0 : index
      %swap3A_867 = tpu.vector_load %arg12[%swap3A_865, %swap3A_866] {strides = array<i32>} : memref<5x128xi32, #tpu.memory_space<vmem>>, vector<16xi32>,
      tpu.vector_store %arg12[%swap3A_865, %swap3A_866], %convert_element_type3A_863 {strides = array<i32>} : memref<5x128xi32, #tpu.memory_space<vmem>>, vector<16xi32>,
      %get3A_868 = arith.constant 656 : index
      %get3A_869 = tpu.vector_load %arg10[%get3A_868] {strides = array<i32>} : memref<1024xf32, #tpu.memory_space<vmem>>, vector<16xf32>,
      %convert_element_type3A_870 = arith.fptosi %get3A_869 : vector<16xf32> to vector<16xi32>
      %swap3A_871 = arith.constant 1 : i32
      %swap3A_872 = arith.index_cast %swap3A_871 : i32 to index
      %swap3A_873 = arith.constant 16 : index
      %swap3A_874 = tpu.vector_load %arg12[%swap3A_872, %swap3A_873] {strides = array<i32>} : memref<5x128xi32, #tpu.memory_space<vmem>>, vector<16xi32>,
      tpu.vector_store %arg12[%swap3A_872, %swap3A_873], %convert_element_type3A_870 {strides = array<i32>} : memref<5x128xi32, #tpu.memory_space<vmem>>, vector<16xi32>,
      %get3A_875 = arith.constant 672 : index
      %get3A_876 = tpu.vector_load %arg10[%get3A_875] {strides = array<i32>} : memref<1024xf32, #tpu.memory_space<vmem>>, vector<16xf32>,
      %convert_element_type3A_877 = arith.fptosi %get3A_876 : vector<16xf32> to vector<16xi32>
      %swap3A_878 = arith.constant 1 : i32
      %swap3A_879 = arith.index_cast %swap3A_878 : i32 to index
      %swap3A_880 = arith.constant 32 : index
      %swap3A_881 = tpu.vector_load %arg12[%swap3A_879, %swap3A_880] {strides = array<i32>} : memref<5x128xi32, #tpu.memory_space<vmem>>, vector<16xi32>,
      tpu.vector_store %arg12[%swap3A_879, %swap3A_880], %convert_element_type3A_877 {strides = array<i32>} : memref<5x128xi32, #tpu.memory_space<vmem>>, vector<16xi32>,
      %get3A_882 = arith.constant 688 : index
      %get3A_883 = tpu.vector_load %arg10[%get3A_882] {strides = array<i32>} : memref<1024xf32, #tpu.memory_space<vmem>>, vector<16xf32>,
      %convert_element_type3A_884 = arith.fptosi %get3A_883 : vector<16xf32> to vector<16xi32>
      %swap3A_885 = arith.constant 1 : i32
      %swap3A_886 = arith.index_cast %swap3A_885 : i32 to index
      %swap3A_887 = arith.constant 48 : index
      %swap3A_888 = tpu.vector_load %arg12[%swap3A_886, %swap3A_887] {strides = array<i32>} : memref<5x128xi32, #tpu.memory_space<vmem>>, vector<16xi32>,
      tpu.vector_store %arg12[%swap3A_886, %swap3A_887], %convert_element_type3A_884 {strides = array<i32>} : memref<5x128xi32, #tpu.memory_space<vmem>>, vector<16xi32>,
      %get3A_889 = arith.constant 704 : index
      %get3A_890 = tpu.vector_load %arg10[%get3A_889] {strides = array<i32>} : memref<1024xf32, #tpu.memory_space<vmem>>, vector<16xf32>,
      %convert_element_type3A_891 = arith.fptosi %get3A_890 : vector<16xf32> to vector<16xi32>
      %swap3A_892 = arith.constant 1 : i32
      %swap3A_893 = arith.index_cast %swap3A_892 : i32 to index
      %swap3A_894 = arith.constant 64 : index
      %swap3A_895 = tpu.vector_load %arg12[%swap3A_893, %swap3A_894] {strides = array<i32>} : memref<5x128xi32, #tpu.memory_space<vmem>>, vector<16xi32>,
      tpu.vector_store %arg12[%swap3A_893, %swap3A_894], %convert_element_type3A_891 {strides = array<i32>} : memref<5x128xi32, #tpu.memory_space<vmem>>, vector<16xi32>,
      %get3A_896 = arith.constant 720 : index
      %get3A_897 = tpu.vector_load %arg10[%get3A_896] {strides = array<i32>} : memref<1024xf32, #tpu.memory_space<vmem>>, vector<16xf32>,
      %convert_element_type3A_898 = arith.fptosi %get3A_897 : vector<16xf32> to vector<16xi32>
      %swap3A_899 = arith.constant 1 : i32
      %swap3A_900 = arith.index_cast %swap3A_899 : i32 to index
      %swap3A_901 = arith.constant 80 : index
      %swap3A_902 = tpu.vector_load %arg12[%swap3A_900, %swap3A_901] {strides = array<i32>} : memref<5x128xi32, #tpu.memory_space<vmem>>, vector<16xi32>,
      tpu.vector_store %arg12[%swap3A_900, %swap3A_901], %convert_element_type3A_898 {strides = array<i32>} : memref<5x128xi32, #tpu.memory_space<vmem>>, vector<16xi32>,
      %get3A_903 = arith.constant 736 : index
      %get3A_904 = tpu.vector_load %arg10[%get3A_903] {strides = array<i32>} : memref<1024xf32, #tpu.memory_space<vmem>>, vector<16xf32>,
      %convert_element_type3A_905 = arith.fptosi %get3A_904 : vector<16xf32> to vector<16xi32>
      %swap3A_906 = arith.constant 1 : i32
      %swap3A_907 = arith.index_cast %swap3A_906 : i32 to index
      %swap3A_908 = arith.constant 96 : index
      %swap3A_909 = tpu.vector_load %arg12[%swap3A_907, %swap3A_908] {strides = array<i32>} : memref<5x128xi32, #tpu.memory_space<vmem>>, vector<16xi32>,
      tpu.vector_store %arg12[%swap3A_907, %swap3A_908], %convert_element_type3A_905 {strides = array<i32>} : memref<5x128xi32, #tpu.memory_space<vmem>>, vector<16xi32>,
      %get3A_910 = arith.constant 752 : index
      %get3A_911 = tpu.vector_load %arg10[%get3A_910] {strides = array<i32>} : memref<1024xf32, #tpu.memory_space<vmem>>, vector<16xf32>,
      %convert_element_type3A_912 = arith.fptosi %get3A_911 : vector<16xf32> to vector<16xi32>
      %swap3A_913 = arith.constant 1 : i32
      %swap3A_914 = arith.index_cast %swap3A_913 : i32 to index
      %swap3A_915 = arith.constant 112 : index
      %swap3A_916 = tpu.vector_load %arg12[%swap3A_914, %swap3A_915] {strides = array<i32>} : memref<5x128xi32, #tpu.memory_space<vmem>>, vector<16xi32>,
      tpu.vector_store %arg12[%swap3A_914, %swap3A_915], %convert_element_type3A_912 {strides = array<i32>} : memref<5x128xi32, #tpu.memory_space<vmem>>, vector<16xi32>,
      %get3A_917 = arith.constant 768 : index
      %get3A_918 = tpu.vector_load %arg10[%get3A_917] {strides = array<i32>} : memref<1024xf32, #tpu.memory_space<vmem>>, vector<16xf32>,
      %convert_element_type3A_919 = arith.fptosi %get3A_918 : vector<16xf32> to vector<16xi32>
      %swap3A_920 = arith.constant 2 : i32
      %swap3A_921 = arith.index_cast %swap3A_920 : i32 to index
      %swap3A_922 = arith.constant 0 : index
      %swap3A_923 = tpu.vector_load %arg12[%swap3A_921, %swap3A_922] {strides = array<i32>} : memref<5x128xi32, #tpu.memory_space<vmem>>, vector<16xi32>,
      tpu.vector_store %arg12[%swap3A_921, %swap3A_922], %convert_element_type3A_919 {strides = array<i32>} : memref<5x128xi32, #tpu.memory_space<vmem>>, vector<16xi32>,
      %get3A_924 = arith.constant 784 : index
      %get3A_925 = tpu.vector_load %arg10[%get3A_924] {strides = array<i32>} : memref<1024xf32, #tpu.memory_space<vmem>>, vector<16xf32>,
      %convert_element_type3A_926 = arith.fptosi %get3A_925 : vector<16xf32> to vector<16xi32>
      %swap3A_927 = arith.constant 2 : i32
      %swap3A_928 = arith.index_cast %swap3A_927 : i32 to index
      %swap3A_929 = arith.constant 16 : index
      %swap3A_930 = tpu.vector_load %arg12[%swap3A_928, %swap3A_929] {strides = array<i32>} : memref<5x128xi32, #tpu.memory_space<vmem>>, vector<16xi32>,
      tpu.vector_store %arg12[%swap3A_928, %swap3A_929], %convert_element_type3A_926 {strides = array<i32>} : memref<5x128xi32, #tpu.memory_space<vmem>>, vector<16xi32>,
      %get3A_931 = arith.constant 800 : index
      %get3A_932 = tpu.vector_load %arg10[%get3A_931] {strides = array<i32>} : memref<1024xf32, #tpu.memory_space<vmem>>, vector<16xf32>,
      %convert_element_type3A_933 = arith.fptosi %get3A_932 : vector<16xf32> to vector<16xi32>
      %swap3A_934 = arith.constant 2 : i32
      %swap3A_935 = arith.index_cast %swap3A_934 : i32 to index
      %swap3A_936 = arith.constant 32 : index
      %swap3A_937 = tpu.vector_load %arg12[%swap3A_935, %swap3A_936] {strides = array<i32>} : memref<5x128xi32, #tpu.memory_space<vmem>>, vector<16xi32>,
      tpu.vector_store %arg12[%swap3A_935, %swap3A_936], %convert_element_type3A_933 {strides = array<i32>} : memref<5x128xi32, #tpu.memory_space<vmem>>, vector<16xi32>,
      %get3A_938 = arith.constant 816 : index
      %get3A_939 = tpu.vector_load %arg10[%get3A_938] {strides = array<i32>} : memref<1024xf32, #tpu.memory_space<vmem>>, vector<16xf32>,
      %convert_element_type3A_940 = arith.fptosi %get3A_939 : vector<16xf32> to vector<16xi32>
      %swap3A_941 = arith.constant 2 : i32
      %swap3A_942 = arith.index_cast %swap3A_941 : i32 to index
      %swap3A_943 = arith.constant 48 : index
      %swap3A_944 = tpu.vector_load %arg12[%swap3A_942, %swap3A_943] {strides = array<i32>} : memref<5x128xi32, #tpu.memory_space<vmem>>, vector<16xi32>,
      tpu.vector_store %arg12[%swap3A_942, %swap3A_943], %convert_element_type3A_940 {strides = array<i32>} : memref<5x128xi32, #tpu.memory_space<vmem>>, vector<16xi32>,
      %get3A_945 = arith.constant 832 : index
      %get3A_946 = tpu.vector_load %arg10[%get3A_945] {strides = array<i32>} : memref<1024xf32, #tpu.memory_space<vmem>>, vector<16xf32>,
      %convert_element_type3A_947 = arith.fptosi %get3A_946 : vector<16xf32> to vector<16xi32>
      %swap3A_948 = arith.constant 2 : i32
      %swap3A_949 = arith.index_cast %swap3A_948 : i32 to index
      %swap3A_950 = arith.constant 64 : index
      %swap3A_951 = tpu.vector_load %arg12[%swap3A_949, %swap3A_950] {strides = array<i32>} : memref<5x128xi32, #tpu.memory_space<vmem>>, vector<16xi32>,
      tpu.vector_store %arg12[%swap3A_949, %swap3A_950], %convert_element_type3A_947 {strides = array<i32>} : memref<5x128xi32, #tpu.memory_space<vmem>>, vector<16xi32>,
      %get3A_952 = arith.constant 848 : index
      %get3A_953 = tpu.vector_load %arg10[%get3A_952] {strides = array<i32>} : memref<1024xf32, #tpu.memory_space<vmem>>, vector<16xf32>,
      %convert_element_type3A_954 = arith.fptosi %get3A_953 : vector<16xf32> to vector<16xi32>
      %swap3A_955 = arith.constant 2 : i32
      %swap3A_956 = arith.index_cast %swap3A_955 : i32 to index
      %swap3A_957 = arith.constant 80 : index
      %swap3A_958 = tpu.vector_load %arg12[%swap3A_956, %swap3A_957] {strides = array<i32>} : memref<5x128xi32, #tpu.memory_space<vmem>>, vector<16xi32>,
      tpu.vector_store %arg12[%swap3A_956, %swap3A_957], %convert_element_type3A_954 {strides = array<i32>} : memref<5x128xi32, #tpu.memory_space<vmem>>, vector<16xi32>,
      %get3A_959 = arith.constant 864 : index
      %get3A_960 = tpu.vector_load %arg10[%get3A_959] {strides = array<i32>} : memref<1024xf32, #tpu.memory_space<vmem>>, vector<16xf32>,
      %convert_element_type3A_961 = arith.fptosi %get3A_960 : vector<16xf32> to vector<16xi32>
      %swap3A_962 = arith.constant 2 : i32
      %swap3A_963 = arith.index_cast %swap3A_962 : i32 to index
      %swap3A_964 = arith.constant 96 : index
      %swap3A_965 = tpu.vector_load %arg12[%swap3A_963, %swap3A_964] {strides = array<i32>} : memref<5x128xi32, #tpu.memory_space<vmem>>, vector<16xi32>,
      tpu.vector_store %arg12[%swap3A_963, %swap3A_964], %convert_element_type3A_961 {strides = array<i32>} : memref<5x128xi32, #tpu.memory_space<vmem>>, vector<16xi32>,
      %get3A_966 = arith.constant 880 : index
      %get3A_967 = tpu.vector_load %arg10[%get3A_966] {strides = array<i32>} : memref<1024xf32, #tpu.memory_space<vmem>>, vector<16xf32>,
      %convert_element_type3A_968 = arith.fptosi %get3A_967 : vector<16xf32> to vector<16xi32>
      %swap3A_969 = arith.constant 2 : i32
      %swap3A_970 = arith.index_cast %swap3A_969 : i32 to index
      %swap3A_971 = arith.constant 112 : index
      %swap3A_972 = tpu.vector_load %arg12[%swap3A_970, %swap3A_971] {strides = array<i32>} : memref<5x128xi32, #tpu.memory_space<vmem>>, vector<16xi32>,
      tpu.vector_store %arg12[%swap3A_970, %swap3A_971], %convert_element_type3A_968 {strides = array<i32>} : memref<5x128xi32, #tpu.memory_space<vmem>>, vector<16xi32>,
      %get3A_973 = arith.constant 896 : index
      %get3A_974 = tpu.vector_load %arg10[%get3A_973] {strides = array<i32>} : memref<1024xf32, #tpu.memory_space<vmem>>, vector<16xf32>,
      %convert_element_type3A_975 = arith.fptosi %get3A_974 : vector<16xf32> to vector<16xi32>
      %swap3A_976 = arith.constant 3 : i32
      %swap3A_977 = arith.index_cast %swap3A_976 : i32 to index
      %swap3A_978 = arith.constant 0 : index
      %swap3A_979 = tpu.vector_load %arg12[%swap3A_977, %swap3A_978] {strides = array<i32>} : memref<5x128xi32, #tpu.memory_space<vmem>>, vector<16xi32>,
      tpu.vector_store %arg12[%swap3A_977, %swap3A_978], %convert_element_type3A_975 {strides = array<i32>} : memref<5x128xi32, #tpu.memory_space<vmem>>, vector<16xi32>,
      %get3A_980 = arith.constant 912 : index
      %get3A_981 = tpu.vector_load %arg10[%get3A_980] {strides = array<i32>} : memref<1024xf32, #tpu.memory_space<vmem>>, vector<16xf32>,
      %convert_element_type3A_982 = arith.fptosi %get3A_981 : vector<16xf32> to vector<16xi32>
      %swap3A_983 = arith.constant 3 : i32
      %swap3A_984 = arith.index_cast %swap3A_983 : i32 to index
      %swap3A_985 = arith.constant 16 : index
      %swap3A_986 = tpu.vector_load %arg12[%swap3A_984, %swap3A_985] {strides = array<i32>} : memref<5x128xi32, #tpu.memory_space<vmem>>, vector<16xi32>,
      tpu.vector_store %arg12[%swap3A_984, %swap3A_985], %convert_element_type3A_982 {strides = array<i32>} : memref<5x128xi32, #tpu.memory_space<vmem>>, vector<16xi32>,
      %get3A_987 = arith.constant 928 : index
      %get3A_988 = tpu.vector_load %arg10[%get3A_987] {strides = array<i32>} : memref<1024xf32, #tpu.memory_space<vmem>>, vector<16xf32>,
      %convert_element_type3A_989 = arith.fptosi %get3A_988 : vector<16xf32> to vector<16xi32>
      %swap3A_990 = arith.constant 3 : i32
      %swap3A_991 = arith.index_cast %swap3A_990 : i32 to index
      %swap3A_992 = arith.constant 32 : index
      %swap3A_993 = tpu.vector_load %arg12[%swap3A_991, %swap3A_992] {strides = array<i32>} : memref<5x128xi32, #tpu.memory_space<vmem>>, vector<16xi32>,
      tpu.vector_store %arg12[%swap3A_991, %swap3A_992], %convert_element_type3A_989 {strides = array<i32>} : memref<5x128xi32, #tpu.memory_space<vmem>>, vector<16xi32>,
      %get3A_994 = arith.constant 944 : index
      %get3A_995 = tpu.vector_load %arg10[%get3A_994] {strides = array<i32>} : memref<1024xf32, #tpu.memory_space<vmem>>, vector<16xf32>,
      %convert_element_type3A_996 = arith.fptosi %get3A_995 : vector<16xf32> to vector<16xi32>
      %swap3A_997 = arith.constant 3 : i32
      %swap3A_998 = arith.index_cast %swap3A_997 : i32 to index
      %swap3A_999 = arith.constant 48 : index
      %swap3A_1000 = tpu.vector_load %arg12[%swap3A_998, %swap3A_999] {strides = array<i32>} : memref<5x128xi32, #tpu.memory_space<vmem>>, vector<16xi32>,
      tpu.vector_store %arg12[%swap3A_998, %swap3A_999], %convert_element_type3A_996 {strides = array<i32>} : memref<5x128xi32, #tpu.memory_space<vmem>>, vector<16xi32>,
      %get3A_1001 = arith.constant 960 : index
      %get3A_1002 = tpu.vector_load %arg10[%get3A_1001] {strides = array<i32>} : memref<1024xf32, #tpu.memory_space<vmem>>, vector<16xf32>,
      %convert_element_type3A_1003 = arith.fptosi %get3A_1002 : vector<16xf32> to vector<16xi32>
      %swap3A_1004 = arith.constant 3 : i32
      %swap3A_1005 = arith.index_cast %swap3A_1004 : i32 to index
      %swap3A_1006 = arith.constant 64 : index
      %swap3A_1007 = tpu.vector_load %arg12[%swap3A_1005, %swap3A_1006] {strides = array<i32>} : memref<5x128xi32, #tpu.memory_space<vmem>>, vector<16xi32>,
      tpu.vector_store %arg12[%swap3A_1005, %swap3A_1006], %convert_element_type3A_1003 {strides = array<i32>} : memref<5x128xi32, #tpu.memory_space<vmem>>, vector<16xi32>,
      %get3A_1008 = arith.constant 976 : index
      %get3A_1009 = tpu.vector_load %arg10[%get3A_1008] {strides = array<i32>} : memref<1024xf32, #tpu.memory_space<vmem>>, vector<16xf32>,
      %convert_element_type3A_1010 = arith.fptosi %get3A_1009 : vector<16xf32> to vector<16xi32>
      %swap3A_1011 = arith.constant 3 : i32
      %swap3A_1012 = arith.index_cast %swap3A_1011 : i32 to index
      %swap3A_1013 = arith.constant 80 : index
      %swap3A_1014 = tpu.vector_load %arg12[%swap3A_1012, %swap3A_1013] {strides = array<i32>} : memref<5x128xi32, #tpu.memory_space<vmem>>, vector<16xi32>,
      tpu.vector_store %arg12[%swap3A_1012, %swap3A_1013], %convert_element_type3A_1010 {strides = array<i32>} : memref<5x128xi32, #tpu.memory_space<vmem>>, vector<16xi32>,
      %get3A_1015 = arith.constant 992 : index
      %get3A_1016 = tpu.vector_load %arg10[%get3A_1015] {strides = array<i32>} : memref<1024xf32, #tpu.memory_space<vmem>>, vector<16xf32>,
      %convert_element_type3A_1017 = arith.fptosi %get3A_1016 : vector<16xf32> to vector<16xi32>
      %swap3A_1018 = arith.constant 3 : i32
      %swap3A_1019 = arith.index_cast %swap3A_1018 : i32 to index
      %swap3A_1020 = arith.constant 96 : index
      %swap3A_1021 = tpu.vector_load %arg12[%swap3A_1019, %swap3A_1020] {strides = array<i32>} : memref<5x128xi32, #tpu.memory_space<vmem>>, vector<16xi32>,
      tpu.vector_store %arg12[%swap3A_1019, %swap3A_1020], %convert_element_type3A_1017 {strides = array<i32>} : memref<5x128xi32, #tpu.memory_space<vmem>>, vector<16xi32>,
      %get3A_1022 = arith.constant 1008 : index
      %get3A_1023 = tpu.vector_load %arg10[%get3A_1022] {strides = array<i32>} : memref<1024xf32, #tpu.memory_space<vmem>>, vector<16xf32>,
      %convert_element_type3A_1024 = arith.fptosi %get3A_1023 : vector<16xf32> to vector<16xi32>
      %swap3A_1025 = arith.constant 3 : i32
      %swap3A_1026 = arith.index_cast %swap3A_1025 : i32 to index
      %swap3A_1027 = arith.constant 112 : index
      %swap3A_1028 = tpu.vector_load %arg12[%swap3A_1026, %swap3A_1027] {strides = array<i32>} : memref<5x128xi32, #tpu.memory_space<vmem>>, vector<16xi32>,
      tpu.vector_store %arg12[%swap3A_1026, %swap3A_1027], %convert_element_type3A_1024 {strides = array<i32>} : memref<5x128xi32, #tpu.memory_space<vmem>>, vector<16xi32>,
      %add3A_1029 = arith.constant 0 : i32
      %add3A_1030 = arith.addi %mul3A_2, %add3A_1029 : i32
      %mul3A_1031 = arith.constant 200 : i32
      %mul3A_1032 = arith.muli %add3A_1030, %mul3A_1031 : i32
      %add3A_1033 = arith.addi %mul3A_1032, %add3A_660 : i32
      %add3A_1034 = vector.broadcast %add3A_1033 : i32 to vector<16xi32>
      %add3A_1035 = arith.addi %mul3A_5, %add3A_1034 : vector<16xi32>
      %swap3A_1036 = arith.constant 4 : i32
      %swap3A_1037 = arith.index_cast %swap3A_1036 : i32 to index
      %swap3A_1038 = arith.constant 0 : index
      %swap3A_1039 = tpu.vector_load %arg12[%swap3A_1037, %swap3A_1038] {strides = array<i32>} : memref<5x128xi32, #tpu.memory_space<vmem>>, vector<16xi32>,
      tpu.vector_store %arg12[%swap3A_1037, %swap3A_1038], %add3A_1035 {strides = array<i32>} : memref<5x128xi32, #tpu.memory_space<vmem>>, vector<16xi32>,
      %add3A_1040 = arith.constant 16 : i32
      %add3A_1041 = arith.addi %mul3A_2, %add3A_1040 : i32
      %mul3A_1042 = arith.constant 200 : i32
      %mul3A_1043 = arith.muli %add3A_1041, %mul3A_1042 : i32
      %add3A_1044 = arith.addi %mul3A_1043, %add3A_660 : i32
      %add3A_1045 = vector.broadcast %add3A_1044 : i32 to vector<16xi32>
      %add3A_1046 = arith.addi %mul3A_5, %add3A_1045 : vector<16xi32>
      %swap3A_1047 = arith.constant 4 : i32
      %swap3A_1048 = arith.index_cast %swap3A_1047 : i32 to index
      %swap3A_1049 = arith.constant 16 : index
      %swap3A_1050 = tpu.vector_load %arg12[%swap3A_1048, %swap3A_1049] {strides = array<i32>} : memref<5x128xi32, #tpu.memory_space<vmem>>, vector<16xi32>,
      tpu.vector_store %arg12[%swap3A_1048, %swap3A_1049], %add3A_1046 {strides = array<i32>} : memref<5x128xi32, #tpu.memory_space<vmem>>, vector<16xi32>,
      %add3A_1051 = arith.constant 32 : i32
      %add3A_1052 = arith.addi %mul3A_2, %add3A_1051 : i32
      %mul3A_1053 = arith.constant 200 : i32
      %mul3A_1054 = arith.muli %add3A_1052, %mul3A_1053 : i32
      %add3A_1055 = arith.addi %mul3A_1054, %add3A_660 : i32
      %add3A_1056 = vector.broadcast %add3A_1055 : i32 to vector<16xi32>
      %add3A_1057 = arith.addi %mul3A_5, %add3A_1056 : vector<16xi32>
      %swap3A_1058 = arith.constant 4 : i32
      %swap3A_1059 = arith.index_cast %swap3A_1058 : i32 to index
      %swap3A_1060 = arith.constant 32 : index
      %swap3A_1061 = tpu.vector_load %arg12[%swap3A_1059, %swap3A_1060] {strides = array<i32>} : memref<5x128xi32, #tpu.memory_space<vmem>>, vector<16xi32>,
      tpu.vector_store %arg12[%swap3A_1059, %swap3A_1060], %add3A_1057 {strides = array<i32>} : memref<5x128xi32, #tpu.memory_space<vmem>>, vector<16xi32>,
      %add3A_1062 = arith.constant 48 : i32
      %add3A_1063 = arith.addi %mul3A_2, %add3A_1062 : i32
      %mul3A_1064 = arith.constant 200 : i32
      %mul3A_1065 = arith.muli %add3A_1063, %mul3A_1064 : i32
      %add3A_1066 = arith.addi %mul3A_1065, %add3A_660 : i32
      %add3A_1067 = vector.broadcast %add3A_1066 : i32 to vector<16xi32>
      %add3A_1068 = arith.addi %mul3A_5, %add3A_1067 : vector<16xi32>
      %swap3A_1069 = arith.constant 4 : i32
      %swap3A_1070 = arith.index_cast %swap3A_1069 : i32 to index
      %swap3A_1071 = arith.constant 48 : index
      %swap3A_1072 = tpu.vector_load %arg12[%swap3A_1070, %swap3A_1071] {strides = array<i32>} : memref<5x128xi32, #tpu.memory_space<vmem>>, vector<16xi32>,
      tpu.vector_store %arg12[%swap3A_1070, %swap3A_1071], %add3A_1068 {strides = array<i32>} : memref<5x128xi32, #tpu.memory_space<vmem>>, vector<16xi32>,
      %add3A_1073 = arith.constant 64 : i32
      %add3A_1074 = arith.addi %mul3A_2, %add3A_1073 : i32
      %mul3A_1075 = arith.constant 200 : i32
      %mul3A_1076 = arith.muli %add3A_1074, %mul3A_1075 : i32
      %add3A_1077 = arith.addi %mul3A_1076, %add3A_660 : i32
      %add3A_1078 = vector.broadcast %add3A_1077 : i32 to vector<16xi32>
      %add3A_1079 = arith.addi %mul3A_5, %add3A_1078 : vector<16xi32>
      %swap3A_1080 = arith.constant 4 : i32
      %swap3A_1081 = arith.index_cast %swap3A_1080 : i32 to index
      %swap3A_1082 = arith.constant 64 : index
      %swap3A_1083 = tpu.vector_load %arg12[%swap3A_1081, %swap3A_1082] {strides = array<i32>} : memref<5x128xi32, #tpu.memory_space<vmem>>, vector<16xi32>,
      tpu.vector_store %arg12[%swap3A_1081, %swap3A_1082], %add3A_1079 {strides = array<i32>} : memref<5x128xi32, #tpu.memory_space<vmem>>, vector<16xi32>,
      %add3A_1084 = arith.constant 80 : i32
      %add3A_1085 = arith.addi %mul3A_2, %add3A_1084 : i32
      %mul3A_1086 = arith.constant 200 : i32
      %mul3A_1087 = arith.muli %add3A_1085, %mul3A_1086 : i32
      %add3A_1088 = arith.addi %mul3A_1087, %add3A_660 : i32
      %add3A_1089 = vector.broadcast %add3A_1088 : i32 to vector<16xi32>
      %add3A_1090 = arith.addi %mul3A_5, %add3A_1089 : vector<16xi32>
      %swap3A_1091 = arith.constant 4 : i32
      %swap3A_1092 = arith.index_cast %swap3A_1091 : i32 to index
      %swap3A_1093 = arith.constant 80 : index
      %swap3A_1094 = tpu.vector_load %arg12[%swap3A_1092, %swap3A_1093] {strides = array<i32>} : memref<5x128xi32, #tpu.memory_space<vmem>>, vector<16xi32>,
      tpu.vector_store %arg12[%swap3A_1092, %swap3A_1093], %add3A_1090 {strides = array<i32>} : memref<5x128xi32, #tpu.memory_space<vmem>>, vector<16xi32>,
      %add3A_1095 = arith.constant 96 : i32
      %add3A_1096 = arith.addi %mul3A_2, %add3A_1095 : i32
      %mul3A_1097 = arith.constant 200 : i32
      %mul3A_1098 = arith.muli %add3A_1096, %mul3A_1097 : i32
      %add3A_1099 = arith.addi %mul3A_1098, %add3A_660 : i32
      %add3A_1100 = vector.broadcast %add3A_1099 : i32 to vector<16xi32>
      %add3A_1101 = arith.addi %mul3A_5, %add3A_1100 : vector<16xi32>
      %swap3A_1102 = arith.constant 4 : i32
      %swap3A_1103 = arith.index_cast %swap3A_1102 : i32 to index
      %swap3A_1104 = arith.constant 96 : index
      %swap3A_1105 = tpu.vector_load %arg12[%swap3A_1103, %swap3A_1104] {strides = array<i32>} : memref<5x128xi32, #tpu.memory_space<vmem>>, vector<16xi32>,
      tpu.vector_store %arg12[%swap3A_1103, %swap3A_1104], %add3A_1101 {strides = array<i32>} : memref<5x128xi32, #tpu.memory_space<vmem>>, vector<16xi32>,
      %add3A_1106 = arith.constant 112 : i32
      %add3A_1107 = arith.addi %mul3A_2, %add3A_1106 : i32
      %mul3A_1108 = arith.constant 200 : i32
      %mul3A_1109 = arith.muli %add3A_1107, %mul3A_1108 : i32
      %add3A_1110 = arith.addi %mul3A_1109, %add3A_660 : i32
      %add3A_1111 = vector.broadcast %add3A_1110 : i32 to vector<16xi32>
      %add3A_1112 = arith.addi %mul3A_5, %add3A_1111 : vector<16xi32>
      %swap3A_1113 = arith.constant 4 : i32
      %swap3A_1114 = arith.index_cast %swap3A_1113 : i32 to index
      %swap3A_1115 = arith.constant 112 : index
      %swap3A_1116 = tpu.vector_load %arg12[%swap3A_1114, %swap3A_1115] {strides = array<i32>} : memref<5x128xi32, #tpu.memory_space<vmem>>, vector<16xi32>,
      tpu.vector_store %arg12[%swap3A_1114, %swap3A_1115], %add3A_1112 {strides = array<i32>} : memref<5x128xi32, #tpu.memory_space<vmem>>, vector<16xi32>,
      %scan3A_1117 = arith.constant 0 : i32
      %scan3A_1118 = arith.constant 0 : i32
      %scan3A_1119 = arith.constant 128 : i32
      %scan3A_1120 = arith.addi %scan3A_1118, %scan3A_1119 : i32
      %scan3A_1121 = arith.constant 1 : i32
      scf.for %scan3A_1225 = %scan3A_1118 to %scan3A_1120 step %scan3A_1121  : i32 {
        %add3A_1226 = arith.constant 0 : i32
        %add3A_1227 = arith.addi %add3A_1226, %scan3A_1225 : i32
        %broadcast_in_dim3A = vector.broadcast %add3A_1227 : i32 to vector<16xi32>
        %gather3A = tpu.vector_load_idx %arg10[%broadcast_in_dim3A] : memref<1024xf32, #tpu.memory_space<vmem>>[vector<16xi32>], vector<16xf32>,
        %add3A_1228 = arith.constant 128 : i32
        %add3A_1229 = arith.addi %add3A_1228, %scan3A_1225 : i32
        %broadcast_in_dim3A_1230 = vector.broadcast %add3A_1229 : i32 to vector<16xi32>
        %gather3A_1231 = tpu.vector_load_idx %arg10[%broadcast_in_dim3A_1230] : memref<1024xf32, #tpu.memory_space<vmem>>[vector<16xi32>], vector<16xf32>,
        %add3A_1232 = arith.constant 256 : i32
        %add3A_1233 = arith.addi %add3A_1232, %scan3A_1225 : i32
        %broadcast_in_dim3A_1234 = vector.broadcast %add3A_1233 : i32 to vector<16xi32>
        %gather3A_1235 = tpu.vector_load_idx %arg10[%broadcast_in_dim3A_1234] : memref<1024xf32, #tpu.memory_space<vmem>>[vector<16xi32>], vector<16xf32>,
        %add3A_1236 = arith.constant 384 : i32
        %add3A_1237 = arith.addi %add3A_1236, %scan3A_1225 : i32
        %broadcast_in_dim3A_1238 = vector.broadcast %add3A_1237 : i32 to vector<16xi32>
        %gather3A_1239 = tpu.vector_load_idx %arg10[%broadcast_in_dim3A_1238] : memref<1024xf32, #tpu.memory_space<vmem>>[vector<16xi32>], vector<16xf32>,
        %mul3A_1240 = arith.mulf %gather3A, %get3A_8 : vector<16xf32>
        %add3A_1241 = arith.addf %get3A_136, %mul3A_1240 : vector<16xf32>
        %mul3A_1242 = arith.mulf %gather3A_1231, %get3A_12 : vector<16xf32>
        %add3A_1243 = arith.addf %add3A_1241, %mul3A_1242 : vector<16xf32>
        %mul3A_1244 = arith.mulf %gather3A_1235, %get3A_16 : vector<16xf32>
        %add3A_1245 = arith.addf %add3A_1243, %mul3A_1244 : vector<16xf32>
        %mul3A_1246 = arith.mulf %gather3A_1239, %get3A_20 : vector<16xf32>
        %add3A_1247 = arith.addf %add3A_1245, %mul3A_1246 : vector<16xf32>
        %swap3A_1248 = arith.index_cast %scan3A_1225 : i32 to index
        %swap3A_1249 = arith.constant 0 : index
        %swap3A_1250 = tpu.vector_load %arg14[%swap3A_1248, %swap3A_1249] {strides = array<i32>} : memref<128x128xf32, #tpu.memory_space<vmem>>, vector<16xf32>,
        tpu.vector_store %arg14[%swap3A_1248, %swap3A_1249], %add3A_1247 {strides = array<i32>} : memref<128x128xf32, #tpu.memory_space<vmem>>, vector<16xf32>,
        %mul3A_1251 = arith.mulf %gather3A, %get3A_24 : vector<16xf32>
        %add3A_1252 = arith.addf %get3A_140, %mul3A_1251 : vector<16xf32>
        %mul3A_1253 = arith.mulf %gather3A_1231, %get3A_28 : vector<16xf32>
        %add3A_1254 = arith.addf %add3A_1252, %mul3A_1253 : vector<16xf32>
        %mul3A_1255 = arith.mulf %gather3A_1235, %get3A_32 : vector<16xf32>
        %add3A_1256 = arith.addf %add3A_1254, %mul3A_1255 : vector<16xf32>
        %mul3A_1257 = arith.mulf %gather3A_1239, %get3A_36 : vector<16xf32>
        %add3A_1258 = arith.addf %add3A_1256, %mul3A_1257 : vector<16xf32>
        %swap3A_1259 = arith.index_cast %scan3A_1225 : i32 to index
        %swap3A_1260 = arith.constant 16 : index
        %swap3A_1261 = tpu.vector_load %arg14[%swap3A_1259, %swap3A_1260] {strides = array<i32>} : memref<128x128xf32, #tpu.memory_space<vmem>>, vector<16xf32>,
        tpu.vector_store %arg14[%swap3A_1259, %swap3A_1260], %add3A_1258 {strides = array<i32>} : memref<128x128xf32, #tpu.memory_space<vmem>>, vector<16xf32>,
        %mul3A_1262 = arith.mulf %gather3A, %get3A_40 : vector<16xf32>
        %add3A_1263 = arith.addf %get3A_144, %mul3A_1262 : vector<16xf32>
        %mul3A_1264 = arith.mulf %gather3A_1231, %get3A_44 : vector<16xf32>
        %add3A_1265 = arith.addf %add3A_1263, %mul3A_1264 : vector<16xf32>
        %mul3A_1266 = arith.mulf %gather3A_1235, %get3A_48 : vector<16xf32>
        %add3A_1267 = arith.addf %add3A_1265, %mul3A_1266 : vector<16xf32>
        %mul3A_1268 = arith.mulf %gather3A_1239, %get3A_52 : vector<16xf32>
        %add3A_1269 = arith.addf %add3A_1267, %mul3A_1268 : vector<16xf32>
        %swap3A_1270 = arith.index_cast %scan3A_1225 : i32 to index
        %swap3A_1271 = arith.constant 32 : index
        %swap3A_1272 = tpu.vector_load %arg14[%swap3A_1270, %swap3A_1271] {strides = array<i32>} : memref<128x128xf32, #tpu.memory_space<vmem>>, vector<16xf32>,
        tpu.vector_store %arg14[%swap3A_1270, %swap3A_1271], %add3A_1269 {strides = array<i32>} : memref<128x128xf32, #tpu.memory_space<vmem>>, vector<16xf32>,
        %mul3A_1273 = arith.mulf %gather3A, %get3A_56 : vector<16xf32>
        %add3A_1274 = arith.addf %get3A_148, %mul3A_1273 : vector<16xf32>
        %mul3A_1275 = arith.mulf %gather3A_1231, %get3A_60 : vector<16xf32>
        %add3A_1276 = arith.addf %add3A_1274, %mul3A_1275 : vector<16xf32>
        %mul3A_1277 = arith.mulf %gather3A_1235, %get3A_64 : vector<16xf32>
        %add3A_1278 = arith.addf %add3A_1276, %mul3A_1277 : vector<16xf32>
        %mul3A_1279 = arith.mulf %gather3A_1239, %get3A_68 : vector<16xf32>
        %add3A_1280 = arith.addf %add3A_1278, %mul3A_1279 : vector<16xf32>
        %swap3A_1281 = arith.index_cast %scan3A_1225 : i32 to index
        %swap3A_1282 = arith.constant 48 : index
        %swap3A_1283 = tpu.vector_load %arg14[%swap3A_1281, %swap3A_1282] {strides = array<i32>} : memref<128x128xf32, #tpu.memory_space<vmem>>, vector<16xf32>,
        tpu.vector_store %arg14[%swap3A_1281, %swap3A_1282], %add3A_1280 {strides = array<i32>} : memref<128x128xf32, #tpu.memory_space<vmem>>, vector<16xf32>,
        %mul3A_1284 = arith.mulf %gather3A, %get3A_72 : vector<16xf32>
        %add3A_1285 = arith.addf %get3A_152, %mul3A_1284 : vector<16xf32>
        %mul3A_1286 = arith.mulf %gather3A_1231, %get3A_76 : vector<16xf32>
        %add3A_1287 = arith.addf %add3A_1285, %mul3A_1286 : vector<16xf32>
        %mul3A_1288 = arith.mulf %gather3A_1235, %get3A_80 : vector<16xf32>
        %add3A_1289 = arith.addf %add3A_1287, %mul3A_1288 : vector<16xf32>
        %mul3A_1290 = arith.mulf %gather3A_1239, %get3A_84 : vector<16xf32>
        %add3A_1291 = arith.addf %add3A_1289, %mul3A_1290 : vector<16xf32>
        %swap3A_1292 = arith.index_cast %scan3A_1225 : i32 to index
        %swap3A_1293 = arith.constant 64 : index
        %swap3A_1294 = tpu.vector_load %arg14[%swap3A_1292, %swap3A_1293] {strides = array<i32>} : memref<128x128xf32, #tpu.memory_space<vmem>>, vector<16xf32>,
        tpu.vector_store %arg14[%swap3A_1292, %swap3A_1293], %add3A_1291 {strides = array<i32>} : memref<128x128xf32, #tpu.memory_space<vmem>>, vector<16xf32>,
        %mul3A_1295 = arith.mulf %gather3A, %get3A_88 : vector<16xf32>
        %add3A_1296 = arith.addf %get3A_156, %mul3A_1295 : vector<16xf32>
        %mul3A_1297 = arith.mulf %gather3A_1231, %get3A_92 : vector<16xf32>
        %add3A_1298 = arith.addf %add3A_1296, %mul3A_1297 : vector<16xf32>
        %mul3A_1299 = arith.mulf %gather3A_1235, %get3A_96 : vector<16xf32>
        %add3A_1300 = arith.addf %add3A_1298, %mul3A_1299 : vector<16xf32>
        %mul3A_1301 = arith.mulf %gather3A_1239, %get3A_100 : vector<16xf32>
        %add3A_1302 = arith.addf %add3A_1300, %mul3A_1301 : vector<16xf32>
        %swap3A_1303 = arith.index_cast %scan3A_1225 : i32 to index
        %swap3A_1304 = arith.constant 80 : index
        %swap3A_1305 = tpu.vector_load %arg14[%swap3A_1303, %swap3A_1304] {strides = array<i32>} : memref<128x128xf32, #tpu.memory_space<vmem>>, vector<16xf32>,
        tpu.vector_store %arg14[%swap3A_1303, %swap3A_1304], %add3A_1302 {strides = array<i32>} : memref<128x128xf32, #tpu.memory_space<vmem>>, vector<16xf32>,
        %mul3A_1306 = arith.mulf %gather3A, %get3A_104 : vector<16xf32>
        %add3A_1307 = arith.addf %get3A_160, %mul3A_1306 : vector<16xf32>
        %mul3A_1308 = arith.mulf %gather3A_1231, %get3A_108 : vector<16xf32>
        %add3A_1309 = arith.addf %add3A_1307, %mul3A_1308 : vector<16xf32>
        %mul3A_1310 = arith.mulf %gather3A_1235, %get3A_112 : vector<16xf32>
        %add3A_1311 = arith.addf %add3A_1309, %mul3A_1310 : vector<16xf32>
        %mul3A_1312 = arith.mulf %gather3A_1239, %get3A_116 : vector<16xf32>
        %add3A_1313 = arith.addf %add3A_1311, %mul3A_1312 : vector<16xf32>
        %swap3A_1314 = arith.index_cast %scan3A_1225 : i32 to index
        %swap3A_1315 = arith.constant 96 : index
        %swap3A_1316 = tpu.vector_load %arg14[%swap3A_1314, %swap3A_1315] {strides = array<i32>} : memref<128x128xf32, #tpu.memory_space<vmem>>, vector<16xf32>,
        tpu.vector_store %arg14[%swap3A_1314, %swap3A_1315], %add3A_1313 {strides = array<i32>} : memref<128x128xf32, #tpu.memory_space<vmem>>, vector<16xf32>,
        %mul3A_1317 = arith.mulf %gather3A, %get3A_120 : vector<16xf32>
        %add3A_1318 = arith.addf %get3A_164, %mul3A_1317 : vector<16xf32>
        %mul3A_1319 = arith.mulf %gather3A_1231, %get3A_124 : vector<16xf32>
        %add3A_1320 = arith.addf %add3A_1318, %mul3A_1319 : vector<16xf32>
        %mul3A_1321 = arith.mulf %gather3A_1235, %get3A_128 : vector<16xf32>
        %add3A_1322 = arith.addf %add3A_1320, %mul3A_1321 : vector<16xf32>
        %mul3A_1323 = arith.mulf %gather3A_1239, %get3A_132 : vector<16xf32>
        %add3A_1324 = arith.addf %add3A_1322, %mul3A_1323 : vector<16xf32>
        %swap3A_1325 = arith.index_cast %scan3A_1225 : i32 to index
        %swap3A_1326 = arith.constant 112 : index
        %swap3A_1327 = tpu.vector_load %arg14[%swap3A_1325, %swap3A_1326] {strides = array<i32>} : memref<128x128xf32, #tpu.memory_space<vmem>>, vector<16xf32>,
        tpu.vector_store %arg14[%swap3A_1325, %swap3A_1326], %add3A_1324 {strides = array<i32>} : memref<128x128xf32, #tpu.memory_space<vmem>>, vector<16xf32>,
      }
      %scan3A_1122 = arith.constant 128 : i32
      %dma_start3A_1123 = arith.constant 0 : i32
      %dma_start3A_1124 = arith.constant 0 : i32
      %dma_start3A_1125 = tpu.memref_slice %arg12[%dma_start3A_1123, %dma_start3A_1124] : memref<5x128xi32, #tpu.memory_space<vmem>> -> memref<1x128xi32, #tpu.memory_space<vmem>>
      %dma_start3A_1126 = tpu.memref_squeeze %dma_start3A_1125 : memref<1x128xi32, #tpu.memory_space<vmem>> -> memref<128xi32, #tpu.memory_space<vmem>>
      %dma_start3A_1127 = arith.constant 0 : i32
      %dma_start3A_1128 = arith.constant 0 : i32
      %dma_start3A_1129 = tpu.memref_slice %arg2[%dma_start3A_1127, %dma_start3A_1128] : memref<100000x128xf32, #tpu.memory_space<hbm>> -> memref<100000x128xf32, #tpu.memory_space<hbm>>
      tpu.enqueue_indirect_dma source(%dma_start3A_1129 : memref<100000x128xf32, #tpu.memory_space<hbm>>) target(%arg14 : memref<128x128xf32, #tpu.memory_space<vmem>>) offsets(%dma_start3A_1126 : memref<128xi32, #tpu.memory_space<vmem>>) semaphore(%arg18 : memref<!tpu.dma_semaphore, #tpu.memory_space<semaphore_mem>>) {add = true}
      %dma_start3A_1130 = arith.constant 1 : i32
      %dma_start3A_1131 = arith.constant 0 : i32
      %dma_start3A_1132 = tpu.memref_slice %arg12[%dma_start3A_1130, %dma_start3A_1131] : memref<5x128xi32, #tpu.memory_space<vmem>> -> memref<1x128xi32, #tpu.memory_space<vmem>>
      %dma_start3A_1133 = tpu.memref_squeeze %dma_start3A_1132 : memref<1x128xi32, #tpu.memory_space<vmem>> -> memref<128xi32, #tpu.memory_space<vmem>>
      %dma_start3A_1134 = arith.constant 0 : i32
      %dma_start3A_1135 = arith.constant 0 : i32
      %dma_start3A_1136 = tpu.memref_slice %arg3[%dma_start3A_1134, %dma_start3A_1135] : memref<100000x128xf32, #tpu.memory_space<hbm>> -> memref<100000x128xf32, #tpu.memory_space<hbm>>
      tpu.enqueue_indirect_dma source(%dma_start3A_1136 : memref<100000x128xf32, #tpu.memory_space<hbm>>) target(%arg14 : memref<128x128xf32, #tpu.memory_space<vmem>>) offsets(%dma_start3A_1133 : memref<128xi32, #tpu.memory_space<vmem>>) semaphore(%arg18 : memref<!tpu.dma_semaphore, #tpu.memory_space<semaphore_mem>>) {add = true}
      %dma_start3A_1137 = arith.constant 2 : i32
      %dma_start3A_1138 = arith.constant 0 : i32
      %dma_start3A_1139 = tpu.memref_slice %arg12[%dma_start3A_1137, %dma_start3A_1138] : memref<5x128xi32, #tpu.memory_space<vmem>> -> memref<1x128xi32, #tpu.memory_space<vmem>>
      %dma_start3A_1140 = tpu.memref_squeeze %dma_start3A_1139 : memref<1x128xi32, #tpu.memory_space<vmem>> -> memref<128xi32, #tpu.memory_space<vmem>>
      %dma_start3A_1141 = arith.constant 0 : i32
      %dma_start3A_1142 = arith.constant 0 : i32
      %dma_start3A_1143 = tpu.memref_slice %arg4[%dma_start3A_1141, %dma_start3A_1142] : memref<100000x128xf32, #tpu.memory_space<hbm>> -> memref<100000x128xf32, #tpu.memory_space<hbm>>
      tpu.enqueue_indirect_dma source(%dma_start3A_1143 : memref<100000x128xf32, #tpu.memory_space<hbm>>) target(%arg14 : memref<128x128xf32, #tpu.memory_space<vmem>>) offsets(%dma_start3A_1140 : memref<128xi32, #tpu.memory_space<vmem>>) semaphore(%arg18 : memref<!tpu.dma_semaphore, #tpu.memory_space<semaphore_mem>>) {add = true}
      %dma_start3A_1144 = arith.constant 3 : i32
      %dma_start3A_1145 = arith.constant 0 : i32
      %dma_start3A_1146 = tpu.memref_slice %arg12[%dma_start3A_1144, %dma_start3A_1145] : memref<5x128xi32, #tpu.memory_space<vmem>> -> memref<1x128xi32, #tpu.memory_space<vmem>>
      %dma_start3A_1147 = tpu.memref_squeeze %dma_start3A_1146 : memref<1x128xi32, #tpu.memory_space<vmem>> -> memref<128xi32, #tpu.memory_space<vmem>>
      %dma_start3A_1148 = arith.constant 0 : i32
      %dma_start3A_1149 = arith.constant 0 : i32
      %dma_start3A_1150 = tpu.memref_slice %arg5[%dma_start3A_1148, %dma_start3A_1149] : memref<100000x128xf32, #tpu.memory_space<hbm>> -> memref<100000x128xf32, #tpu.memory_space<hbm>>
      tpu.enqueue_indirect_dma source(%dma_start3A_1150 : memref<100000x128xf32, #tpu.memory_space<hbm>>) target(%arg14 : memref<128x128xf32, #tpu.memory_space<vmem>>) offsets(%dma_start3A_1147 : memref<128xi32, #tpu.memory_space<vmem>>) semaphore(%arg18 : memref<!tpu.dma_semaphore, #tpu.memory_space<semaphore_mem>>) {add = true}
      %dma_wait3A_1151 = arith.constant 0 : i32
      %dma_wait3A_1152 = arith.constant 0 : i32
      %dma_wait3A_1153 = tpu.memref_slice %arg11[%dma_wait3A_1151, %dma_wait3A_1152] : memref<5x128xi32, #tpu.memory_space<vmem>> -> memref<1x128xi32, #tpu.memory_space<vmem>>
      %dma_wait3A_1154 = tpu.memref_squeeze %dma_wait3A_1153 : memref<1x128xi32, #tpu.memory_space<vmem>> -> memref<128xi32, #tpu.memory_space<vmem>>
      %dma_wait3A_1155 = arith.constant 0 : i32
      %dma_wait3A_1156 = arith.constant 0 : i32
      %dma_wait3A_1157 = tpu.memref_slice %arg2[%dma_wait3A_1155, %dma_wait3A_1156] : memref<100000x128xf32, #tpu.memory_space<hbm>> -> memref<100000x128xf32, #tpu.memory_space<hbm>>
      tpu.wait_indirect_dma semaphore(%arg17 : memref<!tpu.dma_semaphore, #tpu.memory_space<semaphore_mem>>) src(%dma_wait3A_1157 : memref<100000x128xf32, #tpu.memory_space<hbm>>) dst(%arg13 : memref<128x128xf32, #tpu.memory_space<vmem>>)
      %dma_wait3A_1158 = arith.constant 1 : i32
      %dma_wait3A_1159 = arith.constant 0 : i32
      %dma_wait3A_1160 = tpu.memref_slice %arg11[%dma_wait3A_1158, %dma_wait3A_1159] : memref<5x128xi32, #tpu.memory_space<vmem>> -> memref<1x128xi32, #tpu.memory_space<vmem>>
      %dma_wait3A_1161 = tpu.memref_squeeze %dma_wait3A_1160 : memref<1x128xi32, #tpu.memory_space<vmem>> -> memref<128xi32, #tpu.memory_space<vmem>>
      %dma_wait3A_1162 = arith.constant 0 : i32
      %dma_wait3A_1163 = arith.constant 0 : i32
      %dma_wait3A_1164 = tpu.memref_slice %arg3[%dma_wait3A_1162, %dma_wait3A_1163] : memref<100000x128xf32, #tpu.memory_space<hbm>> -> memref<100000x128xf32, #tpu.memory_space<hbm>>
      tpu.wait_indirect_dma semaphore(%arg17 : memref<!tpu.dma_semaphore, #tpu.memory_space<semaphore_mem>>) src(%dma_wait3A_1164 : memref<100000x128xf32, #tpu.memory_space<hbm>>) dst(%arg13 : memref<128x128xf32, #tpu.memory_space<vmem>>)
      %dma_wait3A_1165 = arith.constant 2 : i32
      %dma_wait3A_1166 = arith.constant 0 : i32
      %dma_wait3A_1167 = tpu.memref_slice %arg11[%dma_wait3A_1165, %dma_wait3A_1166] : memref<5x128xi32, #tpu.memory_space<vmem>> -> memref<1x128xi32, #tpu.memory_space<vmem>>
      %dma_wait3A_1168 = tpu.memref_squeeze %dma_wait3A_1167 : memref<1x128xi32, #tpu.memory_space<vmem>> -> memref<128xi32, #tpu.memory_space<vmem>>
      %dma_wait3A_1169 = arith.constant 0 : i32
      %dma_wait3A_1170 = arith.constant 0 : i32
      %dma_wait3A_1171 = tpu.memref_slice %arg4[%dma_wait3A_1169, %dma_wait3A_1170] : memref<100000x128xf32, #tpu.memory_space<hbm>> -> memref<100000x128xf32, #tpu.memory_space<hbm>>
      tpu.wait_indirect_dma semaphore(%arg17 : memref<!tpu.dma_semaphore, #tpu.memory_space<semaphore_mem>>) src(%dma_wait3A_1171 : memref<100000x128xf32, #tpu.memory_space<hbm>>) dst(%arg13 : memref<128x128xf32, #tpu.memory_space<vmem>>)
      %dma_wait3A_1172 = arith.constant 3 : i32
      %dma_wait3A_1173 = arith.constant 0 : i32
      %dma_wait3A_1174 = tpu.memref_slice %arg11[%dma_wait3A_1172, %dma_wait3A_1173] : memref<5x128xi32, #tpu.memory_space<vmem>> -> memref<1x128xi32, #tpu.memory_space<vmem>>
      %dma_wait3A_1175 = tpu.memref_squeeze %dma_wait3A_1174 : memref<1x128xi32, #tpu.memory_space<vmem>> -> memref<128xi32, #tpu.memory_space<vmem>>
      %dma_wait3A_1176 = arith.constant 0 : i32
      %dma_wait3A_1177 = arith.constant 0 : i32
      %dma_wait3A_1178 = tpu.memref_slice %arg5[%dma_wait3A_1176, %dma_wait3A_1177] : memref<100000x128xf32, #tpu.memory_space<hbm>> -> memref<100000x128xf32, #tpu.memory_space<hbm>>
      tpu.wait_indirect_dma semaphore(%arg17 : memref<!tpu.dma_semaphore, #tpu.memory_space<semaphore_mem>>) src(%dma_wait3A_1178 : memref<100000x128xf32, #tpu.memory_space<hbm>>) dst(%arg13 : memref<128x128xf32, #tpu.memory_space<vmem>>)
      %dma_start3A_1179 = arith.constant 4 : i32
      %dma_start3A_1180 = arith.constant 0 : i32
      %dma_start3A_1181 = tpu.memref_slice %arg11[%dma_start3A_1179, %dma_start3A_1180] : memref<5x128xi32, #tpu.memory_space<vmem>> -> memref<1x128xi32, #tpu.memory_space<vmem>>
      %dma_start3A_1182 = tpu.memref_squeeze %dma_start3A_1181 : memref<1x128xi32, #tpu.memory_space<vmem>> -> memref<128xi32, #tpu.memory_space<vmem>>
      %dma_start3A_1183 = arith.constant 0 : i32
      %dma_start3A_1184 = arith.constant 0 : i32
      %dma_start3A_1185 = tpu.memref_slice %arg8[%dma_start3A_1183, %dma_start3A_1184] : memref<819200x128xf32, #tpu.memory_space<hbm>> -> memref<819200x128xf32, #tpu.memory_space<hbm>>
      tpu.enqueue_indirect_dma source(%arg13 : memref<128x128xf32, #tpu.memory_space<vmem>>) target(%dma_start3A_1185 : memref<819200x128xf32, #tpu.memory_space<hbm>>) offsets(%dma_start3A_1182 : memref<128xi32, #tpu.memory_space<vmem>>) semaphore(%arg19 : memref<!tpu.dma_semaphore, #tpu.memory_space<semaphore_mem>>)
      %lt3A = arith.constant 99 : i32
      %lt3A_1186 = arith.cmpi slt, %scan3A_625, %lt3A : i32
      %convert_element_type3A_1187 = arith.extui %lt3A_1186 : i1 to i32
      %cond3A_1188 = arith.constant 0 : i32
      %cond3A_1189 = arith.cmpi ne, %convert_element_type3A_1187, %cond3A_1188 : i32
      scf.if %cond3A_1189 {
        %add3A_1225 = arith.constant 2 : i32
        %add3A_1226 = arith.addi %mul3A_627, %add3A_1225 : i32
        %add3A_1227 = arith.constant 0 : i32
        %add3A_1228 = arith.addi %add3A_1227, %add3A_1226 : i32
        %mul3A_1229 = arith.constant 4096 : i32
        %mul3A_1230 = arith.muli %add3A_1228, %mul3A_1229 : i32
        %add3A_1231 = arith.addi %mul3A_1230, %mul3A_2 : i32
        %multiple_of3A_1232 = tpu.assume_multiple %add3A_1231, 128 : i32
        %dma_start3A_1233 = arith.constant 0 : i32
        %dma_start3A_1234 = tpu.memref_slice %arg9[%dma_start3A_1233] : memref<1024xf32, #tpu.memory_space<vmem>> -> memref<128xf32, #tpu.memory_space<vmem>>
        %dma_start3A_1235 = tpu.memref_slice %arg6[%multiple_of3A_1232] : memref<7372800xf32, #tpu.memory_space<hbm>> -> memref<128xf32, #tpu.memory_space<hbm>>
        %dma_start3A_1236 = arith.constant 0 : i32
        %dma_start3A_1237 = tpu.memref_slice %arg9[%dma_start3A_1236] : memref<1024xf32, #tpu.memory_space<vmem>> -> memref<128xf32, #tpu.memory_space<vmem>>
        %dma_start3A_1238 = tpu.memref_slice %arg6[%multiple_of3A_1232] : memref<7372800xf32, #tpu.memory_space<hbm>> -> memref<128xf32, #tpu.memory_space<hbm>>
        tpu.enqueue_dma source(%dma_start3A_1238 : memref<128xf32, #tpu.memory_space<hbm>>) target(%dma_start3A_1237 : memref<128xf32, #tpu.memory_space<vmem>>) target_semaphore(%arg16 : memref<!tpu.dma_semaphore, #tpu.memory_space<semaphore_mem>>)
        %add3A_1239 = arith.constant 200 : i32
        %add3A_1240 = arith.addi %add3A_1239, %add3A_1226 : i32
        %mul3A_1241 = arith.constant 4096 : i32
        %mul3A_1242 = arith.muli %add3A_1240, %mul3A_1241 : i32
        %add3A_1243 = arith.addi %mul3A_1242, %mul3A_2 : i32
        %multiple_of3A_1244 = tpu.assume_multiple %add3A_1243, 128 : i32
        %dma_start3A_1245 = arith.constant 128 : i32
        %dma_start3A_1246 = tpu.memref_slice %arg9[%dma_start3A_1245] : memref<1024xf32, #tpu.memory_space<vmem>> -> memref<128xf32, #tpu.memory_space<vmem>>
        %dma_start3A_1247 = tpu.memref_slice %arg6[%multiple_of3A_1244] : memref<7372800xf32, #tpu.memory_space<hbm>> -> memref<128xf32, #tpu.memory_space<hbm>>
        %dma_start3A_1248 = arith.constant 128 : i32
        %dma_start3A_1249 = tpu.memref_slice %arg9[%dma_start3A_1248] : memref<1024xf32, #tpu.memory_space<vmem>> -> memref<128xf32, #tpu.memory_space<vmem>>
        %dma_start3A_1250 = tpu.memref_slice %arg6[%multiple_of3A_1244] : memref<7372800xf32, #tpu.memory_space<hbm>> -> memref<128xf32, #tpu.memory_space<hbm>>
        tpu.enqueue_dma source(%dma_start3A_1250 : memref<128xf32, #tpu.memory_space<hbm>>) target(%dma_start3A_1249 : memref<128xf32, #tpu.memory_space<vmem>>) target_semaphore(%arg16 : memref<!tpu.dma_semaphore, #tpu.memory_space<semaphore_mem>>)
        %add3A_1251 = arith.constant 400 : i32
        %add3A_1252 = arith.addi %add3A_1251, %add3A_1226 : i32
        %mul3A_1253 = arith.constant 4096 : i32
        %mul3A_1254 = arith.muli %add3A_1252, %mul3A_1253 : i32
        %add3A_1255 = arith.addi %mul3A_1254, %mul3A_2 : i32
        %multiple_of3A_1256 = tpu.assume_multiple %add3A_1255, 128 : i32
        %dma_start3A_1257 = arith.constant 256 : i32
        %dma_start3A_1258 = tpu.memref_slice %arg9[%dma_start3A_1257] : memref<1024xf32, #tpu.memory_space<vmem>> -> memref<128xf32, #tpu.memory_space<vmem>>
        %dma_start3A_1259 = tpu.memref_slice %arg6[%multiple_of3A_1256] : memref<7372800xf32, #tpu.memory_space<hbm>> -> memref<128xf32, #tpu.memory_space<hbm>>
        %dma_start3A_1260 = arith.constant 256 : i32
        %dma_start3A_1261 = tpu.memref_slice %arg9[%dma_start3A_1260] : memref<1024xf32, #tpu.memory_space<vmem>> -> memref<128xf32, #tpu.memory_space<vmem>>
        %dma_start3A_1262 = tpu.memref_slice %arg6[%multiple_of3A_1256] : memref<7372800xf32, #tpu.memory_space<hbm>> -> memref<128xf32, #tpu.memory_space<hbm>>
        tpu.enqueue_dma source(%dma_start3A_1262 : memref<128xf32, #tpu.memory_space<hbm>>) target(%dma_start3A_1261 : memref<128xf32, #tpu.memory_space<vmem>>) target_semaphore(%arg16 : memref<!tpu.dma_semaphore, #tpu.memory_space<semaphore_mem>>)
        %add3A_1263 = arith.constant 600 : i32
        %add3A_1264 = arith.addi %add3A_1263, %add3A_1226 : i32
        %mul3A_1265 = arith.constant 4096 : i32
        %mul3A_1266 = arith.muli %add3A_1264, %mul3A_1265 : i32
        %add3A_1267 = arith.addi %mul3A_1266, %mul3A_2 : i32
        %multiple_of3A_1268 = tpu.assume_multiple %add3A_1267, 128 : i32
        %dma_start3A_1269 = arith.constant 384 : i32
        %dma_start3A_1270 = tpu.memref_slice %arg9[%dma_start3A_1269] : memref<1024xf32, #tpu.memory_space<vmem>> -> memref<128xf32, #tpu.memory_space<vmem>>
        %dma_start3A_1271 = tpu.memref_slice %arg6[%multiple_of3A_1268] : memref<7372800xf32, #tpu.memory_space<hbm>> -> memref<128xf32, #tpu.memory_space<hbm>>
        %dma_start3A_1272 = arith.constant 384 : i32
        %dma_start3A_1273 = tpu.memref_slice %arg9[%dma_start3A_1272] : memref<1024xf32, #tpu.memory_space<vmem>> -> memref<128xf32, #tpu.memory_space<vmem>>
        %dma_start3A_1274 = tpu.memref_slice %arg6[%multiple_of3A_1268] : memref<7372800xf32, #tpu.memory_space<hbm>> -> memref<128xf32, #tpu.memory_space<hbm>>
        tpu.enqueue_dma source(%dma_start3A_1274 : memref<128xf32, #tpu.memory_space<hbm>>) target(%dma_start3A_1273 : memref<128xf32, #tpu.memory_space<vmem>>) target_semaphore(%arg16 : memref<!tpu.dma_semaphore, #tpu.memory_space<semaphore_mem>>)
        %add3A_1275 = arith.constant 800 : i32
        %add3A_1276 = arith.addi %add3A_1275, %add3A_1226 : i32
        %mul3A_1277 = arith.constant 4096 : i32
        %mul3A_1278 = arith.muli %add3A_1276, %mul3A_1277 : i32
        %add3A_1279 = arith.addi %mul3A_1278, %mul3A_2 : i32
        %multiple_of3A_1280 = tpu.assume_multiple %add3A_1279, 128 : i32
        %dma_start3A_1281 = arith.constant 512 : i32
        %dma_start3A_1282 = tpu.memref_slice %arg9[%dma_start3A_1281] : memref<1024xf32, #tpu.memory_space<vmem>> -> memref<128xf32, #tpu.memory_space<vmem>>
        %dma_start3A_1283 = tpu.memref_slice %arg6[%multiple_of3A_1280] : memref<7372800xf32, #tpu.memory_space<hbm>> -> memref<128xf32, #tpu.memory_space<hbm>>
        %dma_start3A_1284 = arith.constant 512 : i32
        %dma_start3A_1285 = tpu.memref_slice %arg9[%dma_start3A_1284] : memref<1024xf32, #tpu.memory_space<vmem>> -> memref<128xf32, #tpu.memory_space<vmem>>
        %dma_start3A_1286 = tpu.memref_slice %arg6[%multiple_of3A_1280] : memref<7372800xf32, #tpu.memory_space<hbm>> -> memref<128xf32, #tpu.memory_space<hbm>>
        tpu.enqueue_dma source(%dma_start3A_1286 : memref<128xf32, #tpu.memory_space<hbm>>) target(%dma_start3A_1285 : memref<128xf32, #tpu.memory_space<vmem>>) target_semaphore(%arg16 : memref<!tpu.dma_semaphore, #tpu.memory_space<semaphore_mem>>)
        %add3A_1287 = arith.constant 1000 : i32
        %add3A_1288 = arith.addi %add3A_1287, %add3A_1226 : i32
        %mul3A_1289 = arith.constant 4096 : i32
        %mul3A_1290 = arith.muli %add3A_1288, %mul3A_1289 : i32
        %add3A_1291 = arith.addi %mul3A_1290, %mul3A_2 : i32
        %multiple_of3A_1292 = tpu.assume_multiple %add3A_1291, 128 : i32
        %dma_start3A_1293 = arith.constant 640 : i32
        %dma_start3A_1294 = tpu.memref_slice %arg9[%dma_start3A_1293] : memref<1024xf32, #tpu.memory_space<vmem>> -> memref<128xf32, #tpu.memory_space<vmem>>
        %dma_start3A_1295 = tpu.memref_slice %arg6[%multiple_of3A_1292] : memref<7372800xf32, #tpu.memory_space<hbm>> -> memref<128xf32, #tpu.memory_space<hbm>>
        %dma_start3A_1296 = arith.constant 640 : i32
        %dma_start3A_1297 = tpu.memref_slice %arg9[%dma_start3A_1296] : memref<1024xf32, #tpu.memory_space<vmem>> -> memref<128xf32, #tpu.memory_space<vmem>>
        %dma_start3A_1298 = tpu.memref_slice %arg6[%multiple_of3A_1292] : memref<7372800xf32, #tpu.memory_space<hbm>> -> memref<128xf32, #tpu.memory_space<hbm>>
        tpu.enqueue_dma source(%dma_start3A_1298 : memref<128xf32, #tpu.memory_space<hbm>>) target(%dma_start3A_1297 : memref<128xf32, #tpu.memory_space<vmem>>) target_semaphore(%arg16 : memref<!tpu.dma_semaphore, #tpu.memory_space<semaphore_mem>>)
        %add3A_1299 = arith.constant 1200 : i32
        %add3A_1300 = arith.addi %add3A_1299, %add3A_1226 : i32
        %mul3A_1301 = arith.constant 4096 : i32
        %mul3A_1302 = arith.muli %add3A_1300, %mul3A_1301 : i32
        %add3A_1303 = arith.addi %mul3A_1302, %mul3A_2 : i32
        %multiple_of3A_1304 = tpu.assume_multiple %add3A_1303, 128 : i32
        %dma_start3A_1305 = arith.constant 768 : i32
        %dma_start3A_1306 = tpu.memref_slice %arg9[%dma_start3A_1305] : memref<1024xf32, #tpu.memory_space<vmem>> -> memref<128xf32, #tpu.memory_space<vmem>>
        %dma_start3A_1307 = tpu.memref_slice %arg6[%multiple_of3A_1304] : memref<7372800xf32, #tpu.memory_space<hbm>> -> memref<128xf32, #tpu.memory_space<hbm>>
        %dma_start3A_1308 = arith.constant 768 : i32
        %dma_start3A_1309 = tpu.memref_slice %arg9[%dma_start3A_1308] : memref<1024xf32, #tpu.memory_space<vmem>> -> memref<128xf32, #tpu.memory_space<vmem>>
        %dma_start3A_1310 = tpu.memref_slice %arg6[%multiple_of3A_1304] : memref<7372800xf32, #tpu.memory_space<hbm>> -> memref<128xf32, #tpu.memory_space<hbm>>
        tpu.enqueue_dma source(%dma_start3A_1310 : memref<128xf32, #tpu.memory_space<hbm>>) target(%dma_start3A_1309 : memref<128xf32, #tpu.memory_space<vmem>>) target_semaphore(%arg16 : memref<!tpu.dma_semaphore, #tpu.memory_space<semaphore_mem>>)
        %add3A_1311 = arith.constant 1400 : i32
        %add3A_1312 = arith.addi %add3A_1311, %add3A_1226 : i32
        %mul3A_1313 = arith.constant 4096 : i32
        %mul3A_1314 = arith.muli %add3A_1312, %mul3A_1313 : i32
        %add3A_1315 = arith.addi %mul3A_1314, %mul3A_2 : i32
        %multiple_of3A_1316 = tpu.assume_multiple %add3A_1315, 128 : i32
        %dma_start3A_1317 = arith.constant 896 : i32
        %dma_start3A_1318 = tpu.memref_slice %arg9[%dma_start3A_1317] : memref<1024xf32, #tpu.memory_space<vmem>> -> memref<128xf32, #tpu.memory_space<vmem>>
        %dma_start3A_1319 = tpu.memref_slice %arg6[%multiple_of3A_1316] : memref<7372800xf32, #tpu.memory_space<hbm>> -> memref<128xf32, #tpu.memory_space<hbm>>
        %dma_start3A_1320 = arith.constant 896 : i32
        %dma_start3A_1321 = tpu.memref_slice %arg9[%dma_start3A_1320] : memref<1024xf32, #tpu.memory_space<vmem>> -> memref<128xf32, #tpu.memory_space<vmem>>
        %dma_start3A_1322 = tpu.memref_slice %arg6[%multiple_of3A_1316] : memref<7372800xf32, #tpu.memory_space<hbm>> -> memref<128xf32, #tpu.memory_space<hbm>>
        tpu.enqueue_dma source(%dma_start3A_1322 : memref<128xf32, #tpu.memory_space<hbm>>) target(%dma_start3A_1321 : memref<128xf32, #tpu.memory_space<vmem>>) target_semaphore(%arg16 : memref<!tpu.dma_semaphore, #tpu.memory_space<semaphore_mem>>)
        %dma_wait3A_1323 = arith.constant 0 : i32
        %dma_wait3A_1324 = tpu.memref_slice %arg9[%dma_wait3A_1323] : memref<1024xf32, #tpu.memory_space<vmem>> -> memref<128xf32, #tpu.memory_space<vmem>>
        %dma_wait3A_1325 = tpu.memref_slice %arg6[%multiple_of3A_1232] : memref<7372800xf32, #tpu.memory_space<hbm>> -> memref<128xf32, #tpu.memory_space<hbm>>
        %dma_wait3A_1326 = arith.constant 0 : i32
        %dma_wait3A_1327 = tpu.memref_slice %arg9[%dma_wait3A_1326] : memref<1024xf32, #tpu.memory_space<vmem>> -> memref<128xf32, #tpu.memory_space<vmem>>
        %dma_wait3A_1328 = tpu.memref_slice %arg6[%multiple_of3A_1232] : memref<7372800xf32, #tpu.memory_space<hbm>> -> memref<128xf32, #tpu.memory_space<hbm>>
        tpu.wait_dma2 semaphore(%arg16 : memref<!tpu.dma_semaphore, #tpu.memory_space<semaphore_mem>>) src(%dma_wait3A_1328 : memref<128xf32, #tpu.memory_space<hbm>>) dst(%dma_wait3A_1327 : memref<128xf32, #tpu.memory_space<vmem>>)
        %dma_wait3A_1329 = arith.constant 128 : i32
        %dma_wait3A_1330 = tpu.memref_slice %arg9[%dma_wait3A_1329] : memref<1024xf32, #tpu.memory_space<vmem>> -> memref<128xf32, #tpu.memory_space<vmem>>
        %dma_wait3A_1331 = tpu.memref_slice %arg6[%multiple_of3A_1244] : memref<7372800xf32, #tpu.memory_space<hbm>> -> memref<128xf32, #tpu.memory_space<hbm>>
        %dma_wait3A_1332 = arith.constant 128 : i32
        %dma_wait3A_1333 = tpu.memref_slice %arg9[%dma_wait3A_1332] : memref<1024xf32, #tpu.memory_space<vmem>> -> memref<128xf32, #tpu.memory_space<vmem>>
        %dma_wait3A_1334 = tpu.memref_slice %arg6[%multiple_of3A_1244] : memref<7372800xf32, #tpu.memory_space<hbm>> -> memref<128xf32, #tpu.memory_space<hbm>>
        tpu.wait_dma2 semaphore(%arg16 : memref<!tpu.dma_semaphore, #tpu.memory_space<semaphore_mem>>) src(%dma_wait3A_1334 : memref<128xf32, #tpu.memory_space<hbm>>) dst(%dma_wait3A_1333 : memref<128xf32, #tpu.memory_space<vmem>>)
        %dma_wait3A_1335 = arith.constant 256 : i32
        %dma_wait3A_1336 = tpu.memref_slice %arg9[%dma_wait3A_1335] : memref<1024xf32, #tpu.memory_space<vmem>> -> memref<128xf32, #tpu.memory_space<vmem>>
        %dma_wait3A_1337 = tpu.memref_slice %arg6[%multiple_of3A_1256] : memref<7372800xf32, #tpu.memory_space<hbm>> -> memref<128xf32, #tpu.memory_space<hbm>>
        %dma_wait3A_1338 = arith.constant 256 : i32
        %dma_wait3A_1339 = tpu.memref_slice %arg9[%dma_wait3A_1338] : memref<1024xf32, #tpu.memory_space<vmem>> -> memref<128xf32, #tpu.memory_space<vmem>>
        %dma_wait3A_1340 = tpu.memref_slice %arg6[%multiple_of3A_1256] : memref<7372800xf32, #tpu.memory_space<hbm>> -> memref<128xf32, #tpu.memory_space<hbm>>
        tpu.wait_dma2 semaphore(%arg16 : memref<!tpu.dma_semaphore, #tpu.memory_space<semaphore_mem>>) src(%dma_wait3A_1340 : memref<128xf32, #tpu.memory_space<hbm>>) dst(%dma_wait3A_1339 : memref<128xf32, #tpu.memory_space<vmem>>)
        %dma_wait3A_1341 = arith.constant 384 : i32
        %dma_wait3A_1342 = tpu.memref_slice %arg9[%dma_wait3A_1341] : memref<1024xf32, #tpu.memory_space<vmem>> -> memref<128xf32, #tpu.memory_space<vmem>>
        %dma_wait3A_1343 = tpu.memref_slice %arg6[%multiple_of3A_1268] : memref<7372800xf32, #tpu.memory_space<hbm>> -> memref<128xf32, #tpu.memory_space<hbm>>
        %dma_wait3A_1344 = arith.constant 384 : i32
        %dma_wait3A_1345 = tpu.memref_slice %arg9[%dma_wait3A_1344] : memref<1024xf32, #tpu.memory_space<vmem>> -> memref<128xf32, #tpu.memory_space<vmem>>
        %dma_wait3A_1346 = tpu.memref_slice %arg6[%multiple_of3A_1268] : memref<7372800xf32, #tpu.memory_space<hbm>> -> memref<128xf32, #tpu.memory_space<hbm>>
        tpu.wait_dma2 semaphore(%arg16 : memref<!tpu.dma_semaphore, #tpu.memory_space<semaphore_mem>>) src(%dma_wait3A_1346 : memref<128xf32, #tpu.memory_space<hbm>>) dst(%dma_wait3A_1345 : memref<128xf32, #tpu.memory_space<vmem>>)
        %dma_wait3A_1347 = arith.constant 512 : i32
        %dma_wait3A_1348 = tpu.memref_slice %arg9[%dma_wait3A_1347] : memref<1024xf32, #tpu.memory_space<vmem>> -> memref<128xf32, #tpu.memory_space<vmem>>
        %dma_wait3A_1349 = tpu.memref_slice %arg6[%multiple_of3A_1280] : memref<7372800xf32, #tpu.memory_space<hbm>> -> memref<128xf32, #tpu.memory_space<hbm>>
        %dma_wait3A_1350 = arith.constant 512 : i32
        %dma_wait3A_1351 = tpu.memref_slice %arg9[%dma_wait3A_1350] : memref<1024xf32, #tpu.memory_space<vmem>> -> memref<128xf32, #tpu.memory_space<vmem>>
        %dma_wait3A_1352 = tpu.memref_slice %arg6[%multiple_of3A_1280] : memref<7372800xf32, #tpu.memory_space<hbm>> -> memref<128xf32, #tpu.memory_space<hbm>>
        tpu.wait_dma2 semaphore(%arg16 : memref<!tpu.dma_semaphore, #tpu.memory_space<semaphore_mem>>) src(%dma_wait3A_1352 : memref<128xf32, #tpu.memory_space<hbm>>) dst(%dma_wait3A_1351 : memref<128xf32, #tpu.memory_space<vmem>>)
        %dma_wait3A_1353 = arith.constant 640 : i32
        %dma_wait3A_1354 = tpu.memref_slice %arg9[%dma_wait3A_1353] : memref<1024xf32, #tpu.memory_space<vmem>> -> memref<128xf32, #tpu.memory_space<vmem>>
        %dma_wait3A_1355 = tpu.memref_slice %arg6[%multiple_of3A_1292] : memref<7372800xf32, #tpu.memory_space<hbm>> -> memref<128xf32, #tpu.memory_space<hbm>>
        %dma_wait3A_1356 = arith.constant 640 : i32
        %dma_wait3A_1357 = tpu.memref_slice %arg9[%dma_wait3A_1356] : memref<1024xf32, #tpu.memory_space<vmem>> -> memref<128xf32, #tpu.memory_space<vmem>>
        %dma_wait3A_1358 = tpu.memref_slice %arg6[%multiple_of3A_1292] : memref<7372800xf32, #tpu.memory_space<hbm>> -> memref<128xf32, #tpu.memory_space<hbm>>
        tpu.wait_dma2 semaphore(%arg16 : memref<!tpu.dma_semaphore, #tpu.memory_space<semaphore_mem>>) src(%dma_wait3A_1358 : memref<128xf32, #tpu.memory_space<hbm>>) dst(%dma_wait3A_1357 : memref<128xf32, #tpu.memory_space<vmem>>)
        %dma_wait3A_1359 = arith.constant 768 : i32
        %dma_wait3A_1360 = tpu.memref_slice %arg9[%dma_wait3A_1359] : memref<1024xf32, #tpu.memory_space<vmem>> -> memref<128xf32, #tpu.memory_space<vmem>>
        %dma_wait3A_1361 = tpu.memref_slice %arg6[%multiple_of3A_1304] : memref<7372800xf32, #tpu.memory_space<hbm>> -> memref<128xf32, #tpu.memory_space<hbm>>
        %dma_wait3A_1362 = arith.constant 768 : i32
        %dma_wait3A_1363 = tpu.memref_slice %arg9[%dma_wait3A_1362] : memref<1024xf32, #tpu.memory_space<vmem>> -> memref<128xf32, #tpu.memory_space<vmem>>
        %dma_wait3A_1364 = tpu.memref_slice %arg6[%multiple_of3A_1304] : memref<7372800xf32, #tpu.memory_space<hbm>> -> memref<128xf32, #tpu.memory_space<hbm>>
        tpu.wait_dma2 semaphore(%arg16 : memref<!tpu.dma_semaphore, #tpu.memory_space<semaphore_mem>>) src(%dma_wait3A_1364 : memref<128xf32, #tpu.memory_space<hbm>>) dst(%dma_wait3A_1363 : memref<128xf32, #tpu.memory_space<vmem>>)
        %dma_wait3A_1365 = arith.constant 896 : i32
        %dma_wait3A_1366 = tpu.memref_slice %arg9[%dma_wait3A_1365] : memref<1024xf32, #tpu.memory_space<vmem>> -> memref<128xf32, #tpu.memory_space<vmem>>
        %dma_wait3A_1367 = tpu.memref_slice %arg6[%multiple_of3A_1316] : memref<7372800xf32, #tpu.memory_space<hbm>> -> memref<128xf32, #tpu.memory_space<hbm>>
        %dma_wait3A_1368 = arith.constant 896 : i32
        %dma_wait3A_1369 = tpu.memref_slice %arg9[%dma_wait3A_1368] : memref<1024xf32, #tpu.memory_space<vmem>> -> memref<128xf32, #tpu.memory_space<vmem>>
        %dma_wait3A_1370 = tpu.memref_slice %arg6[%multiple_of3A_1316] : memref<7372800xf32, #tpu.memory_space<hbm>> -> memref<128xf32, #tpu.memory_space<hbm>>
        tpu.wait_dma2 semaphore(%arg16 : memref<!tpu.dma_semaphore, #tpu.memory_space<semaphore_mem>>) src(%dma_wait3A_1370 : memref<128xf32, #tpu.memory_space<hbm>>) dst(%dma_wait3A_1369 : memref<128xf32, #tpu.memory_space<vmem>>)
        %get3A_1371 = arith.constant 512 : index
        %get3A_1372 = tpu.vector_load %arg9[%get3A_1371] {strides = array<i32>} : memref<1024xf32, #tpu.memory_space<vmem>>, vector<16xf32>,
        %convert_element_type3A_1373 = arith.fptosi %get3A_1372 : vector<16xf32> to vector<16xi32>
        %swap3A_1374 = arith.constant 0 : i32
        %swap3A_1375 = arith.index_cast %swap3A_1374 : i32 to index
        %swap3A_1376 = arith.constant 0 : index
        %swap3A_1377 = tpu.vector_load %arg11[%swap3A_1375, %swap3A_1376] {strides = array<i32>} : memref<5x128xi32, #tpu.memory_space<vmem>>, vector<16xi32>,
        tpu.vector_store %arg11[%swap3A_1375, %swap3A_1376], %convert_element_type3A_1373 {strides = array<i32>} : memref<5x128xi32, #tpu.memory_space<vmem>>, vector<16xi32>,
        %get3A_1378 = arith.constant 528 : index
        %get3A_1379 = tpu.vector_load %arg9[%get3A_1378] {strides = array<i32>} : memref<1024xf32, #tpu.memory_space<vmem>>, vector<16xf32>,
        %convert_element_type3A_1380 = arith.fptosi %get3A_1379 : vector<16xf32> to vector<16xi32>
        %swap3A_1381 = arith.constant 0 : i32
        %swap3A_1382 = arith.index_cast %swap3A_1381 : i32 to index
        %swap3A_1383 = arith.constant 16 : index
        %swap3A_1384 = tpu.vector_load %arg11[%swap3A_1382, %swap3A_1383] {strides = array<i32>} : memref<5x128xi32, #tpu.memory_space<vmem>>, vector<16xi32>,
        tpu.vector_store %arg11[%swap3A_1382, %swap3A_1383], %convert_element_type3A_1380 {strides = array<i32>} : memref<5x128xi32, #tpu.memory_space<vmem>>, vector<16xi32>,
        %get3A_1385 = arith.constant 544 : index
        %get3A_1386 = tpu.vector_load %arg9[%get3A_1385] {strides = array<i32>} : memref<1024xf32, #tpu.memory_space<vmem>>, vector<16xf32>,
        %convert_element_type3A_1387 = arith.fptosi %get3A_1386 : vector<16xf32> to vector<16xi32>
        %swap3A_1388 = arith.constant 0 : i32
        %swap3A_1389 = arith.index_cast %swap3A_1388 : i32 to index
        %swap3A_1390 = arith.constant 32 : index
        %swap3A_1391 = tpu.vector_load %arg11[%swap3A_1389, %swap3A_1390] {strides = array<i32>} : memref<5x128xi32, #tpu.memory_space<vmem>>, vector<16xi32>,
        tpu.vector_store %arg11[%swap3A_1389, %swap3A_1390], %convert_element_type3A_1387 {strides = array<i32>} : memref<5x128xi32, #tpu.memory_space<vmem>>, vector<16xi32>,
        %get3A_1392 = arith.constant 560 : index
        %get3A_1393 = tpu.vector_load %arg9[%get3A_1392] {strides = array<i32>} : memref<1024xf32, #tpu.memory_space<vmem>>, vector<16xf32>,
        %convert_element_type3A_1394 = arith.fptosi %get3A_1393 : vector<16xf32> to vector<16xi32>
        %swap3A_1395 = arith.constant 0 : i32
        %swap3A_1396 = arith.index_cast %swap3A_1395 : i32 to index
        %swap3A_1397 = arith.constant 48 : index
        %swap3A_1398 = tpu.vector_load %arg11[%swap3A_1396, %swap3A_1397] {strides = array<i32>} : memref<5x128xi32, #tpu.memory_space<vmem>>, vector<16xi32>,
        tpu.vector_store %arg11[%swap3A_1396, %swap3A_1397], %convert_element_type3A_1394 {strides = array<i32>} : memref<5x128xi32, #tpu.memory_space<vmem>>, vector<16xi32>,
        %get3A_1399 = arith.constant 576 : index
        %get3A_1400 = tpu.vector_load %arg9[%get3A_1399] {strides = array<i32>} : memref<1024xf32, #tpu.memory_space<vmem>>, vector<16xf32>,
        %convert_element_type3A_1401 = arith.fptosi %get3A_1400 : vector<16xf32> to vector<16xi32>
        %swap3A_1402 = arith.constant 0 : i32
        %swap3A_1403 = arith.index_cast %swap3A_1402 : i32 to index
        %swap3A_1404 = arith.constant 64 : index
        %swap3A_1405 = tpu.vector_load %arg11[%swap3A_1403, %swap3A_1404] {strides = array<i32>} : memref<5x128xi32, #tpu.memory_space<vmem>>, vector<16xi32>,
        tpu.vector_store %arg11[%swap3A_1403, %swap3A_1404], %convert_element_type3A_1401 {strides = array<i32>} : memref<5x128xi32, #tpu.memory_space<vmem>>, vector<16xi32>,
        %get3A_1406 = arith.constant 592 : index
        %get3A_1407 = tpu.vector_load %arg9[%get3A_1406] {strides = array<i32>} : memref<1024xf32, #tpu.memory_space<vmem>>, vector<16xf32>,
        %convert_element_type3A_1408 = arith.fptosi %get3A_1407 : vector<16xf32> to vector<16xi32>
        %swap3A_1409 = arith.constant 0 : i32
        %swap3A_1410 = arith.index_cast %swap3A_1409 : i32 to index
        %swap3A_1411 = arith.constant 80 : index
        %swap3A_1412 = tpu.vector_load %arg11[%swap3A_1410, %swap3A_1411] {strides = array<i32>} : memref<5x128xi32, #tpu.memory_space<vmem>>, vector<16xi32>,
        tpu.vector_store %arg11[%swap3A_1410, %swap3A_1411], %convert_element_type3A_1408 {strides = array<i32>} : memref<5x128xi32, #tpu.memory_space<vmem>>, vector<16xi32>,
        %get3A_1413 = arith.constant 608 : index
        %get3A_1414 = tpu.vector_load %arg9[%get3A_1413] {strides = array<i32>} : memref<1024xf32, #tpu.memory_space<vmem>>, vector<16xf32>,
        %convert_element_type3A_1415 = arith.fptosi %get3A_1414 : vector<16xf32> to vector<16xi32>
        %swap3A_1416 = arith.constant 0 : i32
        %swap3A_1417 = arith.index_cast %swap3A_1416 : i32 to index
        %swap3A_1418 = arith.constant 96 : index
        %swap3A_1419 = tpu.vector_load %arg11[%swap3A_1417, %swap3A_1418] {strides = array<i32>} : memref<5x128xi32, #tpu.memory_space<vmem>>, vector<16xi32>,
        tpu.vector_store %arg11[%swap3A_1417, %swap3A_1418], %convert_element_type3A_1415 {strides = array<i32>} : memref<5x128xi32, #tpu.memory_space<vmem>>, vector<16xi32>,
        %get3A_1420 = arith.constant 624 : index
        %get3A_1421 = tpu.vector_load %arg9[%get3A_1420] {strides = array<i32>} : memref<1024xf32, #tpu.memory_space<vmem>>, vector<16xf32>,
        %convert_element_type3A_1422 = arith.fptosi %get3A_1421 : vector<16xf32> to vector<16xi32>
        %swap3A_1423 = arith.constant 0 : i32
        %swap3A_1424 = arith.index_cast %swap3A_1423 : i32 to index
        %swap3A_1425 = arith.constant 112 : index
        %swap3A_1426 = tpu.vector_load %arg11[%swap3A_1424, %swap3A_1425] {strides = array<i32>} : memref<5x128xi32, #tpu.memory_space<vmem>>, vector<16xi32>,
        tpu.vector_store %arg11[%swap3A_1424, %swap3A_1425], %convert_element_type3A_1422 {strides = array<i32>} : memref<5x128xi32, #tpu.memory_space<vmem>>, vector<16xi32>,
        %get3A_1427 = arith.constant 640 : index
        %get3A_1428 = tpu.vector_load %arg9[%get3A_1427] {strides = array<i32>} : memref<1024xf32, #tpu.memory_space<vmem>>, vector<16xf32>,
        %convert_element_type3A_1429 = arith.fptosi %get3A_1428 : vector<16xf32> to vector<16xi32>
        %swap3A_1430 = arith.constant 1 : i32
        %swap3A_1431 = arith.index_cast %swap3A_1430 : i32 to index
        %swap3A_1432 = arith.constant 0 : index
        %swap3A_1433 = tpu.vector_load %arg11[%swap3A_1431, %swap3A_1432] {strides = array<i32>} : memref<5x128xi32, #tpu.memory_space<vmem>>, vector<16xi32>,
        tpu.vector_store %arg11[%swap3A_1431, %swap3A_1432], %convert_element_type3A_1429 {strides = array<i32>} : memref<5x128xi32, #tpu.memory_space<vmem>>, vector<16xi32>,
        %get3A_1434 = arith.constant 656 : index
        %get3A_1435 = tpu.vector_load %arg9[%get3A_1434] {strides = array<i32>} : memref<1024xf32, #tpu.memory_space<vmem>>, vector<16xf32>,
        %convert_element_type3A_1436 = arith.fptosi %get3A_1435 : vector<16xf32> to vector<16xi32>
        %swap3A_1437 = arith.constant 1 : i32
        %swap3A_1438 = arith.index_cast %swap3A_1437 : i32 to index
        %swap3A_1439 = arith.constant 16 : index
        %swap3A_1440 = tpu.vector_load %arg11[%swap3A_1438, %swap3A_1439] {strides = array<i32>} : memref<5x128xi32, #tpu.memory_space<vmem>>, vector<16xi32>,
        tpu.vector_store %arg11[%swap3A_1438, %swap3A_1439], %convert_element_type3A_1436 {strides = array<i32>} : memref<5x128xi32, #tpu.memory_space<vmem>>, vector<16xi32>,
        %get3A_1441 = arith.constant 672 : index
        %get3A_1442 = tpu.vector_load %arg9[%get3A_1441] {strides = array<i32>} : memref<1024xf32, #tpu.memory_space<vmem>>, vector<16xf32>,
        %convert_element_type3A_1443 = arith.fptosi %get3A_1442 : vector<16xf32> to vector<16xi32>
        %swap3A_1444 = arith.constant 1 : i32
        %swap3A_1445 = arith.index_cast %swap3A_1444 : i32 to index
        %swap3A_1446 = arith.constant 32 : index
        %swap3A_1447 = tpu.vector_load %arg11[%swap3A_1445, %swap3A_1446] {strides = array<i32>} : memref<5x128xi32, #tpu.memory_space<vmem>>, vector<16xi32>,
        tpu.vector_store %arg11[%swap3A_1445, %swap3A_1446], %convert_element_type3A_1443 {strides = array<i32>} : memref<5x128xi32, #tpu.memory_space<vmem>>, vector<16xi32>,
        %get3A_1448 = arith.constant 688 : index
        %get3A_1449 = tpu.vector_load %arg9[%get3A_1448] {strides = array<i32>} : memref<1024xf32, #tpu.memory_space<vmem>>, vector<16xf32>,
        %convert_element_type3A_1450 = arith.fptosi %get3A_1449 : vector<16xf32> to vector<16xi32>
        %swap3A_1451 = arith.constant 1 : i32
        %swap3A_1452 = arith.index_cast %swap3A_1451 : i32 to index
        %swap3A_1453 = arith.constant 48 : index
        %swap3A_1454 = tpu.vector_load %arg11[%swap3A_1452, %swap3A_1453] {strides = array<i32>} : memref<5x128xi32, #tpu.memory_space<vmem>>, vector<16xi32>,
        tpu.vector_store %arg11[%swap3A_1452, %swap3A_1453], %convert_element_type3A_1450 {strides = array<i32>} : memref<5x128xi32, #tpu.memory_space<vmem>>, vector<16xi32>,
        %get3A_1455 = arith.constant 704 : index
        %get3A_1456 = tpu.vector_load %arg9[%get3A_1455] {strides = array<i32>} : memref<1024xf32, #tpu.memory_space<vmem>>, vector<16xf32>,
        %convert_element_type3A_1457 = arith.fptosi %get3A_1456 : vector<16xf32> to vector<16xi32>
        %swap3A_1458 = arith.constant 1 : i32
        %swap3A_1459 = arith.index_cast %swap3A_1458 : i32 to index
        %swap3A_1460 = arith.constant 64 : index
        %swap3A_1461 = tpu.vector_load %arg11[%swap3A_1459, %swap3A_1460] {strides = array<i32>} : memref<5x128xi32, #tpu.memory_space<vmem>>, vector<16xi32>,
        tpu.vector_store %arg11[%swap3A_1459, %swap3A_1460], %convert_element_type3A_1457 {strides = array<i32>} : memref<5x128xi32, #tpu.memory_space<vmem>>, vector<16xi32>,
        %get3A_1462 = arith.constant 720 : index
        %get3A_1463 = tpu.vector_load %arg9[%get3A_1462] {strides = array<i32>} : memref<1024xf32, #tpu.memory_space<vmem>>, vector<16xf32>,
        %convert_element_type3A_1464 = arith.fptosi %get3A_1463 : vector<16xf32> to vector<16xi32>
        %swap3A_1465 = arith.constant 1 : i32
        %swap3A_1466 = arith.index_cast %swap3A_1465 : i32 to index
        %swap3A_1467 = arith.constant 80 : index
        %swap3A_1468 = tpu.vector_load %arg11[%swap3A_1466, %swap3A_1467] {strides = array<i32>} : memref<5x128xi32, #tpu.memory_space<vmem>>, vector<16xi32>,
        tpu.vector_store %arg11[%swap3A_1466, %swap3A_1467], %convert_element_type3A_1464 {strides = array<i32>} : memref<5x128xi32, #tpu.memory_space<vmem>>, vector<16xi32>,
        %get3A_1469 = arith.constant 736 : index
        %get3A_1470 = tpu.vector_load %arg9[%get3A_1469] {strides = array<i32>} : memref<1024xf32, #tpu.memory_space<vmem>>, vector<16xf32>,
        %convert_element_type3A_1471 = arith.fptosi %get3A_1470 : vector<16xf32> to vector<16xi32>
        %swap3A_1472 = arith.constant 1 : i32
        %swap3A_1473 = arith.index_cast %swap3A_1472 : i32 to index
        %swap3A_1474 = arith.constant 96 : index
        %swap3A_1475 = tpu.vector_load %arg11[%swap3A_1473, %swap3A_1474] {strides = array<i32>} : memref<5x128xi32, #tpu.memory_space<vmem>>, vector<16xi32>,
        tpu.vector_store %arg11[%swap3A_1473, %swap3A_1474], %convert_element_type3A_1471 {strides = array<i32>} : memref<5x128xi32, #tpu.memory_space<vmem>>, vector<16xi32>,
        %get3A_1476 = arith.constant 752 : index
        %get3A_1477 = tpu.vector_load %arg9[%get3A_1476] {strides = array<i32>} : memref<1024xf32, #tpu.memory_space<vmem>>, vector<16xf32>,
        %convert_element_type3A_1478 = arith.fptosi %get3A_1477 : vector<16xf32> to vector<16xi32>
        %swap3A_1479 = arith.constant 1 : i32
        %swap3A_1480 = arith.index_cast %swap3A_1479 : i32 to index
        %swap3A_1481 = arith.constant 112 : index
        %swap3A_1482 = tpu.vector_load %arg11[%swap3A_1480, %swap3A_1481] {strides = array<i32>} : memref<5x128xi32, #tpu.memory_space<vmem>>, vector<16xi32>,
        tpu.vector_store %arg11[%swap3A_1480, %swap3A_1481], %convert_element_type3A_1478 {strides = array<i32>} : memref<5x128xi32, #tpu.memory_space<vmem>>, vector<16xi32>,
        %get3A_1483 = arith.constant 768 : index
        %get3A_1484 = tpu.vector_load %arg9[%get3A_1483] {strides = array<i32>} : memref<1024xf32, #tpu.memory_space<vmem>>, vector<16xf32>,
        %convert_element_type3A_1485 = arith.fptosi %get3A_1484 : vector<16xf32> to vector<16xi32>
        %swap3A_1486 = arith.constant 2 : i32
        %swap3A_1487 = arith.index_cast %swap3A_1486 : i32 to index
        %swap3A_1488 = arith.constant 0 : index
        %swap3A_1489 = tpu.vector_load %arg11[%swap3A_1487, %swap3A_1488] {strides = array<i32>} : memref<5x128xi32, #tpu.memory_space<vmem>>, vector<16xi32>,
        tpu.vector_store %arg11[%swap3A_1487, %swap3A_1488], %convert_element_type3A_1485 {strides = array<i32>} : memref<5x128xi32, #tpu.memory_space<vmem>>, vector<16xi32>,
        %get3A_1490 = arith.constant 784 : index
        %get3A_1491 = tpu.vector_load %arg9[%get3A_1490] {strides = array<i32>} : memref<1024xf32, #tpu.memory_space<vmem>>, vector<16xf32>,
        %convert_element_type3A_1492 = arith.fptosi %get3A_1491 : vector<16xf32> to vector<16xi32>
        %swap3A_1493 = arith.constant 2 : i32
        %swap3A_1494 = arith.index_cast %swap3A_1493 : i32 to index
        %swap3A_1495 = arith.constant 16 : index
        %swap3A_1496 = tpu.vector_load %arg11[%swap3A_1494, %swap3A_1495] {strides = array<i32>} : memref<5x128xi32, #tpu.memory_space<vmem>>, vector<16xi32>,
        tpu.vector_store %arg11[%swap3A_1494, %swap3A_1495], %convert_element_type3A_1492 {strides = array<i32>} : memref<5x128xi32, #tpu.memory_space<vmem>>, vector<16xi32>,
        %get3A_1497 = arith.constant 800 : index
        %get3A_1498 = tpu.vector_load %arg9[%get3A_1497] {strides = array<i32>} : memref<1024xf32, #tpu.memory_space<vmem>>, vector<16xf32>,
        %convert_element_type3A_1499 = arith.fptosi %get3A_1498 : vector<16xf32> to vector<16xi32>
        %swap3A_1500 = arith.constant 2 : i32
        %swap3A_1501 = arith.index_cast %swap3A_1500 : i32 to index
        %swap3A_1502 = arith.constant 32 : index
        %swap3A_1503 = tpu.vector_load %arg11[%swap3A_1501, %swap3A_1502] {strides = array<i32>} : memref<5x128xi32, #tpu.memory_space<vmem>>, vector<16xi32>,
        tpu.vector_store %arg11[%swap3A_1501, %swap3A_1502], %convert_element_type3A_1499 {strides = array<i32>} : memref<5x128xi32, #tpu.memory_space<vmem>>, vector<16xi32>,
        %get3A_1504 = arith.constant 816 : index
        %get3A_1505 = tpu.vector_load %arg9[%get3A_1504] {strides = array<i32>} : memref<1024xf32, #tpu.memory_space<vmem>>, vector<16xf32>,
        %convert_element_type3A_1506 = arith.fptosi %get3A_1505 : vector<16xf32> to vector<16xi32>
        %swap3A_1507 = arith.constant 2 : i32
        %swap3A_1508 = arith.index_cast %swap3A_1507 : i32 to index
        %swap3A_1509 = arith.constant 48 : index
        %swap3A_1510 = tpu.vector_load %arg11[%swap3A_1508, %swap3A_1509] {strides = array<i32>} : memref<5x128xi32, #tpu.memory_space<vmem>>, vector<16xi32>,
        tpu.vector_store %arg11[%swap3A_1508, %swap3A_1509], %convert_element_type3A_1506 {strides = array<i32>} : memref<5x128xi32, #tpu.memory_space<vmem>>, vector<16xi32>,
        %get3A_1511 = arith.constant 832 : index
        %get3A_1512 = tpu.vector_load %arg9[%get3A_1511] {strides = array<i32>} : memref<1024xf32, #tpu.memory_space<vmem>>, vector<16xf32>,
        %convert_element_type3A_1513 = arith.fptosi %get3A_1512 : vector<16xf32> to vector<16xi32>
        %swap3A_1514 = arith.constant 2 : i32
        %swap3A_1515 = arith.index_cast %swap3A_1514 : i32 to index
        %swap3A_1516 = arith.constant 64 : index
        %swap3A_1517 = tpu.vector_load %arg11[%swap3A_1515, %swap3A_1516] {strides = array<i32>} : memref<5x128xi32, #tpu.memory_space<vmem>>, vector<16xi32>,
        tpu.vector_store %arg11[%swap3A_1515, %swap3A_1516], %convert_element_type3A_1513 {strides = array<i32>} : memref<5x128xi32, #tpu.memory_space<vmem>>, vector<16xi32>,
        %get3A_1518 = arith.constant 848 : index
        %get3A_1519 = tpu.vector_load %arg9[%get3A_1518] {strides = array<i32>} : memref<1024xf32, #tpu.memory_space<vmem>>, vector<16xf32>,
        %convert_element_type3A_1520 = arith.fptosi %get3A_1519 : vector<16xf32> to vector<16xi32>
        %swap3A_1521 = arith.constant 2 : i32
        %swap3A_1522 = arith.index_cast %swap3A_1521 : i32 to index
        %swap3A_1523 = arith.constant 80 : index
        %swap3A_1524 = tpu.vector_load %arg11[%swap3A_1522, %swap3A_1523] {strides = array<i32>} : memref<5x128xi32, #tpu.memory_space<vmem>>, vector<16xi32>,
        tpu.vector_store %arg11[%swap3A_1522, %swap3A_1523], %convert_element_type3A_1520 {strides = array<i32>} : memref<5x128xi32, #tpu.memory_space<vmem>>, vector<16xi32>,
        %get3A_1525 = arith.constant 864 : index
        %get3A_1526 = tpu.vector_load %arg9[%get3A_1525] {strides = array<i32>} : memref<1024xf32, #tpu.memory_space<vmem>>, vector<16xf32>,
        %convert_element_type3A_1527 = arith.fptosi %get3A_1526 : vector<16xf32> to vector<16xi32>
        %swap3A_1528 = arith.constant 2 : i32
        %swap3A_1529 = arith.index_cast %swap3A_1528 : i32 to index
        %swap3A_1530 = arith.constant 96 : index
        %swap3A_1531 = tpu.vector_load %arg11[%swap3A_1529, %swap3A_1530] {strides = array<i32>} : memref<5x128xi32, #tpu.memory_space<vmem>>, vector<16xi32>,
        tpu.vector_store %arg11[%swap3A_1529, %swap3A_1530], %convert_element_type3A_1527 {strides = array<i32>} : memref<5x128xi32, #tpu.memory_space<vmem>>, vector<16xi32>,
        %get3A_1532 = arith.constant 880 : index
        %get3A_1533 = tpu.vector_load %arg9[%get3A_1532] {strides = array<i32>} : memref<1024xf32, #tpu.memory_space<vmem>>, vector<16xf32>,
        %convert_element_type3A_1534 = arith.fptosi %get3A_1533 : vector<16xf32> to vector<16xi32>
        %swap3A_1535 = arith.constant 2 : i32
        %swap3A_1536 = arith.index_cast %swap3A_1535 : i32 to index
        %swap3A_1537 = arith.constant 112 : index
        %swap3A_1538 = tpu.vector_load %arg11[%swap3A_1536, %swap3A_1537] {strides = array<i32>} : memref<5x128xi32, #tpu.memory_space<vmem>>, vector<16xi32>,
        tpu.vector_store %arg11[%swap3A_1536, %swap3A_1537], %convert_element_type3A_1534 {strides = array<i32>} : memref<5x128xi32, #tpu.memory_space<vmem>>, vector<16xi32>,
        %get3A_1539 = arith.constant 896 : index
        %get3A_1540 = tpu.vector_load %arg9[%get3A_1539] {strides = array<i32>} : memref<1024xf32, #tpu.memory_space<vmem>>, vector<16xf32>,
        %convert_element_type3A_1541 = arith.fptosi %get3A_1540 : vector<16xf32> to vector<16xi32>
        %swap3A_1542 = arith.constant 3 : i32
        %swap3A_1543 = arith.index_cast %swap3A_1542 : i32 to index
        %swap3A_1544 = arith.constant 0 : index
        %swap3A_1545 = tpu.vector_load %arg11[%swap3A_1543, %swap3A_1544] {strides = array<i32>} : memref<5x128xi32, #tpu.memory_space<vmem>>, vector<16xi32>,
        tpu.vector_store %arg11[%swap3A_1543, %swap3A_1544], %convert_element_type3A_1541 {strides = array<i32>} : memref<5x128xi32, #tpu.memory_space<vmem>>, vector<16xi32>,
        %get3A_1546 = arith.constant 912 : index
        %get3A_1547 = tpu.vector_load %arg9[%get3A_1546] {strides = array<i32>} : memref<1024xf32, #tpu.memory_space<vmem>>, vector<16xf32>,
        %convert_element_type3A_1548 = arith.fptosi %get3A_1547 : vector<16xf32> to vector<16xi32>
        %swap3A_1549 = arith.constant 3 : i32
        %swap3A_1550 = arith.index_cast %swap3A_1549 : i32 to index
        %swap3A_1551 = arith.constant 16 : index
        %swap3A_1552 = tpu.vector_load %arg11[%swap3A_1550, %swap3A_1551] {strides = array<i32>} : memref<5x128xi32, #tpu.memory_space<vmem>>, vector<16xi32>,
        tpu.vector_store %arg11[%swap3A_1550, %swap3A_1551], %convert_element_type3A_1548 {strides = array<i32>} : memref<5x128xi32, #tpu.memory_space<vmem>>, vector<16xi32>,
        %get3A_1553 = arith.constant 928 : index
        %get3A_1554 = tpu.vector_load %arg9[%get3A_1553] {strides = array<i32>} : memref<1024xf32, #tpu.memory_space<vmem>>, vector<16xf32>,
        %convert_element_type3A_1555 = arith.fptosi %get3A_1554 : vector<16xf32> to vector<16xi32>
        %swap3A_1556 = arith.constant 3 : i32
        %swap3A_1557 = arith.index_cast %swap3A_1556 : i32 to index
        %swap3A_1558 = arith.constant 32 : index
        %swap3A_1559 = tpu.vector_load %arg11[%swap3A_1557, %swap3A_1558] {strides = array<i32>} : memref<5x128xi32, #tpu.memory_space<vmem>>, vector<16xi32>,
        tpu.vector_store %arg11[%swap3A_1557, %swap3A_1558], %convert_element_type3A_1555 {strides = array<i32>} : memref<5x128xi32, #tpu.memory_space<vmem>>, vector<16xi32>,
        %get3A_1560 = arith.constant 944 : index
        %get3A_1561 = tpu.vector_load %arg9[%get3A_1560] {strides = array<i32>} : memref<1024xf32, #tpu.memory_space<vmem>>, vector<16xf32>,
        %convert_element_type3A_1562 = arith.fptosi %get3A_1561 : vector<16xf32> to vector<16xi32>
        %swap3A_1563 = arith.constant 3 : i32
        %swap3A_1564 = arith.index_cast %swap3A_1563 : i32 to index
        %swap3A_1565 = arith.constant 48 : index
        %swap3A_1566 = tpu.vector_load %arg11[%swap3A_1564, %swap3A_1565] {strides = array<i32>} : memref<5x128xi32, #tpu.memory_space<vmem>>, vector<16xi32>,
        tpu.vector_store %arg11[%swap3A_1564, %swap3A_1565], %convert_element_type3A_1562 {strides = array<i32>} : memref<5x128xi32, #tpu.memory_space<vmem>>, vector<16xi32>,
        %get3A_1567 = arith.constant 960 : index
        %get3A_1568 = tpu.vector_load %arg9[%get3A_1567] {strides = array<i32>} : memref<1024xf32, #tpu.memory_space<vmem>>, vector<16xf32>,
        %convert_element_type3A_1569 = arith.fptosi %get3A_1568 : vector<16xf32> to vector<16xi32>
        %swap3A_1570 = arith.constant 3 : i32
        %swap3A_1571 = arith.index_cast %swap3A_1570 : i32 to index
        %swap3A_1572 = arith.constant 64 : index
        %swap3A_1573 = tpu.vector_load %arg11[%swap3A_1571, %swap3A_1572] {strides = array<i32>} : memref<5x128xi32, #tpu.memory_space<vmem>>, vector<16xi32>,
        tpu.vector_store %arg11[%swap3A_1571, %swap3A_1572], %convert_element_type3A_1569 {strides = array<i32>} : memref<5x128xi32, #tpu.memory_space<vmem>>, vector<16xi32>,
        %get3A_1574 = arith.constant 976 : index
        %get3A_1575 = tpu.vector_load %arg9[%get3A_1574] {strides = array<i32>} : memref<1024xf32, #tpu.memory_space<vmem>>, vector<16xf32>,
        %convert_element_type3A_1576 = arith.fptosi %get3A_1575 : vector<16xf32> to vector<16xi32>
        %swap3A_1577 = arith.constant 3 : i32
        %swap3A_1578 = arith.index_cast %swap3A_1577 : i32 to index
        %swap3A_1579 = arith.constant 80 : index
        %swap3A_1580 = tpu.vector_load %arg11[%swap3A_1578, %swap3A_1579] {strides = array<i32>} : memref<5x128xi32, #tpu.memory_space<vmem>>, vector<16xi32>,
        tpu.vector_store %arg11[%swap3A_1578, %swap3A_1579], %convert_element_type3A_1576 {strides = array<i32>} : memref<5x128xi32, #tpu.memory_space<vmem>>, vector<16xi32>,
        %get3A_1581 = arith.constant 992 : index
        %get3A_1582 = tpu.vector_load %arg9[%get3A_1581] {strides = array<i32>} : memref<1024xf32, #tpu.memory_space<vmem>>, vector<16xf32>,
        %convert_element_type3A_1583 = arith.fptosi %get3A_1582 : vector<16xf32> to vector<16xi32>
        %swap3A_1584 = arith.constant 3 : i32
        %swap3A_1585 = arith.index_cast %swap3A_1584 : i32 to index
        %swap3A_1586 = arith.constant 96 : index
        %swap3A_1587 = tpu.vector_load %arg11[%swap3A_1585, %swap3A_1586] {strides = array<i32>} : memref<5x128xi32, #tpu.memory_space<vmem>>, vector<16xi32>,
        tpu.vector_store %arg11[%swap3A_1585, %swap3A_1586], %convert_element_type3A_1583 {strides = array<i32>} : memref<5x128xi32, #tpu.memory_space<vmem>>, vector<16xi32>,
        %get3A_1588 = arith.constant 1008 : index
        %get3A_1589 = tpu.vector_load %arg9[%get3A_1588] {strides = array<i32>} : memref<1024xf32, #tpu.memory_space<vmem>>, vector<16xf32>,
        %convert_element_type3A_1590 = arith.fptosi %get3A_1589 : vector<16xf32> to vector<16xi32>
        %swap3A_1591 = arith.constant 3 : i32
        %swap3A_1592 = arith.index_cast %swap3A_1591 : i32 to index
        %swap3A_1593 = arith.constant 112 : index
        %swap3A_1594 = tpu.vector_load %arg11[%swap3A_1592, %swap3A_1593] {strides = array<i32>} : memref<5x128xi32, #tpu.memory_space<vmem>>, vector<16xi32>,
        tpu.vector_store %arg11[%swap3A_1592, %swap3A_1593], %convert_element_type3A_1590 {strides = array<i32>} : memref<5x128xi32, #tpu.memory_space<vmem>>, vector<16xi32>,
        %add3A_1595 = arith.constant 0 : i32
        %add3A_1596 = arith.addi %mul3A_2, %add3A_1595 : i32
        %mul3A_1597 = arith.constant 200 : i32
        %mul3A_1598 = arith.muli %add3A_1596, %mul3A_1597 : i32
        %add3A_1599 = arith.addi %mul3A_1598, %add3A_1226 : i32
        %add3A_1600 = vector.broadcast %add3A_1599 : i32 to vector<16xi32>
        %add3A_1601 = arith.addi %mul3A_5, %add3A_1600 : vector<16xi32>
        %swap3A_1602 = arith.constant 4 : i32
        %swap3A_1603 = arith.index_cast %swap3A_1602 : i32 to index
        %swap3A_1604 = arith.constant 0 : index
        %swap3A_1605 = tpu.vector_load %arg11[%swap3A_1603, %swap3A_1604] {strides = array<i32>} : memref<5x128xi32, #tpu.memory_space<vmem>>, vector<16xi32>,
        tpu.vector_store %arg11[%swap3A_1603, %swap3A_1604], %add3A_1601 {strides = array<i32>} : memref<5x128xi32, #tpu.memory_space<vmem>>, vector<16xi32>,
        %add3A_1606 = arith.constant 16 : i32
        %add3A_1607 = arith.addi %mul3A_2, %add3A_1606 : i32
        %mul3A_1608 = arith.constant 200 : i32
        %mul3A_1609 = arith.muli %add3A_1607, %mul3A_1608 : i32
        %add3A_1610 = arith.addi %mul3A_1609, %add3A_1226 : i32
        %add3A_1611 = vector.broadcast %add3A_1610 : i32 to vector<16xi32>
        %add3A_1612 = arith.addi %mul3A_5, %add3A_1611 : vector<16xi32>
        %swap3A_1613 = arith.constant 4 : i32
        %swap3A_1614 = arith.index_cast %swap3A_1613 : i32 to index
        %swap3A_1615 = arith.constant 16 : index
        %swap3A_1616 = tpu.vector_load %arg11[%swap3A_1614, %swap3A_1615] {strides = array<i32>} : memref<5x128xi32, #tpu.memory_space<vmem>>, vector<16xi32>,
        tpu.vector_store %arg11[%swap3A_1614, %swap3A_1615], %add3A_1612 {strides = array<i32>} : memref<5x128xi32, #tpu.memory_space<vmem>>, vector<16xi32>,
        %add3A_1617 = arith.constant 32 : i32
        %add3A_1618 = arith.addi %mul3A_2, %add3A_1617 : i32
        %mul3A_1619 = arith.constant 200 : i32
        %mul3A_1620 = arith.muli %add3A_1618, %mul3A_1619 : i32
        %add3A_1621 = arith.addi %mul3A_1620, %add3A_1226 : i32
        %add3A_1622 = vector.broadcast %add3A_1621 : i32 to vector<16xi32>
        %add3A_1623 = arith.addi %mul3A_5, %add3A_1622 : vector<16xi32>
        %swap3A_1624 = arith.constant 4 : i32
        %swap3A_1625 = arith.index_cast %swap3A_1624 : i32 to index
        %swap3A_1626 = arith.constant 32 : index
        %swap3A_1627 = tpu.vector_load %arg11[%swap3A_1625, %swap3A_1626] {strides = array<i32>} : memref<5x128xi32, #tpu.memory_space<vmem>>, vector<16xi32>,
        tpu.vector_store %arg11[%swap3A_1625, %swap3A_1626], %add3A_1623 {strides = array<i32>} : memref<5x128xi32, #tpu.memory_space<vmem>>, vector<16xi32>,
        %add3A_1628 = arith.constant 48 : i32
        %add3A_1629 = arith.addi %mul3A_2, %add3A_1628 : i32
        %mul3A_1630 = arith.constant 200 : i32
        %mul3A_1631 = arith.muli %add3A_1629, %mul3A_1630 : i32
        %add3A_1632 = arith.addi %mul3A_1631, %add3A_1226 : i32
        %add3A_1633 = vector.broadcast %add3A_1632 : i32 to vector<16xi32>
        %add3A_1634 = arith.addi %mul3A_5, %add3A_1633 : vector<16xi32>
        %swap3A_1635 = arith.constant 4 : i32
        %swap3A_1636 = arith.index_cast %swap3A_1635 : i32 to index
        %swap3A_1637 = arith.constant 48 : index
        %swap3A_1638 = tpu.vector_load %arg11[%swap3A_1636, %swap3A_1637] {strides = array<i32>} : memref<5x128xi32, #tpu.memory_space<vmem>>, vector<16xi32>,
        tpu.vector_store %arg11[%swap3A_1636, %swap3A_1637], %add3A_1634 {strides = array<i32>} : memref<5x128xi32, #tpu.memory_space<vmem>>, vector<16xi32>,
        %add3A_1639 = arith.constant 64 : i32
        %add3A_1640 = arith.addi %mul3A_2, %add3A_1639 : i32
        %mul3A_1641 = arith.constant 200 : i32
        %mul3A_1642 = arith.muli %add3A_1640, %mul3A_1641 : i32
        %add3A_1643 = arith.addi %mul3A_1642, %add3A_1226 : i32
        %add3A_1644 = vector.broadcast %add3A_1643 : i32 to vector<16xi32>
        %add3A_1645 = arith.addi %mul3A_5, %add3A_1644 : vector<16xi32>
        %swap3A_1646 = arith.constant 4 : i32
        %swap3A_1647 = arith.index_cast %swap3A_1646 : i32 to index
        %swap3A_1648 = arith.constant 64 : index
        %swap3A_1649 = tpu.vector_load %arg11[%swap3A_1647, %swap3A_1648] {strides = array<i32>} : memref<5x128xi32, #tpu.memory_space<vmem>>, vector<16xi32>,
        tpu.vector_store %arg11[%swap3A_1647, %swap3A_1648], %add3A_1645 {strides = array<i32>} : memref<5x128xi32, #tpu.memory_space<vmem>>, vector<16xi32>,
        %add3A_1650 = arith.constant 80 : i32
        %add3A_1651 = arith.addi %mul3A_2, %add3A_1650 : i32
        %mul3A_1652 = arith.constant 200 : i32
        %mul3A_1653 = arith.muli %add3A_1651, %mul3A_1652 : i32
        %add3A_1654 = arith.addi %mul3A_1653, %add3A_1226 : i32
        %add3A_1655 = vector.broadcast %add3A_1654 : i32 to vector<16xi32>
        %add3A_1656 = arith.addi %mul3A_5, %add3A_1655 : vector<16xi32>
        %swap3A_1657 = arith.constant 4 : i32
        %swap3A_1658 = arith.index_cast %swap3A_1657 : i32 to index
        %swap3A_1659 = arith.constant 80 : index
        %swap3A_1660 = tpu.vector_load %arg11[%swap3A_1658, %swap3A_1659] {strides = array<i32>} : memref<5x128xi32, #tpu.memory_space<vmem>>, vector<16xi32>,
        tpu.vector_store %arg11[%swap3A_1658, %swap3A_1659], %add3A_1656 {strides = array<i32>} : memref<5x128xi32, #tpu.memory_space<vmem>>, vector<16xi32>,
        %add3A_1661 = arith.constant 96 : i32
        %add3A_1662 = arith.addi %mul3A_2, %add3A_1661 : i32
        %mul3A_1663 = arith.constant 200 : i32
        %mul3A_1664 = arith.muli %add3A_1662, %mul3A_1663 : i32
        %add3A_1665 = arith.addi %mul3A_1664, %add3A_1226 : i32
        %add3A_1666 = vector.broadcast %add3A_1665 : i32 to vector<16xi32>
        %add3A_1667 = arith.addi %mul3A_5, %add3A_1666 : vector<16xi32>
        %swap3A_1668 = arith.constant 4 : i32
        %swap3A_1669 = arith.index_cast %swap3A_1668 : i32 to index
        %swap3A_1670 = arith.constant 96 : index
        %swap3A_1671 = tpu.vector_load %arg11[%swap3A_1669, %swap3A_1670] {strides = array<i32>} : memref<5x128xi32, #tpu.memory_space<vmem>>, vector<16xi32>,
        tpu.vector_store %arg11[%swap3A_1669, %swap3A_1670], %add3A_1667 {strides = array<i32>} : memref<5x128xi32, #tpu.memory_space<vmem>>, vector<16xi32>,
        %add3A_1672 = arith.constant 112 : i32
        %add3A_1673 = arith.addi %mul3A_2, %add3A_1672 : i32
        %mul3A_1674 = arith.constant 200 : i32
        %mul3A_1675 = arith.muli %add3A_1673, %mul3A_1674 : i32
        %add3A_1676 = arith.addi %mul3A_1675, %add3A_1226 : i32
        %add3A_1677 = vector.broadcast %add3A_1676 : i32 to vector<16xi32>
        %add3A_1678 = arith.addi %mul3A_5, %add3A_1677 : vector<16xi32>
        %swap3A_1679 = arith.constant 4 : i32
        %swap3A_1680 = arith.index_cast %swap3A_1679 : i32 to index
        %swap3A_1681 = arith.constant 112 : index
        %swap3A_1682 = tpu.vector_load %arg11[%swap3A_1680, %swap3A_1681] {strides = array<i32>} : memref<5x128xi32, #tpu.memory_space<vmem>>, vector<16xi32>,
        tpu.vector_store %arg11[%swap3A_1680, %swap3A_1681], %add3A_1678 {strides = array<i32>} : memref<5x128xi32, #tpu.memory_space<vmem>>, vector<16xi32>,
        %dma_wait3A_1683 = arith.constant 4 : i32
        %dma_wait3A_1684 = arith.constant 0 : i32
        %dma_wait3A_1685 = tpu.memref_slice %arg11[%dma_wait3A_1683, %dma_wait3A_1684] : memref<5x128xi32, #tpu.memory_space<vmem>> -> memref<1x128xi32, #tpu.memory_space<vmem>>
        %dma_wait3A_1686 = tpu.memref_squeeze %dma_wait3A_1685 : memref<1x128xi32, #tpu.memory_space<vmem>> -> memref<128xi32, #tpu.memory_space<vmem>>
        %dma_wait3A_1687 = arith.constant 0 : i32
        %dma_wait3A_1688 = arith.constant 0 : i32
        %dma_wait3A_1689 = tpu.memref_slice %arg8[%dma_wait3A_1687, %dma_wait3A_1688] : memref<819200x128xf32, #tpu.memory_space<hbm>> -> memref<819200x128xf32, #tpu.memory_space<hbm>>
        tpu.wait_indirect_dma semaphore(%arg19 : memref<!tpu.dma_semaphore, #tpu.memory_space<semaphore_mem>>) src(%arg13 : memref<128x128xf32, #tpu.memory_space<vmem>>) dst(%dma_wait3A_1689 : memref<819200x128xf32, #tpu.memory_space<hbm>>)
        %scan3A_1690 = arith.constant 0 : i32
        %scan3A_1691 = arith.constant 0 : i32
        %scan3A_1692 = arith.constant 128 : i32
        %scan3A_1693 = arith.addi %scan3A_1691, %scan3A_1692 : i32
        %scan3A_1694 = arith.constant 1 : i32
        scf.for %scan3A_1696 = %scan3A_1691 to %scan3A_1693 step %scan3A_1694  : i32 {
          %add3A_1697 = arith.constant 0 : i32
          %add3A_1698 = arith.addi %add3A_1697, %scan3A_1696 : i32
          %broadcast_in_dim3A = vector.broadcast %add3A_1698 : i32 to vector<16xi32>
          %gather3A = tpu.vector_load_idx %arg9[%broadcast_in_dim3A] : memref<1024xf32, #tpu.memory_space<vmem>>[vector<16xi32>], vector<16xf32>,
          %add3A_1699 = arith.constant 128 : i32
          %add3A_1700 = arith.addi %add3A_1699, %scan3A_1696 : i32
          %broadcast_in_dim3A_1701 = vector.broadcast %add3A_1700 : i32 to vector<16xi32>
          %gather3A_1702 = tpu.vector_load_idx %arg9[%broadcast_in_dim3A_1701] : memref<1024xf32, #tpu.memory_space<vmem>>[vector<16xi32>], vector<16xf32>,
          %add3A_1703 = arith.constant 256 : i32
          %add3A_1704 = arith.addi %add3A_1703, %scan3A_1696 : i32
          %broadcast_in_dim3A_1705 = vector.broadcast %add3A_1704 : i32 to vector<16xi32>
          %gather3A_1706 = tpu.vector_load_idx %arg9[%broadcast_in_dim3A_1705] : memref<1024xf32, #tpu.memory_space<vmem>>[vector<16xi32>], vector<16xf32>,
          %add3A_1707 = arith.constant 384 : i32
          %add3A_1708 = arith.addi %add3A_1707, %scan3A_1696 : i32
          %broadcast_in_dim3A_1709 = vector.broadcast %add3A_1708 : i32 to vector<16xi32>
          %gather3A_1710 = tpu.vector_load_idx %arg9[%broadcast_in_dim3A_1709] : memref<1024xf32, #tpu.memory_space<vmem>>[vector<16xi32>], vector<16xf32>,
          %mul3A_1711 = arith.mulf %gather3A, %get3A_8 : vector<16xf32>
          %add3A_1712 = arith.addf %get3A_136, %mul3A_1711 : vector<16xf32>
          %mul3A_1713 = arith.mulf %gather3A_1702, %get3A_12 : vector<16xf32>
          %add3A_1714 = arith.addf %add3A_1712, %mul3A_1713 : vector<16xf32>
          %mul3A_1715 = arith.mulf %gather3A_1706, %get3A_16 : vector<16xf32>
          %add3A_1716 = arith.addf %add3A_1714, %mul3A_1715 : vector<16xf32>
          %mul3A_1717 = arith.mulf %gather3A_1710, %get3A_20 : vector<16xf32>
          %add3A_1718 = arith.addf %add3A_1716, %mul3A_1717 : vector<16xf32>
          %swap3A_1719 = arith.index_cast %scan3A_1696 : i32 to index
          %swap3A_1720 = arith.constant 0 : index
          %swap3A_1721 = tpu.vector_load %arg13[%swap3A_1719, %swap3A_1720] {strides = array<i32>} : memref<128x128xf32, #tpu.memory_space<vmem>>, vector<16xf32>,
          tpu.vector_store %arg13[%swap3A_1719, %swap3A_1720], %add3A_1718 {strides = array<i32>} : memref<128x128xf32, #tpu.memory_space<vmem>>, vector<16xf32>,
          %mul3A_1722 = arith.mulf %gather3A, %get3A_24 : vector<16xf32>
          %add3A_1723 = arith.addf %get3A_140, %mul3A_1722 : vector<16xf32>
          %mul3A_1724 = arith.mulf %gather3A_1702, %get3A_28 : vector<16xf32>
          %add3A_1725 = arith.addf %add3A_1723, %mul3A_1724 : vector<16xf32>
          %mul3A_1726 = arith.mulf %gather3A_1706, %get3A_32 : vector<16xf32>
          %add3A_1727 = arith.addf %add3A_1725, %mul3A_1726 : vector<16xf32>
          %mul3A_1728 = arith.mulf %gather3A_1710, %get3A_36 : vector<16xf32>
          %add3A_1729 = arith.addf %add3A_1727, %mul3A_1728 : vector<16xf32>
          %swap3A_1730 = arith.index_cast %scan3A_1696 : i32 to index
          %swap3A_1731 = arith.constant 16 : index
          %swap3A_1732 = tpu.vector_load %arg13[%swap3A_1730, %swap3A_1731] {strides = array<i32>} : memref<128x128xf32, #tpu.memory_space<vmem>>, vector<16xf32>,
          tpu.vector_store %arg13[%swap3A_1730, %swap3A_1731], %add3A_1729 {strides = array<i32>} : memref<128x128xf32, #tpu.memory_space<vmem>>, vector<16xf32>,
          %mul3A_1733 = arith.mulf %gather3A, %get3A_40 : vector<16xf32>
          %add3A_1734 = arith.addf %get3A_144, %mul3A_1733 : vector<16xf32>
          %mul3A_1735 = arith.mulf %gather3A_1702, %get3A_44 : vector<16xf32>
          %add3A_1736 = arith.addf %add3A_1734, %mul3A_1735 : vector<16xf32>
          %mul3A_1737 = arith.mulf %gather3A_1706, %get3A_48 : vector<16xf32>
          %add3A_1738 = arith.addf %add3A_1736, %mul3A_1737 : vector<16xf32>
          %mul3A_1739 = arith.mulf %gather3A_1710, %get3A_52 : vector<16xf32>
          %add3A_1740 = arith.addf %add3A_1738, %mul3A_1739 : vector<16xf32>
          %swap3A_1741 = arith.index_cast %scan3A_1696 : i32 to index
          %swap3A_1742 = arith.constant 32 : index
          %swap3A_1743 = tpu.vector_load %arg13[%swap3A_1741, %swap3A_1742] {strides = array<i32>} : memref<128x128xf32, #tpu.memory_space<vmem>>, vector<16xf32>,
          tpu.vector_store %arg13[%swap3A_1741, %swap3A_1742], %add3A_1740 {strides = array<i32>} : memref<128x128xf32, #tpu.memory_space<vmem>>, vector<16xf32>,
          %mul3A_1744 = arith.mulf %gather3A, %get3A_56 : vector<16xf32>
          %add3A_1745 = arith.addf %get3A_148, %mul3A_1744 : vector<16xf32>
          %mul3A_1746 = arith.mulf %gather3A_1702, %get3A_60 : vector<16xf32>
          %add3A_1747 = arith.addf %add3A_1745, %mul3A_1746 : vector<16xf32>
          %mul3A_1748 = arith.mulf %gather3A_1706, %get3A_64 : vector<16xf32>
          %add3A_1749 = arith.addf %add3A_1747, %mul3A_1748 : vector<16xf32>
          %mul3A_1750 = arith.mulf %gather3A_1710, %get3A_68 : vector<16xf32>
          %add3A_1751 = arith.addf %add3A_1749, %mul3A_1750 : vector<16xf32>
          %swap3A_1752 = arith.index_cast %scan3A_1696 : i32 to index
          %swap3A_1753 = arith.constant 48 : index
          %swap3A_1754 = tpu.vector_load %arg13[%swap3A_1752, %swap3A_1753] {strides = array<i32>} : memref<128x128xf32, #tpu.memory_space<vmem>>, vector<16xf32>,
          tpu.vector_store %arg13[%swap3A_1752, %swap3A_1753], %add3A_1751 {strides = array<i32>} : memref<128x128xf32, #tpu.memory_space<vmem>>, vector<16xf32>,
          %mul3A_1755 = arith.mulf %gather3A, %get3A_72 : vector<16xf32>
          %add3A_1756 = arith.addf %get3A_152, %mul3A_1755 : vector<16xf32>
          %mul3A_1757 = arith.mulf %gather3A_1702, %get3A_76 : vector<16xf32>
          %add3A_1758 = arith.addf %add3A_1756, %mul3A_1757 : vector<16xf32>
          %mul3A_1759 = arith.mulf %gather3A_1706, %get3A_80 : vector<16xf32>
          %add3A_1760 = arith.addf %add3A_1758, %mul3A_1759 : vector<16xf32>
          %mul3A_1761 = arith.mulf %gather3A_1710, %get3A_84 : vector<16xf32>
          %add3A_1762 = arith.addf %add3A_1760, %mul3A_1761 : vector<16xf32>
          %swap3A_1763 = arith.index_cast %scan3A_1696 : i32 to index
          %swap3A_1764 = arith.constant 64 : index
          %swap3A_1765 = tpu.vector_load %arg13[%swap3A_1763, %swap3A_1764] {strides = array<i32>} : memref<128x128xf32, #tpu.memory_space<vmem>>, vector<16xf32>,
          tpu.vector_store %arg13[%swap3A_1763, %swap3A_1764], %add3A_1762 {strides = array<i32>} : memref<128x128xf32, #tpu.memory_space<vmem>>, vector<16xf32>,
          %mul3A_1766 = arith.mulf %gather3A, %get3A_88 : vector<16xf32>
          %add3A_1767 = arith.addf %get3A_156, %mul3A_1766 : vector<16xf32>
          %mul3A_1768 = arith.mulf %gather3A_1702, %get3A_92 : vector<16xf32>
          %add3A_1769 = arith.addf %add3A_1767, %mul3A_1768 : vector<16xf32>
          %mul3A_1770 = arith.mulf %gather3A_1706, %get3A_96 : vector<16xf32>
          %add3A_1771 = arith.addf %add3A_1769, %mul3A_1770 : vector<16xf32>
          %mul3A_1772 = arith.mulf %gather3A_1710, %get3A_100 : vector<16xf32>
          %add3A_1773 = arith.addf %add3A_1771, %mul3A_1772 : vector<16xf32>
          %swap3A_1774 = arith.index_cast %scan3A_1696 : i32 to index
          %swap3A_1775 = arith.constant 80 : index
          %swap3A_1776 = tpu.vector_load %arg13[%swap3A_1774, %swap3A_1775] {strides = array<i32>} : memref<128x128xf32, #tpu.memory_space<vmem>>, vector<16xf32>,
          tpu.vector_store %arg13[%swap3A_1774, %swap3A_1775], %add3A_1773 {strides = array<i32>} : memref<128x128xf32, #tpu.memory_space<vmem>>, vector<16xf32>,
          %mul3A_1777 = arith.mulf %gather3A, %get3A_104 : vector<16xf32>
          %add3A_1778 = arith.addf %get3A_160, %mul3A_1777 : vector<16xf32>
          %mul3A_1779 = arith.mulf %gather3A_1702, %get3A_108 : vector<16xf32>
          %add3A_1780 = arith.addf %add3A_1778, %mul3A_1779 : vector<16xf32>
          %mul3A_1781 = arith.mulf %gather3A_1706, %get3A_112 : vector<16xf32>
          %add3A_1782 = arith.addf %add3A_1780, %mul3A_1781 : vector<16xf32>
          %mul3A_1783 = arith.mulf %gather3A_1710, %get3A_116 : vector<16xf32>
          %add3A_1784 = arith.addf %add3A_1782, %mul3A_1783 : vector<16xf32>
          %swap3A_1785 = arith.index_cast %scan3A_1696 : i32 to index
          %swap3A_1786 = arith.constant 96 : index
          %swap3A_1787 = tpu.vector_load %arg13[%swap3A_1785, %swap3A_1786] {strides = array<i32>} : memref<128x128xf32, #tpu.memory_space<vmem>>, vector<16xf32>,
          tpu.vector_store %arg13[%swap3A_1785, %swap3A_1786], %add3A_1784 {strides = array<i32>} : memref<128x128xf32, #tpu.memory_space<vmem>>, vector<16xf32>,
          %mul3A_1788 = arith.mulf %gather3A, %get3A_120 : vector<16xf32>
          %add3A_1789 = arith.addf %get3A_164, %mul3A_1788 : vector<16xf32>
          %mul3A_1790 = arith.mulf %gather3A_1702, %get3A_124 : vector<16xf32>
          %add3A_1791 = arith.addf %add3A_1789, %mul3A_1790 : vector<16xf32>
          %mul3A_1792 = arith.mulf %gather3A_1706, %get3A_128 : vector<16xf32>
          %add3A_1793 = arith.addf %add3A_1791, %mul3A_1792 : vector<16xf32>
          %mul3A_1794 = arith.mulf %gather3A_1710, %get3A_132 : vector<16xf32>
          %add3A_1795 = arith.addf %add3A_1793, %mul3A_1794 : vector<16xf32>
          %swap3A_1796 = arith.index_cast %scan3A_1696 : i32 to index
          %swap3A_1797 = arith.constant 112 : index
          %swap3A_1798 = tpu.vector_load %arg13[%swap3A_1796, %swap3A_1797] {strides = array<i32>} : memref<128x128xf32, #tpu.memory_space<vmem>>, vector<16xf32>,
          tpu.vector_store %arg13[%swap3A_1796, %swap3A_1797], %add3A_1795 {strides = array<i32>} : memref<128x128xf32, #tpu.memory_space<vmem>>, vector<16xf32>,
        }
        %scan3A_1695 = arith.constant 128 : i32
      } else {
      }
      %dma_wait3A_1190 = arith.constant 0 : i32
      %dma_wait3A_1191 = arith.constant 0 : i32
      %dma_wait3A_1192 = tpu.memref_slice %arg12[%dma_wait3A_1190, %dma_wait3A_1191] : memref<5x128xi32, #tpu.memory_space<vmem>> -> memref<1x128xi32, #tpu.memory_space<vmem>>
      %dma_wait3A_1193 = tpu.memref_squeeze %dma_wait3A_1192 : memref<1x128xi32, #tpu.memory_space<vmem>> -> memref<128xi32, #tpu.memory_space<vmem>>
      %dma_wait3A_1194 = arith.constant 0 : i32
      %dma_wait3A_1195 = arith.constant 0 : i32
      %dma_wait3A_1196 = tpu.memref_slice %arg2[%dma_wait3A_1194, %dma_wait3A_1195] : memref<100000x128xf32, #tpu.memory_space<hbm>> -> memref<100000x128xf32, #tpu.memory_space<hbm>>
      tpu.wait_indirect_dma semaphore(%arg18 : memref<!tpu.dma_semaphore, #tpu.memory_space<semaphore_mem>>) src(%dma_wait3A_1196 : memref<100000x128xf32, #tpu.memory_space<hbm>>) dst(%arg14 : memref<128x128xf32, #tpu.memory_space<vmem>>)
      %dma_wait3A_1197 = arith.constant 1 : i32
      %dma_wait3A_1198 = arith.constant 0 : i32
      %dma_wait3A_1199 = tpu.memref_slice %arg12[%dma_wait3A_1197, %dma_wait3A_1198] : memref<5x128xi32, #tpu.memory_space<vmem>> -> memref<1x128xi32, #tpu.memory_space<vmem>>
      %dma_wait3A_1200 = tpu.memref_squeeze %dma_wait3A_1199 : memref<1x128xi32, #tpu.memory_space<vmem>> -> memref<128xi32, #tpu.memory_space<vmem>>
      %dma_wait3A_1201 = arith.constant 0 : i32
      %dma_wait3A_1202 = arith.constant 0 : i32
      %dma_wait3A_1203 = tpu.memref_slice %arg3[%dma_wait3A_1201, %dma_wait3A_1202] : memref<100000x128xf32, #tpu.memory_space<hbm>> -> memref<100000x128xf32, #tpu.memory_space<hbm>>
      tpu.wait_indirect_dma semaphore(%arg18 : memref<!tpu.dma_semaphore, #tpu.memory_space<semaphore_mem>>) src(%dma_wait3A_1203 : memref<100000x128xf32, #tpu.memory_space<hbm>>) dst(%arg14 : memref<128x128xf32, #tpu.memory_space<vmem>>)
      %dma_wait3A_1204 = arith.constant 2 : i32
      %dma_wait3A_1205 = arith.constant 0 : i32
      %dma_wait3A_1206 = tpu.memref_slice %arg12[%dma_wait3A_1204, %dma_wait3A_1205] : memref<5x128xi32, #tpu.memory_space<vmem>> -> memref<1x128xi32, #tpu.memory_space<vmem>>
      %dma_wait3A_1207 = tpu.memref_squeeze %dma_wait3A_1206 : memref<1x128xi32, #tpu.memory_space<vmem>> -> memref<128xi32, #tpu.memory_space<vmem>>
      %dma_wait3A_1208 = arith.constant 0 : i32
      %dma_wait3A_1209 = arith.constant 0 : i32
      %dma_wait3A_1210 = tpu.memref_slice %arg4[%dma_wait3A_1208, %dma_wait3A_1209] : memref<100000x128xf32, #tpu.memory_space<hbm>> -> memref<100000x128xf32, #tpu.memory_space<hbm>>
      tpu.wait_indirect_dma semaphore(%arg18 : memref<!tpu.dma_semaphore, #tpu.memory_space<semaphore_mem>>) src(%dma_wait3A_1210 : memref<100000x128xf32, #tpu.memory_space<hbm>>) dst(%arg14 : memref<128x128xf32, #tpu.memory_space<vmem>>)
      %dma_wait3A_1211 = arith.constant 3 : i32
      %dma_wait3A_1212 = arith.constant 0 : i32
      %dma_wait3A_1213 = tpu.memref_slice %arg12[%dma_wait3A_1211, %dma_wait3A_1212] : memref<5x128xi32, #tpu.memory_space<vmem>> -> memref<1x128xi32, #tpu.memory_space<vmem>>
      %dma_wait3A_1214 = tpu.memref_squeeze %dma_wait3A_1213 : memref<1x128xi32, #tpu.memory_space<vmem>> -> memref<128xi32, #tpu.memory_space<vmem>>
      %dma_wait3A_1215 = arith.constant 0 : i32
      %dma_wait3A_1216 = arith.constant 0 : i32
      %dma_wait3A_1217 = tpu.memref_slice %arg5[%dma_wait3A_1215, %dma_wait3A_1216] : memref<100000x128xf32, #tpu.memory_space<hbm>> -> memref<100000x128xf32, #tpu.memory_space<hbm>>
      tpu.wait_indirect_dma semaphore(%arg18 : memref<!tpu.dma_semaphore, #tpu.memory_space<semaphore_mem>>) src(%dma_wait3A_1217 : memref<100000x128xf32, #tpu.memory_space<hbm>>) dst(%arg14 : memref<128x128xf32, #tpu.memory_space<vmem>>)
      %dma_start3A_1218 = arith.constant 4 : i32
      %dma_start3A_1219 = arith.constant 0 : i32
      %dma_start3A_1220 = tpu.memref_slice %arg12[%dma_start3A_1218, %dma_start3A_1219] : memref<5x128xi32, #tpu.memory_space<vmem>> -> memref<1x128xi32, #tpu.memory_space<vmem>>
      %dma_start3A_1221 = tpu.memref_squeeze %dma_start3A_1220 : memref<1x128xi32, #tpu.memory_space<vmem>> -> memref<128xi32, #tpu.memory_space<vmem>>
      %dma_start3A_1222 = arith.constant 0 : i32
      %dma_start3A_1223 = arith.constant 0 : i32
      %dma_start3A_1224 = tpu.memref_slice %arg8[%dma_start3A_1222, %dma_start3A_1223] : memref<819200x128xf32, #tpu.memory_space<hbm>> -> memref<819200x128xf32, #tpu.memory_space<hbm>>
      tpu.enqueue_indirect_dma source(%arg14 : memref<128x128xf32, #tpu.memory_space<vmem>>) target(%dma_start3A_1224 : memref<819200x128xf32, #tpu.memory_space<hbm>>) offsets(%dma_start3A_1221 : memref<128xi32, #tpu.memory_space<vmem>>) semaphore(%arg20 : memref<!tpu.dma_semaphore, #tpu.memory_space<semaphore_mem>>)
    }
    %scan3A_610 = arith.constant 100 : i32
    %dma_wait3A_611 = arith.constant 4 : i32
    %dma_wait3A_612 = arith.constant 0 : i32
    %dma_wait3A_613 = tpu.memref_slice %arg11[%dma_wait3A_611, %dma_wait3A_612] : memref<5x128xi32, #tpu.memory_space<vmem>> -> memref<1x128xi32, #tpu.memory_space<vmem>>
    %dma_wait3A_614 = tpu.memref_squeeze %dma_wait3A_613 : memref<1x128xi32, #tpu.memory_space<vmem>> -> memref<128xi32, #tpu.memory_space<vmem>>
    %dma_wait3A_615 = arith.constant 0 : i32
    %dma_wait3A_616 = arith.constant 0 : i32
    %dma_wait3A_617 = tpu.memref_slice %arg8[%dma_wait3A_615, %dma_wait3A_616] : memref<819200x128xf32, #tpu.memory_space<hbm>> -> memref<819200x128xf32, #tpu.memory_space<hbm>>
    tpu.wait_indirect_dma semaphore(%arg19 : memref<!tpu.dma_semaphore, #tpu.memory_space<semaphore_mem>>) src(%arg13 : memref<128x128xf32, #tpu.memory_space<vmem>>) dst(%dma_wait3A_617 : memref<819200x128xf32, #tpu.memory_space<hbm>>)
    %dma_wait3A_618 = arith.constant 4 : i32
    %dma_wait3A_619 = arith.constant 0 : i32
    %dma_wait3A_620 = tpu.memref_slice %arg12[%dma_wait3A_618, %dma_wait3A_619] : memref<5x128xi32, #tpu.memory_space<vmem>> -> memref<1x128xi32, #tpu.memory_space<vmem>>
    %dma_wait3A_621 = tpu.memref_squeeze %dma_wait3A_620 : memref<1x128xi32, #tpu.memory_space<vmem>> -> memref<128xi32, #tpu.memory_space<vmem>>
    %dma_wait3A_622 = arith.constant 0 : i32
    %dma_wait3A_623 = arith.constant 0 : i32
    %dma_wait3A_624 = tpu.memref_slice %arg8[%dma_wait3A_622, %dma_wait3A_623] : memref<819200x128xf32, #tpu.memory_space<hbm>> -> memref<819200x128xf32, #tpu.memory_space<hbm>>
    tpu.wait_indirect_dma semaphore(%arg20 : memref<!tpu.dma_semaphore, #tpu.memory_space<semaphore_mem>>) src(%arg14 : memref<128x128xf32, #tpu.memory_space<vmem>>) dst(%dma_wait3A_624 : memref<819200x128xf32, #tpu.memory_space<hbm>>)
    return
  }
}

module attributes {stable_mosaic.version = 14 : i64} {
  func.func @_proj_body(%arg0: i32, %arg1: memref<4000x128xf32, #tpu.memory_space<vmem>>, %arg2: memref<4000x128xf32, #tpu.memory_space<vmem>>, %arg3: memref<4000x128xf32, #tpu.memory_space<vmem>>, %arg4: memref<4000x128xf32, #tpu.memory_space<vmem>>, %arg5: memref<128x128xf32, #tpu.memory_space<vmem>>, %arg6: memref<128x128xf32, #tpu.memory_space<vmem>>, %arg7: memref<128x128xf32, #tpu.memory_space<vmem>>, %arg8: memref<128x128xf32, #tpu.memory_space<vmem>>, %arg9: memref<4000x128xf32, #tpu.memory_space<vmem>>, %arg10: memref<4000x128xf32, #tpu.memory_space<vmem>>, %arg11: memref<4000x128xf32, #tpu.memory_space<vmem>>, %arg12: memref<4000x128xf32, #tpu.memory_space<vmem>>) attributes {dimension_semantics = [#tpu.dimension_semantics<arbitrary>], iteration_bounds = array<i64: 25>, scalar_prefetch = 0 : i64, scratch_operands = 0 : i64, tpu.core_type = #tpu.core_type<tc>, window_params = [{transform_indices = @transform_0, window_bounds = array<i64: 4000, 128>}, {transform_indices = @transform_1, window_bounds = array<i64: 4000, 128>}, {transform_indices = @transform_2, window_bounds = array<i64: 4000, 128>}, {transform_indices = @transform_3, window_bounds = array<i64: 4000, 128>}, {pipeline_mode = #tpu.pipeline_mode<synchronous>, transform_indices = @transform_4, window_bounds = array<i64: 128, 128>}, {pipeline_mode = #tpu.pipeline_mode<synchronous>, transform_indices = @transform_5, window_bounds = array<i64: 128, 128>}, {pipeline_mode = #tpu.pipeline_mode<synchronous>, transform_indices = @transform_6, window_bounds = array<i64: 128, 128>}, {pipeline_mode = #tpu.pipeline_mode<synchronous>, transform_indices = @transform_7, window_bounds = array<i64: 128, 128>}, {transform_indices = @transform_8, window_bounds = array<i64: 4000, 128>}, {transform_indices = @transform_9, window_bounds = array<i64: 4000, 128>}, {transform_indices = @transform_10, window_bounds = array<i64: 4000, 128>}, {transform_indices = @transform_11, window_bounds = array<i64: 4000, 128>}]} {
    %get3A = arith.constant 0 : index
    %get3A_0 = arith.constant 0 : index
    %get3A_1 = vector.load %arg1[%get3A, %get3A_0] : memref<4000x128xf32, #tpu.memory_space<vmem>>, vector<4000x128xf32>
    %get3A_2 = arith.constant 0 : index
    %get3A_3 = arith.constant 0 : index
    %get3A_4 = vector.load %arg5[%get3A_2, %get3A_3] : memref<128x128xf32, #tpu.memory_space<vmem>>, vector<128x128xf32>
    %dot_general3A = arith.constant dense<0.000000e+00> : vector<4000x128xf32>
    %dot_general3A_5 = tpu.matmul %get3A_1, %get3A_4, %dot_general3A {dimension_numbers = #tpu.dot_dimension_numbers<[1], [0], [0], [1], [0, 0, 1, 1], [], []>, transpose_lhs_hint = false} : vector<4000x128xf32>, vector<128x128xf32>, vector<4000x128xf32> -> vector<4000x128xf32>
    %swap3A = arith.constant 0 : index
    %swap3A_6 = arith.constant 0 : index
    %swap3A_7 = vector.load %arg9[%swap3A, %swap3A_6] : memref<4000x128xf32, #tpu.memory_space<vmem>>, vector<4000x128xf32>
    tpu.vector_store %arg9[%swap3A, %swap3A_6], %dot_general3A_5 {strides = array<i32>} : memref<4000x128xf32, #tpu.memory_space<vmem>>, vector<4000x128xf32>,
    %get3A_8 = arith.constant 0 : index
    %get3A_9 = arith.constant 0 : index
    %get3A_10 = vector.load %arg2[%get3A_8, %get3A_9] : memref<4000x128xf32, #tpu.memory_space<vmem>>, vector<4000x128xf32>
    %get3A_11 = arith.constant 0 : index
    %get3A_12 = arith.constant 0 : index
    %get3A_13 = vector.load %arg6[%get3A_11, %get3A_12] : memref<128x128xf32, #tpu.memory_space<vmem>>, vector<128x128xf32>
    %dot_general3A_14 = arith.constant dense<0.000000e+00> : vector<4000x128xf32>
    %dot_general3A_15 = tpu.matmul %get3A_10, %get3A_13, %dot_general3A_14 {dimension_numbers = #tpu.dot_dimension_numbers<[1], [0], [0], [1], [0, 0, 1, 1], [], []>, transpose_lhs_hint = false} : vector<4000x128xf32>, vector<128x128xf32>, vector<4000x128xf32> -> vector<4000x128xf32>
    %swap3A_16 = arith.constant 0 : index
    %swap3A_17 = arith.constant 0 : index
    %swap3A_18 = vector.load %arg10[%swap3A_16, %swap3A_17] : memref<4000x128xf32, #tpu.memory_space<vmem>>, vector<4000x128xf32>
    tpu.vector_store %arg10[%swap3A_16, %swap3A_17], %dot_general3A_15 {strides = array<i32>} : memref<4000x128xf32, #tpu.memory_space<vmem>>, vector<4000x128xf32>,
    %get3A_19 = arith.constant 0 : index
    %get3A_20 = arith.constant 0 : index
    %get3A_21 = vector.load %arg3[%get3A_19, %get3A_20] : memref<4000x128xf32, #tpu.memory_space<vmem>>, vector<4000x128xf32>
    %get3A_22 = arith.constant 0 : index
    %get3A_23 = arith.constant 0 : index
    %get3A_24 = vector.load %arg7[%get3A_22, %get3A_23] : memref<128x128xf32, #tpu.memory_space<vmem>>, vector<128x128xf32>
    %dot_general3A_25 = arith.constant dense<0.000000e+00> : vector<4000x128xf32>
    %dot_general3A_26 = tpu.matmul %get3A_21, %get3A_24, %dot_general3A_25 {dimension_numbers = #tpu.dot_dimension_numbers<[1], [0], [0], [1], [0, 0, 1, 1], [], []>, transpose_lhs_hint = false} : vector<4000x128xf32>, vector<128x128xf32>, vector<4000x128xf32> -> vector<4000x128xf32>
    %swap3A_27 = arith.constant 0 : index
    %swap3A_28 = arith.constant 0 : index
    %swap3A_29 = vector.load %arg11[%swap3A_27, %swap3A_28] : memref<4000x128xf32, #tpu.memory_space<vmem>>, vector<4000x128xf32>
    tpu.vector_store %arg11[%swap3A_27, %swap3A_28], %dot_general3A_26 {strides = array<i32>} : memref<4000x128xf32, #tpu.memory_space<vmem>>, vector<4000x128xf32>,
    %get3A_30 = arith.constant 0 : index
    %get3A_31 = arith.constant 0 : index
    %get3A_32 = vector.load %arg4[%get3A_30, %get3A_31] : memref<4000x128xf32, #tpu.memory_space<vmem>>, vector<4000x128xf32>
    %get3A_33 = arith.constant 0 : index
    %get3A_34 = arith.constant 0 : index
    %get3A_35 = vector.load %arg8[%get3A_33, %get3A_34] : memref<128x128xf32, #tpu.memory_space<vmem>>, vector<128x128xf32>
    %dot_general3A_36 = arith.constant dense<0.000000e+00> : vector<4000x128xf32>
    %dot_general3A_37 = tpu.matmul %get3A_32, %get3A_35, %dot_general3A_36 {dimension_numbers = #tpu.dot_dimension_numbers<[1], [0], [0], [1], [0, 0, 1, 1], [], []>, transpose_lhs_hint = false} : vector<4000x128xf32>, vector<128x128xf32>, vector<4000x128xf32> -> vector<4000x128xf32>
    %swap3A_38 = arith.constant 0 : index
    %swap3A_39 = arith.constant 0 : index
    %swap3A_40 = vector.load %arg12[%swap3A_38, %swap3A_39] : memref<4000x128xf32, #tpu.memory_space<vmem>>, vector<4000x128xf32>
    tpu.vector_store %arg12[%swap3A_38, %swap3A_39], %dot_general3A_37 {strides = array<i32>} : memref<4000x128xf32, #tpu.memory_space<vmem>>, vector<4000x128xf32>,
    return
  }
  func.func @transform_0(%arg0: i32) -> (i32, i32) {
    %c0_i32 = arith.constant 0 : i32
    %c0_i32_0 = arith.constant 0 : i32
    return %arg0, %c0_i32 : i32, i32
  }
  func.func @transform_1(%arg0: i32) -> (i32, i32) {
    %c0_i32 = arith.constant 0 : i32
    %c0_i32_0 = arith.constant 0 : i32
    return %arg0, %c0_i32 : i32, i32
  }
  func.func @transform_2(%arg0: i32) -> (i32, i32) {
    %c0_i32 = arith.constant 0 : i32
    %c0_i32_0 = arith.constant 0 : i32
    return %arg0, %c0_i32 : i32, i32
  }
  func.func @transform_3(%arg0: i32) -> (i32, i32) {
    %c0_i32 = arith.constant 0 : i32
    %c0_i32_0 = arith.constant 0 : i32
    return %arg0, %c0_i32 : i32, i32
  }
  func.func @transform_4(%arg0: i32) -> (i32, i32) {
    %c0_i32 = arith.constant 0 : i32
    %c0_i32_0 = arith.constant 0 : i32
    %c0_i32_1 = arith.constant 0 : i32
    return %c0_i32, %c0_i32_0 : i32, i32
  }
  func.func @transform_5(%arg0: i32) -> (i32, i32) {
    %c0_i32 = arith.constant 0 : i32
    %c0_i32_0 = arith.constant 0 : i32
    %c0_i32_1 = arith.constant 0 : i32
    return %c0_i32, %c0_i32_0 : i32, i32
  }
  func.func @transform_6(%arg0: i32) -> (i32, i32) {
    %c0_i32 = arith.constant 0 : i32
    %c0_i32_0 = arith.constant 0 : i32
    %c0_i32_1 = arith.constant 0 : i32
    return %c0_i32, %c0_i32_0 : i32, i32
  }
  func.func @transform_7(%arg0: i32) -> (i32, i32) {
    %c0_i32 = arith.constant 0 : i32
    %c0_i32_0 = arith.constant 0 : i32
    %c0_i32_1 = arith.constant 0 : i32
    return %c0_i32, %c0_i32_0 : i32, i32
  }
  func.func @transform_8(%arg0: i32) -> (i32, i32) {
    %c0_i32 = arith.constant 0 : i32
    %c0_i32_0 = arith.constant 0 : i32
    return %arg0, %c0_i32 : i32, i32
  }
  func.func @transform_9(%arg0: i32) -> (i32, i32) {
    %c0_i32 = arith.constant 0 : i32
    %c0_i32_0 = arith.constant 0 : i32
    return %arg0, %c0_i32 : i32, i32
  }
  func.func @transform_10(%arg0: i32) -> (i32, i32) {
    %c0_i32 = arith.constant 0 : i32
    %c0_i32_0 = arith.constant 0 : i32
    return %arg0, %c0_i32 : i32, i32
  }
  func.func @transform_11(%arg0: i32) -> (i32, i32) {
    %c0_i32 = arith.constant 0 : i32
    %c0_i32_0 = arith.constant 0 : i32
    return %arg0, %c0_i32 : i32, i32
  }
}

</mosaic_0001>

<sc_bundles>
// kernel: kernel.4.cloned.1.call-start
scs
__scs_entry_jumppad:
0x0: {  	(pc) =	sbr.rel $0x88, $3  }
0x1: {  	(tag) =	ssettag $0x0;
	lr =	simm.s32 $0x1  }
0x2: {  	[smem:$0x3F9A] =	sst lr;
	_ =	strace $0xD0000000  }
0x3: {  	_ = 	snop  }
0x4: {  	_ = 	snop  }
0x5: {  	_ = 	snop  }
0x6: {  	_ = 	snop  }
0x7: {  	_ = 	snop  }
__scs_overlays_trampoline_lowered:
0x8: {  	[smem:$0x3FA9] =	sst s0  }
0x9: {  	[smem:$0x3FAA] =	sst s1  }
0xa: {  	[smem:$0x3FAB] =	sst s2  }
0xb: {  	[smem:$0x3FAC] =	sst s3  }
0xc: {  	[smem:$0x3FAD] =	sst s4  }
0xd: {  	[smem:$0x3FAE] =	sst s5  }
0xe: {  	[smem:$0x3FAF] =	sst s6  }
0xf: {  	[smem:$0x3FB0] =	sst s7  }
0x10: {  	[smem:$0x3FB1] =	sst s8  }
0x11: {  	[smem:$0x3FB2] =	sst s9;
	s0 =	simm.s32 @!p0 $0x0  }
0x12: {  	s1 =	sld [smem:$0x3F98];
	s0 =	simm.s32 @p0 $0x1  }
0x13: {  	[smem:$0x3FB3] =	sst s0;
	s0 =	simm.s32 @!p1 $0x0  }
0x14: {  	s2 =	sld [smem:$0x3F97];
	s0 =	simm.s32 @p1 $0x1  }
0x15: {  	[smem:$0x3FB4] =	sst s0;
	s0 =	simm.s32 @!p2 $0x0  }
0x16: {  	s3 =	sld [smem:$0x3FDB];
	s0 =	simm.s32 @p2 $0x1  }
0x17: {  	s4 =	simm.s32 $0x1BF5;
	[smem:$0x3FB6] =	sst s0  }
0x18: {  	s0 =	sld [smem:$0x3F99];
	_ =	swait.ge [sflag:s4], $0x0  }
0x19: {  	s7 =	sld [smem:$0x3F9A]  }
0x1a: {  	s8 =	sadd.s32 $0xFFFFE003, lr  }
0x1b: {  	s9 =	sadd.s32 $0xFFFFFEF7, lr;
	s5 =	simm.s32 $0xFFFFFFFF;
	p2 =	slt.u32 s8, $0xFFFFF086  }
0x1c: {  	p1 =	slt.u32 s9, $0xF7A;
	s5 =	simm.s32 @!p2 $0x0  }
0x1d: {  	s5 =	simm.s32 @p1 $0x1;
	p0 =	seq.s32 s7, s2  }
0x1e: {  	s7 =	smul.u32 @!p0 $0xF7A, s2;
	p2 =	seq.s32 @!p0 s5, $0x0  }
0x1f: {  	s9 =	smul.u32 $0xF7A, s1;
	s8 =	simm.s32 @!p0 $0x1BF5;
	p2 =	por !p2, p0  }
0x20: {  	[sflag:s8] =	ssyncset.s32 @!p0 $0xFFFFF086;
	s6 =	sadd.s32 @!p0 s3, s7;
	s7 =	simm.s32 @!p0 $0x108  }
0x21: {  	s3 =	sadd.s32 s3, s9;
	s6 =	sadd.s32 @!p0 $0x88, s6;
	s7 =	simm.s32 @p2 $0x1082  }
0x22: {  	[simem:s7], [sflag:s8] =	dma.local @!p0 [hbm:s6], $0xF7A  }
0x23: {  	s9 =	sor.u32 $0xD0000000, s2;
	s6 =	simm.s32 $0x108;
	_ =	swait.ge @!p0 [sflag:s8], $0x0  }
0x24: {  	s3 =	sadd.s32 $0x88, s3;
	s6 =	simm.s32 @!p1 $0x1082;
	[sflag:s4] =	ssyncset.s32 $0xFFFFF086  }
0x25: {  	[simem:s6], [sflag:s4] =	dma.local [hbm:s3], $0xF7A  }
0x26: {  	[smem:$0x3F9A] =	sst s1;
	(tag) =	ssettag s2;
	_ =	strace s9  }
0x27: {  	s1 =	sld [smem:$0x3FAA]  }
0x28: {  	s2 =	sld [smem:$0x3FAB]  }
0x29: {  	s4 =	sld [smem:$0x3FAD]  }
0x2a: {  	p0 =	seq.s32 s5, $0x0;
	s5 =	sld [smem:$0x3FAE]  }
0x2b: {  	s6 =	sld [smem:$0x3FAF]  }
0x2c: {  	s7 =	sld [smem:$0x3FB0]  }
0x2d: {  	s3 =	simm.s32 $0x108;
	s8 =	sld [smem:$0x3FB1]  }
0x2e: {  	s3 =	simm.s32 @!p0 $0x1082;
	s9 =	sld [smem:$0x3FB2]  }
0x2f: {  	lr =	sadd.s32 s0, s3;
	s0 =	sld [smem:$0x3FA9]  }
0x30: {  	s3 =	sld [smem:$0x3FAC]  }
0x31: {  	[smem:$0x3FB5] =	sst s10  }
0x32: {  	s10 =	sld [smem:$0x3FB3];
	_ =	sdelay $0x3  }
0x33: {  	p0 =	seq.s32 s10, $0x1;
	s10 =	sld [smem:$0x3FB5];
	_ =	sdelay $0x3  }
0x34: {  	[smem:$0x3FB5] =	sst s10  }
0x35: {  	s10 =	sld [smem:$0x3FB4];
	_ =	sdelay $0x3  }
0x36: {  	p1 =	seq.s32 s10, $0x1;
	s10 =	sld [smem:$0x3FB5];
	_ =	sdelay $0x3  }
0x37: {  	[smem:$0x3FB5] =	sst s10  }
0x38: {  	s10 =	sld [smem:$0x3FB6]  }
0x39: {  	_ = 	snop;
	(pc) =	sbr.ind lr, $3  }
0x3a: {  	_ = 	snop  }
0x3b: {  	_ = 	snop  }
0x3c: {  	p2 =	seq.s32 s10, $0x1;
	s10 =	sld [smem:$0x3FB5]  }
0x3d: {  	_ =	shalt  }
0x3e: {  	_ =	shalt  }
0x3f: {  	_ =	shalt  }
0x40: {  	_ =	shalt  }
0x41: {  	_ =	shalt  }
0x42: {  	_ =	shalt  }
0x43: {  	_ =	shalt  }
0x44: {  	_ =	shalt  }
0x45: {  	_ =	shalt  }
0x46: {  	_ =	shalt  }
0x47: {  	_ =	shalt  }
0x48: {  	_ =	shalt  }
0x49: {  	_ =	shalt  }
0x4a: {  	_ =	shalt  }
0x4b: {  	_ =	shalt  }
0x4c: {  	_ =	shalt  }
0x4d: {  	_ =	shalt  }
0x4e: {  	_ =	shalt  }
0x4f: {  	_ =	shalt  }
0x50: {  	_ =	shalt  }
0x51: {  	_ =	shalt  }
0x52: {  	_ =	shalt  }
0x53: {  	_ =	shalt  }
0x54: {  	_ =	shalt  }
0x55: {  	_ =	shalt  }
0x56: {  	_ =	shalt  }
0x57: {  	_ =	shalt  }
0x58: {  	_ =	shalt  }
0x59: {  	_ =	shalt  }
0x5a: {  	_ =	shalt  }
0x5b: {  	_ =	shalt  }
0x5c: {  	_ =	shalt  }
0x5d: {  	_ =	shalt  }
0x5e: {  	_ =	shalt  }
0x5f: {  	_ =	shalt  }
0x60: {  	_ =	shalt  }
0x61: {  	_ =	shalt  }
0x62: {  	_ =	shalt  }
0x63: {  	_ =	shalt  }
0x64: {  	_ =	shalt  }
0x65: {  	_ =	shalt  }
0x66: {  	_ =	shalt  }
0x67: {  	_ =	shalt  }
0x68: {  	_ =	shalt  }
0x69: {  	_ =	shalt  }
0x6a: {  	_ =	shalt  }
0x6b: {  	_ =	shalt  }
0x6c: {  	_ =	shalt  }
0x6d: {  	_ =	shalt  }
0x6e: {  	_ =	shalt  }
0x6f: {  	_ =	shalt  }
0x70: {  	_ =	shalt  }
0x71: {  	_ =	shalt  }
0x72: {  	_ =	shalt  }
0x73: {  	_ =	shalt  }
0x74: {  	_ =	shalt  }
0x75: {  	_ =	shalt  }
0x76: {  	_ =	shalt  }
0x77: {  	_ =	shalt  }
0x78: {  	_ =	shalt  }
0x79: {  	_ =	shalt  }
0x7a: {  	_ =	shalt  }
0x7b: {  	_ =	shalt  }
0x7c: {  	_ =	shalt  }
0x7d: {  	_ =	shalt  }
0x7e: {  	_ =	shalt  }
0x7f: {  	_ =	shalt  }
0x80: {  	_ =	shalt  }
0x81: {  	_ =	shalt  }
0x82: {  	_ =	shalt  }
0x83: {  	_ =	shalt  }
0x84: {  	_ =	shalt  }
0x85: {  	_ =	shalt  }
0x86: {  	_ =	shalt  }
0x87: {  	_ =	shalt  }
.Lfunc_end0:
.L_simem_size_0:
called_computation_lowered:
.L_overlay_start_0:
0x88: {  	s2 =	sld [smem:$0x3FD9]  }
0x89: {  	s3 =	sld [smem:$0x3FFE];
	_ =	sdelay $0x1  }
0x8a: {  	s1 =	srdreg.scid  }
0x8b: {  	s0 =	sand.u32 $0x1, s1  }
0x8c: {  	s17 =	sshll.u32 s0, $0xA;
	s2 =	sadd.s32 s3, s2  }
0x8d: {  	s2 =	sadd.s32 s2, s17  }
0x8e: {  	[smem:$0x3FC1] =	sst s2  }
0x8f: {  	_ = 	snop  }
0x90: {  	s2 =	sld [smem:$0x3FD0];
	(tm) =	ssettm $0x1  }
0x91: {  	s18 =	sld [smem:$0x3FFB];
	_ =	sdelay $0x3  }
0x92: {  	_ =	strace s18  }
0x93: {  	s3 =	sld [smem:$0x3FFC];
	_ =	sdelay $0x3  }
0x94: {  	_ =	strace s3  }
0x95: {  	s3 =	sld [smem:$0x3FFD];
	_ =	sdelay $0x3  }
0x96: {  	_ =	strace s3  }
0x97: {  	_ =	strace $0x8FFFFFFF  }
0x98: {  	s19 =	sld [smem:$0x3FDB];
	_ =	sdelay $0x1  }
0x99: {  	s4 =	simm.s32 $_scs_section_size  }
0x9a: {  	s5 =	simm.s32 $_size__tile_overlayer_lowered;
	s6 =	simm.s32 $_tile_overlayer_lowered  }
0x9b: {  	s22 =	simm.s32 $0x1BFF;
	s21 =	sshll.u32 s6, $0x1;
	s3 =	sadd.s32 s4, s19  }
0x9c: {  	s7 =	simm.s32 $0x0;
	s20 =	sshll.u32 s5, $0x1;
	s5 =	sadd.s32 s21, s3  }
0x9d: {  	[timem:s7], [sflag:s22] =	dma.local [hbm:s5], s20  }
0x9e: {  	_ =	swait.ge [sflag:s22], s20  }
0x9f: {  	s4 =	ssub.s32 $0x0, s20;
	[sflag:s22] =	ssyncset.done $0x0  }
0xa0: {  	[sflag:s22] =	ssyncadd.s32 s4;
	_ =	sdelay $0x1  }
0xa1: {  	s23 =	simm.s32 $0x1B8B  }
0xa2: {  	_ =	swait.ge [sflag:s23], $0x1  }
0xa3: {  	[sflag:s23] =	ssyncset.done $0x0  }
0xa4: {  	s25 =	simm.s32 $0x1B8E;
	s24 =	sld [smem:$0x3FFE];
	[sflag:s23] =	ssyncadd.s32 $0xFFFFFFFF  }
0xa5: {  	s26 =	simm.s32 $execute0_lowered;
	[smem:$0x3FD2] =	sst s25  }
0xa6: {  	s5 =	sshll.u32 s26, $0x1;
	_ =	strace $0x80000046;
	[dreg:$0x1] =	wrdreg $0xFFFFFFFF  }
0xa7: {  	s28 =	simm.s32 $_size_execute0_lowered;
	s3 =	sadd.s32 s3, s5;
	[dreg:$0x0] =	wrdreg $0x0  }
0xa8: {  	s5 =	sshll.u32 s28, $0x1;
	[dreg:$0x2] =	wrdreg s3  }
0xa9: {  	[dreg:$0x3] =	wrdreg s5  }
0xaa: {  	[dreg:$0x4] =	wrdreg $0xC0  }
0xab: {  	_ =	task [dreg:s7], $0x5FFFF  }
0xac: {  	[dreg:$0x1] =	wrdreg $0xFFFFFFFF  }
0xad: {  	[dreg:$0x0] =	wrdreg $0x60  }
0xae: {  	[dreg:$0x2] =	wrdreg s24  }
0xaf: {  	[dreg:$0x3] =	wrdreg s2  }
0xb0: {  	[dreg:$0x4] =	wrdreg $0x9  }
0xb1: {  	_ =	task.clear_ibuf [dreg:s7], $0x5FFFF;
	_ =	strace $0x90000046  }
0xb2: {  	s29 =	simm.s32 $0x9;
	_ =	strace $0x80000048  }
0xb3: {  	_ =	swait.ge [sflag:s29], $0x1  }
0xb4: {  	[sflag:s29] =	ssyncadd.s32 $0xFFFFFFFF  }
0xb5: {  	_ =	strace $0x90000048  }
0xb6: {  	_ =	sfence  }
0xb7: {  	s30 =	sld [smem:$0x0];
	_ =	sdelay $0x2  }
0xb8: {  	s31 =	sshll.u32 s1, $0xD;
	s1 =	sshrl.u32 s1, $0x2  }
0xb9: {  	s3 =	sand.u32 $0x4000, s31;
	s1 =	sadd.s32 s1, s30  }
0xba: {  	s0 =	sor.u32 s3, s0;
	s1 =	sshll.u32 s1, $0x11  }
0xbb: {  	s0 =	sor.u32 s1, s0  }
0xbc: {  	s0 =	sadd.s32 $0x8F2B, s0  }
0xbd: {  	[sflag:s0] =	ssyncadd.remote.s32 $0x1  }
0xbe: {  	_ =	sfence.sel $0xFFFF  }
0xbf: {  	[dreg:$0x0] =	wrdreg $0xFFFFFFFF;
	(pc) =	sbr.abs _section_cstart, $3  }
0xc0: {  	[dreg:$0x1] =	wrdreg $0xFFFFFFFF  }
0xc1: {  	_ =	task.clear_ibuf [dreg:s7], $0x2FFFF;
	_ =	strace $0x9FFFFFFF  }
0xc2: {  	(tm) =	ssettm $0x7FFFFFFF  }
0xc3: {  	_ =	shalt  }
tec
execute0_lowered:
.L_overlay_start_1:
0x0: {  	(tag) =	ssettag $0x1  }
0x1: {  	s0 =	rddreg [dreg:$0x0]  }
0x2: {  	s2 =	simm.s32 $0x0;
	s1 =	srdreg.scid;
	s3 =	stileid.u32  }
0x3: {  	[smem:$0x7FF] =	sst s2;
	s4 =	sadd.s32 $0xE2000, s0;
	s5 =	sadd.s32 $0x268A00, s0  }
0x4: {  	s6 =	sadd.s32 $0x3EF400, s0;
	s1 =	sand.u32 $0x1, s1;
	s3 =	sshll.u32 s3, $0x1  }
0x5: {  	s7 =	sadd.s32 $0x575E00, s0;
	s9 =	ssub.s32 $0x2, s1;
	s1 =	sor.u32 s1, s3  }
0x6: {  	s8 =	sadd.s32 $0xE00, s0;
	s0 =	sadd.s32 $0xE1E00, s0;
	s10 =	sshll.u32 s1, $0x4  }
0x7: {  	_ =	strace $0x80000047;
	[dreg:$0x3] =	wrdreg s0;
	s25 =	sadd.s32 s8, s10  }
0x8: {  	s10 =	sshll.u32 s1, $0x7;
	[dreg:$0x4] =	wrdreg s25  }
0x9: {  	s26 =	sadd.s32 $0x19000, s25;
	[dreg:$0xd] =	wrdreg s10  }
0xa: {  	s29 =	sadd.s32 $0x32000, s25;
	[dreg:$0x5] =	wrdreg s26  }
0xb: {  	s30 =	sadd.s32 $0x4B000, s25;
	[dreg:$0x6] =	wrdreg s29  }
0xc: {  	s31 =	sadd.s32 $0x64000, s25;
	[dreg:$0x7] =	wrdreg s30  }
0xd: {  	s11 =	sadd.s32 $0x7D000, s25;
	[dreg:$0x8] =	wrdreg s31  }
0xe: {  	s23 =	sshrl.u32 s9, $0x1;
	s13 =	sadd.s32 $0x96000, s25;
	[dreg:$0x9] =	wrdreg s11  }
0xf: {  	s24 =	ssub.s32 s9, s23;
	s14 =	sadd.s32 $0xAF000, s25;
	[dreg:$0xa] =	wrdreg s13  }
0x10: {  	s12 =	smul.u32 $0x6400, s1;
	s0 =	smax.u32 s24, $0x1;
	[dreg:$0xb] =	wrdreg s14  }
0x11: {  	s15 =	sor.u32 $0x191000, s10;
	[dreg:$0xc] =	wrdreg s0  }
0x12: {  	s1 =	sadd.s32 $0xC80, s12;
	s16 =	sor.u32 $0x259000, s10;
	[dreg:$0xf] =	wrdreg s15  }
0x13: {  	s3 =	sadd.s32 $0x1900, s12;
	s17 =	sor.u32 $0x321000, s10;
	[dreg:$0x10] =	wrdreg s16  }
0x14: {  	s9 =	sadd.s32 $0x2580, s12;
	s19 =	sor.u32 $0x3E9000, s10;
	[dreg:$0x11] =	wrdreg s17  }
0x15: {  	s18 =	sadd.s32 $0x3200, s12;
	s21 =	sor.u32 $0x4B1000, s10;
	[dreg:$0x12] =	wrdreg s19  }
0x16: {  	s20 =	sadd.s32 $0x3E80, s12;
	s22 =	sor.u32 $0x579000, s10;
	[dreg:$0x13] =	wrdreg s21  }
0x17: {  	v0 =	vlaneseq.u32;
	s23 =	sor.u32 $0xCA000, s10;
	s24 =	sor.u32 $0x192000, s10;
	[dreg:$0x14] =	wrdreg s22  }
0x18: {  	v0 =	vmul.u32 $0xC8, v0;
	s25 =	sor.u32 $0x25A000, s10;
	s0 =	sadd.s32 $0x4B00, s12;
	[dreg:$0x15] =	wrdreg s23  }
0x19: {  	s29 =	sadd.s32 $0x5780, s12;
	s11 =	sor.u32 $0xC9000, s10;
	[dreg:$0x16] =	wrdreg s24  }
0x1a: {  	[tilespmem:$0x1FFE0] =	vst v0;
	v1 =	vadd.s32 s12, v0;
	[dreg:$0x17] =	wrdreg s25;
	s26 =	sor.u32 $0x322000, s10;
	s30 =	sor.u32 $0x3EA000, s10  }
0x1b: {  	s31 =	sor.u32 $0x4B2000, s10;
	s10 =	sor.u32 $0x57A000, s10;
	s13 =	simm.s32 $0x1;
	[tilespmem:$0x1FF70] =	vst v1;
	v58 =	vadd.s32 s1, v0  }
0x1c: {  	s15 =	simm.s32 $0x1000;
	s25 =	simm.s32 $0x400;
	s14 =	simm.s32 $0x5000;
	v59 =	vadd.s32 s3, v0;
	[tilespmem:$0x1FF80] =	vst v58  }
0x1d: {  	s23 =	smov.u32 s12;
	s21 =	smov.u32 s1;
	v60 =	vadd.s32 s9, v0;
	[dreg:$0xe] =	wrdreg s11;
	[tilespmem:$0x1FF90] =	vst v59  }
.Ltmp0:
0x1e: {  	s17 =	simm.s32 $0x2;
	v61 =	vadd.s32 s18, v0;
	[dreg:$0x18] =	wrdreg s26;
	[tilespmem:$0x1FFA0] =	vst v60;
	(pc) =	sbr.rel .LBB2_1-.Ltmp0, $4  }
0x1f: {  	s22 =	smov.u32 s3;
	s16 =	smov.u32 s9;
	v62 =	vadd.s32 s20, v0;
	[dreg:$0x19] =	wrdreg s30;
	[tilespmem:$0x1FFB0] =	vst v61  }
0x20: {  	s19 =	simm.s32 $0x3;
	s3 =	simm.s32 $0x0;
	[dreg:$0x1a] =	wrdreg s31;
	[tilespmem:$0x1FFC0] =	vst v62;
	v63 =	vadd.s32 s0, v0  }
0x21: {  	[dreg:$0x1b] =	wrdreg s10;
	s10 =	simm.s32 $0x80;
	s11 =	smov.u32 s18;
	v0 =	vadd.s32 s29, v0;
	[tilespmem:$0x1FFD0] =	vst v63  }
0x22: {  	s26 =	smov.u32 s20;
	s28 =	smov.u32 s0;
	s24 =	smov.u32 s29;
	[tilespmem:$0x1FFF0] =	vst v0  }
.LBB2_11:
0x23: {  	s0 =	simm.s32 $0x4  }
0x24: {  	_ =	swait.ge [sflag:s0], $0x4000  }
0x25: {  	[sflag:s0] =	ssyncset.done $0x0  }
0x26: {  	s1 =	simm.s32 $0x5;
	[sflag:s0] =	ssyncadd.s32 $0xFFFFC000  }
0x27: {  	_ =	swait.ge [sflag:s1], $0x4000  }
0x28: {  	s3 =	rddreg [dreg:$0x1c]  }
0x29: {  	s31 =	rddreg [dreg:$0xc];
	s3 =	sadd.s32 $0x1, s3  }
0x2a: {  	p0 =	sne.s32 s3, s31  }
.Ltmp1:
0x2b: {  	_ = 	snop;
	(pc) =	sbr.rel @!p0 .LBB2_12-.Ltmp1, $3  }
0x2c: {  	_ =	sdelay $0x1  }
0x2d: {  	[sflag:s1] =	ssyncset.done $0x0  }
0x2e: {  	[sflag:s1] =	ssyncadd.s32 $0xFFFFC000  }
.LBB2_1:
0x2f: {  	[dreg:$0x1c] =	wrdreg s3  }
0x30: {  	s0 =	rddreg [dreg:$0x3];
	s1 =	simm.s32 $0x9000;
	s9 =	simm.s32 $0x6  }
0x31: {  	[tilespmem:s1], [sflag:$0x6] =	stream.linear.gather [hbm4b:s0+s2], $0x280, $0x38;
	[tilespmem:$0x9400] =	vst v63  }
0x32: {  	_ =	swait.ge [sflag:s9], $0x280  }
0x33: {  	[sflag:s9] =	ssyncset.done $0x0  }
0x34: {  	[sflag:s9] =	ssyncadd.s32 $0xFFFFFD80  }
0x35: {  	v9 =	vld [tilespmem:$0x9000]  }
0x36: {  	v10 =	vld [tilespmem:$0x9080]  }
0x37: {  	v11 =	vld [tilespmem:$0x9100]  }
0x38: {  	v12 =	vld [tilespmem:$0x9180]  }
0x39: {  	v13 =	vld [tilespmem:$0x9010]  }
0x3a: {  	v14 =	vld [tilespmem:$0x9090]  }
0x3b: {  	v16 =	vld [tilespmem:$0x9110]  }
0x3c: {  	v15 =	vld [tilespmem:$0x9190]  }
0x3d: {  	v17 =	vld [tilespmem:$0x9020]  }
0x3e: {  	v18 =	vld [tilespmem:$0x90A0]  }
0x3f: {  	v19 =	vld [tilespmem:$0x9120]  }
0x40: {  	v20 =	vld [tilespmem:$0x91A0]  }
0x41: {  	v21 =	vld [tilespmem:$0x9030]  }
0x42: {  	v22 =	vld [tilespmem:$0x90B0]  }
0x43: {  	v23 =	vld [tilespmem:$0x9130]  }
0x44: {  	v24 =	vld [tilespmem:$0x91B0]  }
0x45: {  	v25 =	vld [tilespmem:$0x9040]  }
0x46: {  	v26 =	vld [tilespmem:$0x90C0]  }
0x47: {  	v27 =	vld [tilespmem:$0x9140]  }
0x48: {  	v28 =	vld [tilespmem:$0x91C0]  }
0x49: {  	v29 =	vld [tilespmem:$0x9050]  }
0x4a: {  	v30 =	vld [tilespmem:$0x90D0]  }
0x4b: {  	v31 =	vld [tilespmem:$0x9150]  }
0x4c: {  	v32 =	vld [tilespmem:$0x91D0]  }
0x4d: {  	v33 =	vld [tilespmem:$0x9060]  }
0x4e: {  	v34 =	vld [tilespmem:$0x90E0]  }
0x4f: {  	v47 =	vld [tilespmem:$0x9160]  }
0x50: {  	v36 =	vld [tilespmem:$0x91E0]  }
0x51: {  	v37 =	vld [tilespmem:$0x9070]  }
0x52: {  	v38 =	vld [tilespmem:$0x90F0]  }
0x53: {  	v39 =	vld [tilespmem:$0x9170]  }
0x54: {  	v40 =	vld [tilespmem:$0x91F0]  }
0x55: {  	v41 =	vld [tilespmem:$0x9200]  }
0x56: {  	v43 =	vld [tilespmem:$0x9210]  }
0x57: {  	v42 =	vld [tilespmem:$0x9220]  }
0x58: {  	v44 =	vld [tilespmem:$0x9230]  }
0x59: {  	v45 =	vld [tilespmem:$0x9240]  }
0x5a: {  	v46 =	vld [tilespmem:$0x9250]  }
0x5b: {  	s12 =	rddreg [dreg:$0x4];
	v35 =	vld [tilespmem:$0x9260]  }
0x5c: {  	v48 =	vld [tilespmem:$0x9270];
	[tilespmem:s2], [sflag:$0x1] =	stream.linear.gather [hbm4b:s12+s2], $0x80, $0x38  }
0x5d: {  	s18 =	rddreg [dreg:$0x5]  }
0x5e: {  	[tilespmem:s10], [sflag:$0x1] =	stream.linear.gather [hbm4b:s18+s2], $0x80, $0x38;
	[tilespmem:$0x9400] =	vst v63  }
0x5f: {  	s31 =	simm.s32 $0x100;
	s20 =	rddreg [dreg:$0x6]  }
0x60: {  	[tilespmem:s31], [sflag:$0x1] =	stream.linear.gather [hbm4b:s20+s2], $0x80, $0x38;
	[tilespmem:$0x9400] =	vst v63  }
0x61: {  	s3 =	rddreg [dreg:$0x7];
	s9 =	simm.s32 $0x180  }
0x62: {  	[tilespmem:s9], [sflag:$0x1] =	stream.linear.gather [hbm4b:s3+s2], $0x80, $0x38;
	[tilespmem:$0x9400] =	vst v63  }
0x63: {  	s12 =	rddreg [dreg:$0x8];
	s18 =	simm.s32 $0x200  }
0x64: {  	[tilespmem:s18], [sflag:$0x1] =	stream.linear.gather [hbm4b:s12+s2], $0x80, $0x38;
	[tilespmem:$0x9400] =	vst v63  }
0x65: {  	s20 =	rddreg [dreg:$0x9];
	s31 =	simm.s32 $0x280  }
0x66: {  	[tilespmem:s31], [sflag:$0x1] =	stream.linear.gather [hbm4b:s20+s2], $0x80, $0x38;
	[tilespmem:$0x9400] =	vst v63  }
0x67: {  	s1 =	rddreg [dreg:$0xa];
	s3 =	simm.s32 $0x300  }
0x68: {  	[tilespmem:s3], [sflag:$0x1] =	stream.linear.gather [hbm4b:s1+s2], $0x80, $0x38;
	[tilespmem:$0x9400] =	vst v63  }
0x69: {  	s9 =	rddreg [dreg:$0xb];
	s12 =	simm.s32 $0x380  }
0x6a: {  	[tilespmem:s12], [sflag:$0x1] =	stream.linear.gather [hbm4b:s9+s2], $0x80, $0x38;
	[tilespmem:$0x9400] =	vst v63  }
0x6b: {  	_ =	swait.ge [sflag:s13], $0x80  }
0x6c: {  	[sflag:s13] =	ssyncset.done $0x0  }
0x6d: {  	[sflag:s13] =	ssyncadd.s32 $0xFFFFFF80  }
0x6e: {  	_ =	swait.ge [sflag:s13], $0x80  }
0x6f: {  	[sflag:s13] =	ssyncset.done $0x0  }
0x70: {  	[sflag:s13] =	ssyncadd.s32 $0xFFFFFF80  }
0x71: {  	_ =	swait.ge [sflag:s13], $0x80  }
0x72: {  	[sflag:s13] =	ssyncset.done $0x0  }
0x73: {  	[sflag:s13] =	ssyncadd.s32 $0xFFFFFF80  }
0x74: {  	_ =	swait.ge [sflag:s13], $0x80  }
0x75: {  	[sflag:s13] =	ssyncset.done $0x0  }
0x76: {  	[sflag:s13] =	ssyncadd.s32 $0xFFFFFF80  }
0x77: {  	_ =	swait.ge [sflag:s13], $0x80  }
0x78: {  	[sflag:s13] =	ssyncset.done $0x0  }
0x79: {  	[sflag:s13] =	ssyncadd.s32 $0xFFFFFF80  }
0x7a: {  	_ =	swait.ge [sflag:s13], $0x80  }
0x7b: {  	[sflag:s13] =	ssyncset.done $0x0  }
0x7c: {  	[sflag:s13] =	ssyncadd.s32 $0xFFFFFF80  }
0x7d: {  	_ =	swait.ge [sflag:s13], $0x80  }
0x7e: {  	[sflag:s13] =	ssyncset.done $0x0  }
0x7f: {  	[sflag:s13] =	ssyncadd.s32 $0xFFFFFF80  }
0x80: {  	_ =	swait.ge [sflag:s13], $0x80  }
0x81: {  	[sflag:s13] =	ssyncset.done $0x0  }
0x82: {  	v0 =	vld [tilespmem:$0x1FF70];
	[sflag:s13] =	ssyncadd.s32 $0xFFFFFF80  }
0x83: {  	v1 =	vld [tilespmem:$0x200]  }
0x84: {  	v2 =	vld [tilespmem:$0x210]  }
0x85: {  	v3 =	vld [tilespmem:$0x220]  }
0x86: {  	v4 =	vld [tilespmem:$0x230]  }
0x87: {  	v5 =	vld [tilespmem:$0x240]  }
0x88: {  	[tilespmem:$0xA00] =	vst v0;
	v0 =	vld [tilespmem:$0x1FF80];
	v1 =	vtrunc.f32 v1  }
0x89: {  	v6 =	vld [tilespmem:$0x250];
	v2 =	vtrunc.f32 v2;
	v1 =	vcvt.f32.s32 v1  }
0x8a: {  	v7 =	vld [tilespmem:$0x260];
	v2 =	vcvt.f32.s32 v2  }
0x8b: {  	v49 =	vld [tilespmem:$0x270];
	v3 =	vtrunc.f32 v3;
	[tilespmem:$0x800] =	vst v1  }
0x8c: {  	v1 =	vcvt.f32.s32 v3;
	v3 =	vtrunc.f32 v4;
	v4 =	vld [tilespmem:$0x280];
	[tilespmem:$0x810] =	vst v2  }
0x8d: {  	[tilespmem:$0xA10] =	vst v0;
	v0 =	vld [tilespmem:$0x1FF90];
	v2 =	vcvt.f32.s32 v3;
	v3 =	vtrunc.f32 v5  }
0x8e: {  	v5 =	vld [tilespmem:$0x290];
	[tilespmem:$0x820] =	vst v1;
	v1 =	vcvt.f32.s32 v3;
	v3 =	vtrunc.f32 v6  }
0x8f: {  	v6 =	vld [tilespmem:$0x2A0];
	[tilespmem:$0x830] =	vst v2;
	v2 =	vcvt.f32.s32 v3  }
0x90: {  	v60 =	vld [tilespmem:$0x2C0];
	v3 =	vtrunc.f32 v7;
	[tilespmem:$0x840] =	vst v1  }
0x91: {  	v7 =	vld [tilespmem:$0x2B0];
	v1 =	vcvt.f32.s32 v3;
	v3 =	vtrunc.f32 v49;
	[tilespmem:$0x850] =	vst v2  }
0x92: {  	v2 =	vcvt.f32.s32 v3;
	v3 =	vtrunc.f32 v4;
	v4 =	vld [tilespmem:$0x2D0];
	[tilespmem:$0xA20] =	vst v0  }
0x93: {  	v0 =	vld [tilespmem:$0x1FFA0];
	[tilespmem:$0x860] =	vst v1;
	v1 =	vcvt.f32.s32 v3;
	v3 =	vtrunc.f32 v5  }
0x94: {  	v5 =	vld [tilespmem:$0x2E0];
	[tilespmem:$0x870] =	vst v2;
	v2 =	vcvt.f32.s32 v3;
	v3 =	vtrunc.f32 v6  }
0x95: {  	v6 =	vld [tilespmem:$0x2F0];
	[tilespmem:$0x880] =	vst v1;
	v1 =	vcvt.f32.s32 v3  }
0x96: {  	v61 =	vld [tilespmem:$0x310];
	v3 =	vtrunc.f32 v7;
	[tilespmem:$0x890] =	vst v2  }
0x97: {  	v7 =	vld [tilespmem:$0x300];
	v2 =	vcvt.f32.s32 v3;
	v3 =	vtrunc.f32 v60;
	[tilespmem:$0x8A0] =	vst v1  }
0x98: {  	v1 =	vcvt.f32.s32 v3;
	v3 =	vtrunc.f32 v4;
	v4 =	vld [tilespmem:$0x320];
	[tilespmem:$0xA30] =	vst v0  }
0x99: {  	v0 =	vld [tilespmem:$0x1FFB0];
	[tilespmem:$0x8B0] =	vst v2;
	v2 =	vcvt.f32.s32 v3;
	v3 =	vtrunc.f32 v5  }
0x9a: {  	v5 =	vld [tilespmem:$0x330];
	[tilespmem:$0x8C0] =	vst v1;
	v1 =	vcvt.f32.s32 v3;
	v3 =	vtrunc.f32 v6  }
0x9b: {  	v6 =	vld [tilespmem:$0x340];
	[tilespmem:$0x8D0] =	vst v2;
	v2 =	vcvt.f32.s32 v3  }
0x9c: {  	v62 =	vld [tilespmem:$0x360];
	v3 =	vtrunc.f32 v7;
	[tilespmem:$0x8E0] =	vst v1  }
0x9d: {  	v7 =	vld [tilespmem:$0x350];
	v1 =	vcvt.f32.s32 v3;
	v3 =	vtrunc.f32 v61;
	[tilespmem:$0x8F0] =	vst v2  }
0x9e: {  	v2 =	vcvt.f32.s32 v3;
	v3 =	vtrunc.f32 v4;
	v4 =	vld [tilespmem:$0x370];
	[tilespmem:$0xA40] =	vst v0  }
0x9f: {  	v0 =	vld [tilespmem:$0x1FFC0];
	[tilespmem:$0x900] =	vst v1;
	v1 =	vcvt.f32.s32 v3;
	v3 =	vtrunc.f32 v5  }
0xa0: {  	v5 =	vld [tilespmem:$0x380];
	[tilespmem:$0x910] =	vst v2;
	v2 =	vcvt.f32.s32 v3;
	v3 =	vtrunc.f32 v6  }
0xa1: {  	v6 =	vld [tilespmem:$0x390];
	[tilespmem:$0x920] =	vst v1;
	v1 =	vcvt.f32.s32 v3  }
0xa2: {  	v63 =	vld [tilespmem:$0x3B0];
	v3 =	vtrunc.f32 v7;
	[tilespmem:$0x930] =	vst v2  }
0xa3: {  	v7 =	vld [tilespmem:$0x3A0];
	v2 =	vcvt.f32.s32 v3;
	v3 =	vtrunc.f32 v62;
	[tilespmem:$0x940] =	vst v1  }
0xa4: {  	v1 =	vcvt.f32.s32 v3;
	v3 =	vtrunc.f32 v4;
	v4 =	vld [tilespmem:$0x3C0];
	[tilespmem:$0xA50] =	vst v0  }
0xa5: {  	v0 =	vld [tilespmem:$0x1FFD0];
	[tilespmem:$0x950] =	vst v2;
	v2 =	vcvt.f32.s32 v3;
	v3 =	vtrunc.f32 v5  }
0xa6: {  	v5 =	vld [tilespmem:$0x3D0];
	[tilespmem:$0x960] =	vst v1;
	v1 =	vcvt.f32.s32 v3;
	v3 =	vtrunc.f32 v6  }
0xa7: {  	v6 =	vld [tilespmem:$0x3E0];
	[tilespmem:$0x970] =	vst v2;
	v2 =	vcvt.f32.s32 v3  }
0xa8: {  	v3 =	vtrunc.f32 v7;
	[tilespmem:$0x980] =	vst v1  }
0xa9: {  	v7 =	vld [tilespmem:$0x3F0];
	v1 =	vcvt.f32.s32 v3;
	v3 =	vtrunc.f32 v63;
	[tilespmem:$0x990] =	vst v2  }
0xaa: {  	v2 =	vcvt.f32.s32 v3;
	v3 =	vtrunc.f32 v4;
	[tilespmem:$0xA60] =	vst v0  }
0xab: {  	v0 =	vld [tilespmem:$0x1FFF0];
	[tilespmem:$0x9A0] =	vst v1;
	v1 =	vcvt.f32.s32 v3;
	v3 =	vtrunc.f32 v5  }
0xac: {  	s31 =	simm.s32 $0x80;
	[tilespmem:$0x9B0] =	vst v2;
	v2 =	vcvt.f32.s32 v3;
	v3 =	vtrunc.f32 v6  }
0xad: {  	v4 =	vmov s31;
	[tilespmem:$0x9C0] =	vst v1;
	v1 =	vcvt.f32.s32 v3  }
0xae: {  	v3 =	vtrunc.f32 v7;
	[tilespmem:$0x9D0] =	vst v2  }
0xaf: {  	v2 =	vcvt.f32.s32 v3;
	v3 =	vmov s2;
	[tilespmem:$0x9E0] =	vst v1  }
0xb0: {  	s18 =	simm.s32 $0x180;
	[tilespmem:$0xA70] =	vst v0  }
0xb1: {  	v1 =	vmov s18;
	[tilespmem:$0x9F0] =	vst v2  }
0xb2: {  	v57 =	vld.idx.msk [tilespmem:v4+s2+$0x0], $0xffff  }
0xb3: {  	s20 =	simm.s32 $0x100  }
0xb4: {  	v2 =	vmov s20;
	v3 =	vld.idx.msk [tilespmem:v3+s2+$0x0], $0xffff;
	_ =	sdelay $0x1  }
0xb5: {  	v49 =	vld.idx.msk [tilespmem:v1+s2+$0x0], $0xffff  }
0xb6: {  	v56 =	vmul.f32 v57, v34;
	v6 =	vmul.f32 v57, v18  }
0xb7: {  	v60 =	vmul.f32 v57, v10;
	v63 =	vmul.f32 v57, v30  }
0xb8: {  	v51 =	vld.idx.msk [tilespmem:v2+s2+$0x0], $0xffff;
	v1 =	vmul.f32 v3, v9;
	v4 =	vmul.f32 v3, v17  }
0xb9: {  	v7 =	vmul.f32 v3, v37;
	v59 =	vmul.f32 v3, v13  }
0xba: {  	v8 =	vmul.f32 v3, v33;
	v5 =	vmul.f32 v49, v20  }
0xbb: {  	v52 =	vmul.f32 v49, v32;
	v54 =	vmul.f32 v49, v24;
	v4 =	vadd.f32 v4, v42  }
0xbc: {  	v50 =	vmul.f32 v49, v28;
	v58 =	vadd.f32 v1, v41;
	v1 =	vmul.f32 v3, v21  }
0xbd: {  	v2 =	vmul.f32 v51, v19;
	v55 =	vmul.f32 v51, v27;
	v6 =	vadd.f32 v6, v4  }
0xbe: {  	v53 =	vmul.f32 v51, v39;
	v61 =	vadd.f32 v7, v48;
	v1 =	vadd.f32 v1, v44  }
0xbf: {  	v4 =	vmul.f32 v3, v25;
	v62 =	vadd.f32 v60, v58;
	v7 =	vadd.f32 v2, v6  }
0xc0: {  	v60 =	vmul.f32 v57, v26;
	v58 =	vadd.f32 v8, v35;
	v2 =	vmul.f32 v57, v38  }
0xc1: {  	s29 =	simm.s32 $0x1040;
	s30 =	simm.s32 $0x1;
	s1 =	simm.s32 $0x1040;
	v6 =	vmul.f32 v3, v29;
	v3 =	vadd.f32 v5, v7;
	v5 =	vmul.f32 v57, v22  }
.LBB2_2:
0xc2: {  	p0 =	sne.s32 s30, $0x7F  }
0xc3: {  	v7 =	vmul.f32 v57, v14;
	v4 =	vadd.f32 v4, v45;
	v6 =	vadd.f32 v6, v46;
	s29 =	sadd.s32 $0x80, s29;
	s0 =	smov.u32 s30;
	s30 =	sadd.s32 $0x1, s30  }
0xc4: {  	v8 =	vadd.f32 v59, v43;
	[tilespmem:s1+$0xFFFFFFE0] =	vst v3;
	v1 =	vadd.f32 v5, v1;
	v3 =	vmul.f32 v51, v23  }
0xc5: {  	v2 =	vadd.f32 v2, v61;
	v5 =	vmul.f32 v51, v11;
	v6 =	vadd.f32 v63, v6  }
0xc6: {  	v7 =	vadd.f32 v7, v8;
	v8 =	vmul.f32 v51, v16;
	v1 =	vadd.f32 v3, v1  }
0xc7: {  	v4 =	vadd.f32 v60, v4;
	v3 =	vadd.f32 v5, v62;
	v5 =	vmul.f32 v51, v31  }
0xc8: {  	v7 =	vadd.f32 v8, v7;
	v8 =	vmul.f32 v49, v15;
	v1 =	vadd.f32 v54, v1  }
0xc9: {  	v4 =	vadd.f32 v55, v4;
	v54 =	vmul.f32 v49, v12;
	v5 =	vadd.f32 v5, v6  }
0xca: {  	v6 =	vadd.f32 v8, v7;
	v7 =	vmul.f32 v51, v47;
	[tilespmem:s1+$0xFFFFFFF0] =	vst v1;
	v1 =	vadd.f32 v56, v58  }
0xcb: {  	v8 =	vmul.f32 v49, v40;
	v3 =	vadd.f32 v54, v3;
	v5 =	vadd.f32 v52, v5  }
0xcc: {  	s3 =	sadd.s32 $0x180, s0;
	v2 =	vadd.f32 v53, v2;
	[tilespmem:s1+$0xFFFFFFD0] =	vst v6;
	v1 =	vadd.f32 v7, v1;
	v6 =	vmul.f32 v49, v36  }
0xcd: {  	s18 =	sadd.s32 $0x100, s0;
	v7 =	vmov s3;
	[tilespmem:s1+$0xFFFFFFC0] =	vst v3;
	v3 =	vadd.f32 v50, v4  }
0xce: {  	v2 =	vadd.f32 v8, v2;
	v4 =	vmov s18;
	[tilespmem:s1+$0x10] =	vst v5;
	v1 =	vadd.f32 v6, v1  }
0xcf: {  	v5 =	vmov s0;
	[tilespmem:s1+$0x0] =	vst v3  }
0xd0: {  	s0 =	sadd.s32 $0x80, s0;
	[tilespmem:s1+$0x20] =	vst v1  }
0xd1: {  	s18 =	simm.s32 $0x0;
	v1 =	vmov s0;
	[tilespmem:s1+$0x30] =	vst v2;
	s1 =	smov.u32 s29  }
0xd2: {  	v49 =	vld.idx.msk [tilespmem:v7+s18+$0x0], $0xffff  }
0xd3: {  	v51 =	vld.idx.msk [tilespmem:v4+s18+$0x0], $0xffff  }
0xd4: {  	v3 =	vld.idx.msk [tilespmem:v5+s18+$0x0], $0xffff;
	_ =	sdelay $0x1  }
0xd5: {  	v57 =	vld.idx.msk [tilespmem:v1+s18+$0x0], $0xffff;
	_ =	sdelay $0x1  }
0xd6: {  	v5 =	vmul.f32 v49, v20;
	v52 =	vmul.f32 v49, v32  }
0xd7: {  	v54 =	vmul.f32 v49, v24;
	v2 =	vmul.f32 v51, v19  }
0xd8: {  	v50 =	vmul.f32 v49, v28;
	v1 =	vmul.f32 v3, v9  }
0xd9: {  	v55 =	vmul.f32 v51, v27;
	v4 =	vmul.f32 v3, v17  }
0xda: {  	v53 =	vmul.f32 v51, v39;
	v6 =	vadd.f32 v1, v41;
	v56 =	vmul.f32 v57, v34  }
0xdb: {  	v7 =	vmul.f32 v3, v37;
	v1 =	vadd.f32 v4, v42;
	v4 =	vmul.f32 v57, v18  }
0xdc: {  	v59 =	vmul.f32 v3, v13;
	v8 =	vmul.f32 v3, v21  }
.Ltmp2:
0xdd: {  	v58 =	vmul.f32 v57, v10;
	v60 =	vadd.f32 v4, v1;
	v4 =	vmul.f32 v3, v25;
	(pc) =	sbr.rel @p0 .LBB2_2-.Ltmp2, $4  }
0xde: {  	v63 =	vmul.f32 v57, v30;
	v61 =	vadd.f32 v7, v48;
	v1 =	vadd.f32 v8, v44  }
0xdf: {  	v8 =	vmul.f32 v3, v33;
	v7 =	vadd.f32 v2, v60;
	v2 =	vmul.f32 v57, v38  }
0xe0: {  	v62 =	vadd.f32 v58, v6;
	v6 =	vmul.f32 v3, v29;
	v60 =	vmul.f32 v57, v26  }
0xe1: {  	v58 =	vadd.f32 v8, v35;
	v3 =	vadd.f32 v5, v7;
	v5 =	vmul.f32 v57, v22  }
0xe2: {  	[tilespmem:$0x1FD40] =	vst v35  }
0xe3: {  	[tilespmem:$0x1FD50] =	vst v32  }
0xe4: {  	[tilespmem:$0x1FD60] =	vst v27  }
0xe5: {  	[tilespmem:$0x1FD70] =	vst v43  }
0xe6: {  	[tilespmem:$0x1FD80] =	vst v12  }
0xe7: {  	[tilespmem:$0x1FD90] =	vst v40  }
0xe8: {  	[tilespmem:$0x1FDA0] =	vst v9  }
0xe9: {  	[tilespmem:$0x1FDB0] =	vst v10  }
0xea: {  	[tilespmem:$0x1FDC0] =	vst v13  }
0xeb: {  	[tilespmem:$0x1FDD0] =	vst v14  }
0xec: {  	[tilespmem:$0x1FDE0] =	vst v15  }
0xed: {  	[tilespmem:$0x1FDF0] =	vst v17  }
0xee: {  	[tilespmem:$0x1FE00] =	vst v18  }
0xef: {  	[tilespmem:$0x1FE10] =	vst v19  }
0xf0: {  	[tilespmem:$0x1FE20] =	vst v20  }
0xf1: {  	[tilespmem:$0x1FE30] =	vst v21  }
0xf2: {  	[tilespmem:$0x1FE40] =	vst v22  }
0xf3: {  	[tilespmem:$0x1FE50] =	vst v23  }
0xf4: {  	[tilespmem:$0x1FE60] =	vst v24  }
0xf5: {  	[tilespmem:$0x1FE70] =	vst v25  }
0xf6: {  	[tilespmem:$0x1FE80] =	vst v28  }
0xf7: {  	[tilespmem:$0x1FE90] =	vst v29  }
0xf8: {  	[tilespmem:$0x1FEA0] =	vst v30  }
0xf9: {  	[tilespmem:$0x1FEB0] =	vst v33  }
0xfa: {  	[tilespmem:$0x1FEC0] =	vst v47  }
0xfb: {  	[tilespmem:$0x1FED0] =	vst v36  }
0xfc: {  	[tilespmem:$0x1FEE0] =	vst v37  }
0xfd: {  	v4 =	vadd.f32 v4, v45;
	[tilespmem:$0x1FEF0] =	vst v38  }
0xfe: {  	v6 =	vadd.f32 v6, v46;
	v7 =	vmul.f32 v57, v14;
	v8 =	vadd.f32 v59, v43;
	[tilespmem:$0x1FF00] =	vst v41  }
0xff: {  	v35 =	vmul.f32 v51, v23;
	v43 =	vmul.f32 v51, v11;
	v2 =	vadd.f32 v2, v61;
	[tilespmem:$0x1FF10] =	vst v42  }
0x100: {  	v32 =	vmul.f32 v51, v31;
	[tilespmem:$0x1FF20] =	vst v44;
	v1 =	vadd.f32 v5, v1;
	v57 =	vadd.f32 v56, v58  }
0x101: {  	[tilespmem:$0x1FF30] =	vst v45;
	v6 =	vadd.f32 v63, v6;
	v7 =	vadd.f32 v7, v8;
	v8 =	vmul.f32 v51, v16  }
0x102: {  	[tilespmem:$0x1FF40] =	vst v46;
	v63 =	vadd.f32 v43, v62;
	v62 =	vmul.f32 v49, v40;
	v2 =	vadd.f32 v53, v2  }
0x103: {  	[tilespmem:$0x1FF50] =	vst v48;
	v4 =	vadd.f32 v60, v4;
	v1 =	vadd.f32 v35, v1;
	v35 =	vmul.f32 v49, v12  }
0x104: {  	[tilespmem:$0x1FF60] =	vst v39;
	v7 =	vadd.f32 v8, v7;
	v8 =	vmul.f32 v49, v15;
	v2 =	vadd.f32 v62, v2  }
0x105: {  	[tilespmem:s1+$0xFFFFFFE0] =	vst v3;
	v6 =	vadd.f32 v32, v6;
	v1 =	vadd.f32 v54, v1  }
0x106: {  	v58 =	vadd.f32 v35, v63;
	v43 =	vadd.f32 v8, v7;
	v8 =	vmul.f32 v51, v47;
	[tilespmem:s1+$0x30] =	vst v2  }
0x107: {  	v4 =	vadd.f32 v55, v4;
	[tilespmem:s1+$0xFFFFFFF0] =	vst v1  }
.Ltmp3:
0x108: {  	v61 =	vmul.f32 v49, v36;
	v59 =	vadd.f32 v52, v6;
	[tilespmem:s1+$0xFFFFFFC0] =	vst v58;
	v60 =	vadd.f32 v8, v57;
	(pc) =	sbr.rel .LBB2_4-.Ltmp3, $4  }
0x109: {  	v63 =	vadd.f32 v50, v4;
	[tilespmem:s1+$0xFFFFFFD0] =	vst v43  }
0x10a: {  	[tilespmem:s1+$0x10] =	vst v59;
	v3 =	vadd.f32 v61, v60  }
0x10b: {  	[tilespmem:s1+$0x0] =	vst v63  }
0x10c: {  	[tilespmem:s1+$0x20] =	vst v3;
	s1 =	simm.s32 $0x0  }
.LBB2_10:
0x10d: {  	_ =	swait.ge [sflag:s19], $0x4000  }
0x10e: {  	[sflag:s19] =	ssyncset.done $0x0  }
0x10f: {  	[sflag:s19] =	ssyncadd.s32 $0xFFFFC000  }
0x110: {  	_ =	swait.ge [sflag:s19], $0x4000  }
0x111: {  	[sflag:s19] =	ssyncset.done $0x0  }
0x112: {  	[sflag:s19] =	ssyncadd.s32 $0xFFFFC000  }
0x113: {  	_ =	swait.ge [sflag:s19], $0x4000  }
0x114: {  	[sflag:s19] =	ssyncset.done $0x0  }
0x115: {  	[sflag:s19] =	ssyncadd.s32 $0xFFFFC000  }
0x116: {  	_ =	swait.ge [sflag:s19], $0x4000  }
0x117: {  	v9 =	vld [tilespmem:$0x1FDA0]  }
0x118: {  	v10 =	vld [tilespmem:$0x1FDB0]  }
0x119: {  	v13 =	vld [tilespmem:$0x1FDC0]  }
0x11a: {  	v14 =	vld [tilespmem:$0x1FDD0]  }
0x11b: {  	v15 =	vld [tilespmem:$0x1FDE0]  }
0x11c: {  	v17 =	vld [tilespmem:$0x1FDF0]  }
0x11d: {  	v18 =	vld [tilespmem:$0x1FE00]  }
0x11e: {  	v19 =	vld [tilespmem:$0x1FE10]  }
0x11f: {  	v20 =	vld [tilespmem:$0x1FE20]  }
0x120: {  	v21 =	vld [tilespmem:$0x1FE30]  }
0x121: {  	v22 =	vld [tilespmem:$0x1FE40]  }
0x122: {  	v23 =	vld [tilespmem:$0x1FE50]  }
0x123: {  	v24 =	vld [tilespmem:$0x1FE60]  }
0x124: {  	v25 =	vld [tilespmem:$0x1FE70]  }
0x125: {  	v28 =	vld [tilespmem:$0x1FE80]  }
0x126: {  	v29 =	vld [tilespmem:$0x1FE90]  }
0x127: {  	v30 =	vld [tilespmem:$0x1FEA0]  }
0x128: {  	v33 =	vld [tilespmem:$0x1FEB0]  }
0x129: {  	v47 =	vld [tilespmem:$0x1FEC0]  }
0x12a: {  	v36 =	vld [tilespmem:$0x1FED0]  }
0x12b: {  	v37 =	vld [tilespmem:$0x1FEE0]  }
0x12c: {  	s1 =	sadd.s32 $0x1, s1;
	v38 =	vld [tilespmem:$0x1FEF0]  }
0x12d: {  	p0 =	sne.s32 s1, $0x64;
	v41 =	vld [tilespmem:$0x1FF00]  }
.Ltmp4:
0x12e: {  	v42 =	vld [tilespmem:$0x1FF10];
	(pc) =	sbr.rel @!p0 .LBB2_11-.Ltmp4, $4  }
0x12f: {  	[sflag:s19] =	ssyncset.done $0x0;
	v44 =	vld [tilespmem:$0x1FF20]  }
0x130: {  	v45 =	vld [tilespmem:$0x1FF30];
	[sflag:s19] =	ssyncadd.s32 $0xFFFFC000  }
0x131: {  	s3 =	simm.s32 $0xE00;
	v46 =	vld [tilespmem:$0x1FF40];
	s0 =	rddreg [dreg:$0x1]  }
0x132: {  	v48 =	vld [tilespmem:$0x1FF50];
	[hbm4b:s0+s10] =	stream.indirect.scatter [tilespmem:s14], [sflag:$0x5], $0x80, s3, s10, $0xb8  }
.LBB2_4:
0x133: {  	s0 =	simm.s32 $0x800  }
0x134: {  	[tilespmem:s15], [sflag:$0x2] =	stream.indirect.gather.add.f32 [hbm:s4], $0x80, s0, s10, $0xb8;
	[tilespmem:$0x9400] =	vst v63  }
0x135: {  	s12 =	simm.s32 $0x880  }
0x136: {  	[tilespmem:s15], [sflag:$0x2] =	stream.indirect.gather.add.f32 [hbm:s5], $0x80, s12, s10, $0xb8;
	[tilespmem:$0x9400] =	vst v63  }
0x137: {  	s20 =	simm.s32 $0x900;
	p0 =	seq.s32 s1, $0x0  }
0x138: {  	[tilespmem:s15], [sflag:$0x2] =	stream.indirect.gather.add.f32 [hbm:s6], $0x80, s20, s10, $0xb8;
	[tilespmem:$0x9400] =	vst v63  }
0x139: {  	s30 =	sshll.u32 s1, $0x1;
	s3 =	simm.s32 $0x980;
	s0 =	simm.s32 @!p0 $0x5  }
0x13a: {  	[tilespmem:s15], [sflag:$0x2] =	stream.indirect.gather.add.f32 [hbm:s7], $0x80, s3, s10, $0xb8;
	[tilespmem:$0x9400] =	vst v63  }
0x13b: {  	s31 =	sor.u32 $0x1, s30;
	_ =	swait.ge @!p0 [sflag:s0], $0x4000  }
0x13c: {  	s29 =	sshll.u32 s1, $0xD;
	s3 =	sshll.u32 s31, $0xC;
	s9 =	rddreg [dreg:$0xd]  }
0x13d: {  	[sflag:s0] =	ssyncset.done @!p0 $0x0;
	s12 =	rddreg [dreg:$0xe];
	s3 =	sor.u32 s9, s3  }
0x13e: {  	[sflag:s0] =	ssyncadd.s32 @!p0 $0xFFFFC000;
	s0 =	sadd.s32 s12, s29;
	s3 =	sshrl.u32 s3, $0x3  }
0x13f: {  	s0 =	sshrl.u32 s0, $0x3;
	s9 =	sadd.s32 s8, s3  }
0x140: {  	[tilespmem:s25], [sflag:$0x1] =	stream.linear.gather [hbm4b:s9+s18], $0x80, $0x38;
	[tilespmem:$0x9400] =	vst v63  }
0x141: {  	s20 =	simm.s32 $0x480;
	s0 =	sadd.s32 s8, s0;
	s3 =	rddreg [dreg:$0xf]  }
0x142: {  	[tilespmem:s20], [sflag:$0x1] =	stream.linear.gather [hbm4b:s0+s18], $0x80, $0x38;
	[tilespmem:$0x9400] =	vst v63  }
0x143: {  	s0 =	sadd.s32 s3, s29  }
0x144: {  	s0 =	sshrl.u32 s0, $0x3  }
0x145: {  	s12 =	rddreg [dreg:$0x10];
	s9 =	simm.s32 $0x500;
	s0 =	sadd.s32 s8, s0  }
0x146: {  	[tilespmem:s9], [sflag:$0x1] =	stream.linear.gather [hbm4b:s0+s18], $0x80, $0x38;
	[tilespmem:$0x9400] =	vst v63  }
0x147: {  	s0 =	sadd.s32 s12, s29  }
0x148: {  	s0 =	sshrl.u32 s0, $0x3  }
0x149: {  	s20 =	simm.s32 $0x580;
	s3 =	rddreg [dreg:$0x11];
	s0 =	sadd.s32 s8, s0  }
0x14a: {  	[tilespmem:s20], [sflag:$0x1] =	stream.linear.gather [hbm4b:s0+s18], $0x80, $0x38;
	[tilespmem:$0x9400] =	vst v63  }
0x14b: {  	s0 =	sadd.s32 s3, s29  }
0x14c: {  	s0 =	sshrl.u32 s0, $0x3  }
0x14d: {  	s9 =	simm.s32 $0x600;
	s12 =	rddreg [dreg:$0x12];
	s0 =	sadd.s32 s8, s0  }
0x14e: {  	[tilespmem:s9], [sflag:$0x1] =	stream.linear.gather [hbm4b:s0+s18], $0x80, $0x38;
	[tilespmem:$0x9400] =	vst v63  }
0x14f: {  	s0 =	sadd.s32 s12, s29  }
0x150: {  	s0 =	sshrl.u32 s0, $0x3  }
0x151: {  	s20 =	simm.s32 $0x680;
	s3 =	rddreg [dreg:$0x13];
	s0 =	sadd.s32 s8, s0  }
0x152: {  	[tilespmem:s20], [sflag:$0x1] =	stream.linear.gather [hbm4b:s0+s18], $0x80, $0x38;
	[tilespmem:$0x9400] =	vst v63  }
0x153: {  	s0 =	sadd.s32 s3, s29  }
0x154: {  	s0 =	sshrl.u32 s0, $0x3  }
0x155: {  	s9 =	simm.s32 $0x700;
	s12 =	rddreg [dreg:$0x14];
	s0 =	sadd.s32 s8, s0  }
0x156: {  	[tilespmem:s9], [sflag:$0x1] =	stream.linear.gather [hbm4b:s0+s18], $0x80, $0x38;
	[tilespmem:$0x9400] =	vst v63  }
0x157: {  	s0 =	sadd.s32 s12, s29  }
0x158: {  	s0 =	sshrl.u32 s0, $0x3  }
0x159: {  	s20 =	simm.s32 $0x780;
	s0 =	sadd.s32 s8, s0  }
0x15a: {  	[tilespmem:s20], [sflag:$0x1] =	stream.linear.gather [hbm4b:s0+s18], $0x80, $0x38;
	[tilespmem:$0x9400] =	vst v63  }
0x15b: {  	_ =	swait.ge [sflag:s13], $0x80  }
0x15c: {  	[sflag:s13] =	ssyncset.done $0x0  }
0x15d: {  	[sflag:s13] =	ssyncadd.s32 $0xFFFFFF80  }
0x15e: {  	_ =	swait.ge [sflag:s13], $0x80  }
0x15f: {  	[sflag:s13] =	ssyncset.done $0x0  }
0x160: {  	[sflag:s13] =	ssyncadd.s32 $0xFFFFFF80  }
0x161: {  	_ =	swait.ge [sflag:s13], $0x80  }
0x162: {  	[sflag:s13] =	ssyncset.done $0x0  }
0x163: {  	[sflag:s13] =	ssyncadd.s32 $0xFFFFFF80  }
0x164: {  	_ =	swait.ge [sflag:s13], $0x80  }
0x165: {  	[sflag:s13] =	ssyncset.done $0x0  }
0x166: {  	[sflag:s13] =	ssyncadd.s32 $0xFFFFFF80  }
0x167: {  	_ =	swait.ge [sflag:s13], $0x80  }
0x168: {  	[sflag:s13] =	ssyncset.done $0x0  }
0x169: {  	[sflag:s13] =	ssyncadd.s32 $0xFFFFFF80  }
0x16a: {  	_ =	swait.ge [sflag:s13], $0x80  }
0x16b: {  	[sflag:s13] =	ssyncset.done $0x0  }
0x16c: {  	[sflag:s13] =	ssyncadd.s32 $0xFFFFFF80  }
0x16d: {  	_ =	swait.ge [sflag:s13], $0x80  }
0x16e: {  	[sflag:s13] =	ssyncset.done $0x0  }
0x16f: {  	[sflag:s13] =	ssyncadd.s32 $0xFFFFFF80  }
0x170: {  	_ =	swait.ge [sflag:s13], $0x80  }
0x171: {  	[sflag:s13] =	ssyncset.done $0x0  }
0x172: {  	[sflag:s13] =	ssyncadd.s32 $0xFFFFFF80  }
0x173: {  	v1 =	vld [tilespmem:$0x600]  }
0x174: {  	v2 =	vld [tilespmem:$0x610]  }
0x175: {  	v3 =	vld [tilespmem:$0x620]  }
0x176: {  	v4 =	vld [tilespmem:$0x630]  }
0x177: {  	v5 =	vld [tilespmem:$0x640]  }
0x178: {  	v6 =	vld [tilespmem:$0x650];
	v1 =	vtrunc.f32 v1  }
0x179: {  	v7 =	vld [tilespmem:$0x660];
	v2 =	vtrunc.f32 v2;
	v1 =	vcvt.f32.s32 v1  }
0x17a: {  	v8 =	vld [tilespmem:$0x670];
	v3 =	vtrunc.f32 v3;
	v2 =	vcvt.f32.s32 v2  }
0x17b: {  	[tilespmem:$0xC00] =	vst v1;
	v1 =	vcvt.f32.s32 v3;
	v3 =	vtrunc.f32 v4;
	v4 =	vld [tilespmem:$0x680]  }
0x17c: {  	[tilespmem:$0xC10] =	vst v2;
	v2 =	vcvt.f32.s32 v3;
	v3 =	vtrunc.f32 v5;
	v5 =	vld [tilespmem:$0x690]  }
0x17d: {  	[tilespmem:$0xC20] =	vst v1;
	v1 =	vcvt.f32.s32 v3;
	v3 =	vtrunc.f32 v6;
	v6 =	vld [tilespmem:$0x6A0]  }
0x17e: {  	[tilespmem:$0xC30] =	vst v2;
	v2 =	vcvt.f32.s32 v3;
	v3 =	vtrunc.f32 v7;
	v7 =	vld [tilespmem:$0x6B0]  }
0x17f: {  	[tilespmem:$0xC40] =	vst v1;
	v1 =	vcvt.f32.s32 v3;
	v3 =	vtrunc.f32 v8;
	v8 =	vld [tilespmem:$0x6C0]  }
0x180: {  	[tilespmem:$0xC50] =	vst v2;
	v2 =	vcvt.f32.s32 v3;
	v3 =	vtrunc.f32 v4;
	v4 =	vld [tilespmem:$0x6D0]  }
0x181: {  	[tilespmem:$0xC60] =	vst v1;
	v1 =	vcvt.f32.s32 v3;
	v3 =	vtrunc.f32 v5;
	v5 =	vld [tilespmem:$0x6E0]  }
0x182: {  	[tilespmem:$0xC70] =	vst v2;
	v2 =	vcvt.f32.s32 v3;
	v3 =	vtrunc.f32 v6;
	v6 =	vld [tilespmem:$0x6F0]  }
0x183: {  	[tilespmem:$0xC80] =	vst v1;
	v1 =	vcvt.f32.s32 v3;
	v3 =	vtrunc.f32 v7;
	v7 =	vld [tilespmem:$0x700]  }
0x184: {  	[tilespmem:$0xC90] =	vst v2;
	v2 =	vcvt.f32.s32 v3;
	v3 =	vtrunc.f32 v8;
	v8 =	vld [tilespmem:$0x710]  }
0x185: {  	[tilespmem:$0xCA0] =	vst v1;
	v1 =	vcvt.f32.s32 v3;
	v3 =	vtrunc.f32 v4;
	v4 =	vld [tilespmem:$0x720]  }
0x186: {  	[tilespmem:$0xCB0] =	vst v2;
	v2 =	vcvt.f32.s32 v3;
	v3 =	vtrunc.f32 v5;
	v5 =	vld [tilespmem:$0x730]  }
0x187: {  	[tilespmem:$0xCC0] =	vst v1;
	v1 =	vcvt.f32.s32 v3;
	v3 =	vtrunc.f32 v6;
	v6 =	vld [tilespmem:$0x740]  }
0x188: {  	[tilespmem:$0xCD0] =	vst v2;
	v2 =	vcvt.f32.s32 v3;
	v3 =	vtrunc.f32 v7;
	v7 =	vld [tilespmem:$0x750]  }
0x189: {  	[tilespmem:$0xCE0] =	vst v1;
	v1 =	vcvt.f32.s32 v3;
	v3 =	vtrunc.f32 v8;
	v8 =	vld [tilespmem:$0x760]  }
0x18a: {  	[tilespmem:$0xCF0] =	vst v2;
	v2 =	vcvt.f32.s32 v3;
	v3 =	vtrunc.f32 v4;
	v4 =	vld [tilespmem:$0x770]  }
0x18b: {  	[tilespmem:$0xD00] =	vst v1;
	v1 =	vcvt.f32.s32 v3;
	v3 =	vtrunc.f32 v5;
	v5 =	vld [tilespmem:$0x780]  }
0x18c: {  	[tilespmem:$0xD10] =	vst v2;
	v2 =	vcvt.f32.s32 v3;
	v3 =	vtrunc.f32 v6;
	v6 =	vld [tilespmem:$0x790]  }
0x18d: {  	[tilespmem:$0xD20] =	vst v1;
	v1 =	vcvt.f32.s32 v3;
	v3 =	vtrunc.f32 v7;
	v7 =	vld [tilespmem:$0x7A0]  }
0x18e: {  	[tilespmem:$0xD30] =	vst v2;
	v2 =	vcvt.f32.s32 v3;
	v3 =	vtrunc.f32 v8;
	v8 =	vld [tilespmem:$0x7B0]  }
0x18f: {  	[tilespmem:$0xD40] =	vst v1;
	v1 =	vcvt.f32.s32 v3;
	v3 =	vtrunc.f32 v4;
	v4 =	vld [tilespmem:$0x7C0]  }
0x190: {  	[tilespmem:$0xD50] =	vst v2;
	v2 =	vcvt.f32.s32 v3;
	v3 =	vtrunc.f32 v5;
	v5 =	vld [tilespmem:$0x7D0]  }
0x191: {  	[tilespmem:$0xD60] =	vst v1;
	v1 =	vcvt.f32.s32 v3;
	v3 =	vtrunc.f32 v6;
	v6 =	vld [tilespmem:$0x7E0]  }
0x192: {  	[tilespmem:$0xD70] =	vst v2;
	v2 =	vcvt.f32.s32 v3;
	v3 =	vtrunc.f32 v7;
	v7 =	vld [tilespmem:$0x7F0]  }
0x193: {  	[tilespmem:$0xD80] =	vst v1;
	v1 =	vcvt.f32.s32 v3;
	v3 =	vtrunc.f32 v8  }
0x194: {  	[tilespmem:$0xD90] =	vst v2;
	v2 =	vcvt.f32.s32 v3;
	v3 =	vtrunc.f32 v4  }
0x195: {  	v0 =	vld [tilespmem:$0x1FFE0];
	[tilespmem:$0xDA0] =	vst v1;
	v1 =	vcvt.f32.s32 v3;
	v3 =	vtrunc.f32 v5  }
0x196: {  	[tilespmem:$0xDB0] =	vst v2;
	v2 =	vcvt.f32.s32 v3;
	v3 =	vtrunc.f32 v6  }
0x197: {  	[tilespmem:$0xDC0] =	vst v1;
	v1 =	vcvt.f32.s32 v3;
	v3 =	vtrunc.f32 v7  }
0x198: {  	[tilespmem:$0xDD0] =	vst v2;
	v2 =	vcvt.f32.s32 v3  }
0x199: {  	s3 =	sor.u32 s23, s31;
	[tilespmem:$0xDE0] =	vst v1  }
0x19a: {  	s9 =	sadd.s32 s21, s31;
	v1 =	vadd.s32 s3, v0;
	[tilespmem:$0xDF0] =	vst v2  }
0x19b: {  	s12 =	sor.u32 s22, s31;
	[tilespmem:$0xE00] =	vst v1;
	v1 =	vadd.s32 s9, v0  }
0x19c: {  	s20 =	sadd.s32 s16, s31;
	[tilespmem:$0xE10] =	vst v1;
	v1 =	vadd.s32 s12, v0  }
0x19d: {  	s3 =	sor.u32 s11, s31;
	s9 =	simm.s32 $0x180;
	[tilespmem:$0xE20] =	vst v1;
	v1 =	vadd.s32 s20, v0  }
0x19e: {  	s12 =	sadd.s32 s26, s31;
	v2 =	vmov s9;
	s20 =	simm.s32 $0x100;
	[tilespmem:$0xE30] =	vst v1;
	v1 =	vadd.s32 s3, v0  }
0x19f: {  	s9 =	sor.u32 s28, s31;
	v3 =	vmov s20;
	[tilespmem:$0xE40] =	vst v1;
	v1 =	vadd.s32 s12, v0  }
0x1a0: {  	v4 =	vmov s18;
	s12 =	sadd.s32 s24, s31;
	[tilespmem:$0xE50] =	vst v1;
	v1 =	vadd.s32 s9, v0  }
0x1a1: {  	[tilespmem:$0xE60] =	vst v1;
	v1 =	vadd.s32 s12, v0  }
0x1a2: {  	[tilespmem:$0xE70] =	vst v1  }
0x1a3: {  	s20 =	simm.s32 $0x80;
	v49 =	vld.idx.msk [tilespmem:v2+s25+$0x0], $0xffff  }
0x1a4: {  	v1 =	vmov s20;
	v51 =	vld.idx.msk [tilespmem:v3+s25+$0x0], $0xffff  }
0x1a5: {  	v2 =	vld.idx.msk [tilespmem:v4+s25+$0x0], $0xffff;
	_ =	sdelay $0x2  }
0x1a6: {  	v4 =	vmul.f32 v49, v20;
	v52 =	vmul.f32 v49, v28  }
0x1a7: {  	v57 =	vld.idx.msk [tilespmem:v1+s25+$0x0], $0xffff;
	v1 =	vmul.f32 v51, v19;
	v56 =	vmul.f32 v51, v23  }
0x1a8: {  	v3 =	vmul.f32 v2, v9;
	v50 =	vmul.f32 v49, v36  }
0x1a9: {  	v5 =	vmul.f32 v2, v17;
	v55 =	vmul.f32 v49, v24  }
0x1aa: {  	v27 =	vmovc v11;
	v11 =	vmovc v10;
	v32 =	vmov v16;
	v53 =	vmul.f32 v49, v15;
	v54 =	vmul.f32 v51, v47  }
0x1ab: {  	v16 =	vmovc v26;
	v26 =	vmovc v25;
	v35 =	vmov v31;
	v7 =	vmul.f32 v2, v21;
	v60 =	vmul.f32 v2, v13  }
0x1ac: {  	v31 =	vmovc v30;
	v12 =	vmovc v39;
	v39 =	vmov v38;
	v62 =	vmul.f32 v2, v33;
	v8 =	vmul.f32 v2, v25  }
0x1ad: {  	v40 =	vmovc v34;
	v0 =	vmul.f32 v2, v29;
	v58 =	vadd.f32 v3, v41;
	v3 =	vmul.f32 v2, v37  }
0x1ae: {  	v34 =	vmovc v33;
	v25 =	vmovc v24;
	v24 =	vmov v23;
	v5 =	vadd.f32 v5, v42;
	v6 =	vmul.f32 v57, v18  }
0x1af: {  	v23 =	vmovc v22;
	v59 =	vmul.f32 v57, v38;
	v61 =	vmul.f32 v57, v30;
	v63 =	vadd.f32 v3, v48  }
0x1b0: {  	v3 =	vmul.f32 v57, v10;
	v2 =	vmul.f32 v57, v14;
	v10 =	vmovc v9;
	v5 =	vadd.f32 v6, v5  }
0x1b1: {  	v43 =	vld [tilespmem:$0x1FD40];
	v30 =	vmovc v29;
	v29 =	vmovc v28;
	v38 =	vmov v37;
	v37 =	vmov v36;
	v36 =	vmov v47  }
0x1b2: {  	v33 =	vld [tilespmem:$0x1FD50];
	v47 =	vmovc v46;
	v6 =	vadd.f32 v7, v44;
	v7 =	vmul.f32 v57, v22;
	v5 =	vadd.f32 v1, v5  }
0x1b3: {  	v28 =	vld [tilespmem:$0x1FD60];
	v22 =	vmovc v21;
	v21 =	vmovc v20;
	v20 =	vmov v19;
	v19 =	vmov v18;
	v18 =	vmov v17  }
0x1b4: {  	v17 =	vmovc v15;
	v15 =	vmovc v14;
	v14 =	vmov v13;
	v13 =	vld [tilespmem:$0x1FD70];
	v1 =	vadd.f32 v8, v45;
	v4 =	vadd.f32 v4, v5  }
0x1b5: {  	s0 =	simm.s32 $0x5040;
	s3 =	simm.s32 $0x1;
	s31 =	simm.s32 $0x5040;
	v5 =	vadd.f32 v0, v46;
	v46 =	vmovc v45;
	v45 =	vmovc v44;
	v44 =	vmov v42;
	v42 =	vmov v41;
	v41 =	vld [tilespmem:$0x1FD90]  }
.LBB2_5:
0x1b6: {  	_ = 	snop  }
0x1b7: {  	v0 =	vadd.f32 v7, v6;
	[tilespmem:s31+$0xFFFFFFE0] =	vst v4;
	v4 =	vmul.f32 v57, v16  }
0x1b8: {  	v8 =	vadd.f32 v62, v43;
	v6 =	vmul.f32 v57, v40;
	v5 =	vadd.f32 v61, v5  }
0x1b9: {  	v0 =	vadd.f32 v56, v0;
	v1 =	vadd.f32 v4, v1;
	v4 =	vmul.f32 v51, v35  }
0x1ba: {  	v60 =	vadd.f32 v60, v13;
	v6 =	vadd.f32 v6, v8  }
0x1bb: {  	v0 =	vadd.f32 v55, v0;
	v4 =	vadd.f32 v4, v5;
	v5 =	vmul.f32 v49, v33  }
0x1bc: {  	v7 =	vadd.f32 v59, v63;
	v63 =	vmul.f32 v51, v28;
	v2 =	vadd.f32 v2, v60  }
0x1bd: {  	v62 =	vmul.f32 v51, v32;
	[tilespmem:s31+$0xFFFFFFF0] =	vst v0;
	v0 =	vadd.f32 v5, v4;
	v4 =	vadd.f32 v54, v6;
	v6 =	vld [tilespmem:$0x1FD80]  }
0x1be: {  	v3 =	vadd.f32 v3, v58;
	v8 =	vmul.f32 v51, v27;
	v1 =	vadd.f32 v63, v1  }
0x1bf: {  	v2 =	vadd.f32 v62, v2;
	v5 =	vmul.f32 v51, v12  }
0x1c0: {  	s9 =	smov.u32 s3;
	v3 =	vadd.f32 v8, v3;
	v1 =	vadd.f32 v52, v1  }
0x1c1: {  	s12 =	sadd.s32 $0x180, s9;
	v2 =	vadd.f32 v53, v2;
	[tilespmem:s31+$0x10] =	vst v0;
	v0 =	vadd.f32 v5, v7;
	v5 =	vmul.f32 v49, v41  }
0x1c2: {  	s20 =	sadd.s32 $0x100, s9;
	v7 =	vmov s12;
	[tilespmem:s31+$0x0] =	vst v1;
	v1 =	vadd.f32 v50, v4;
	v6 =	vmul.f32 v49, v6  }
0x1c3: {  	[tilespmem:s31+$0xFFFFFFD0] =	vst v2;
	v4 =	vmov s20;
	v0 =	vadd.f32 v5, v0  }
0x1c4: {  	v2 =	vmov s9;
	[tilespmem:s31+$0x20] =	vst v1;
	v3 =	vadd.f32 v6, v3  }
0x1c5: {  	s9 =	sadd.s32 $0x80, s9;
	[tilespmem:s31+$0x30] =	vst v0  }
0x1c6: {  	v1 =	vmov s9;
	[tilespmem:s31+$0xFFFFFFC0] =	vst v3  }
0x1c7: {  	v49 =	vld.idx.msk [tilespmem:v7+s25+$0x0], $0xffff  }
0x1c8: {  	v51 =	vld.idx.msk [tilespmem:v4+s25+$0x0], $0xffff  }
0x1c9: {  	v0 =	vld.idx.msk [tilespmem:v2+s25+$0x0], $0xffff;
	_ =	sdelay $0x1  }
0x1ca: {  	v57 =	vld.idx.msk [tilespmem:v1+s25+$0x0], $0xffff  }
0x1cb: {  	v4 =	vmul.f32 v49, v21;
	v52 =	vmul.f32 v49, v29  }
0x1cc: {  	v1 =	vmul.f32 v51, v20;
	v56 =	vmul.f32 v51, v24  }
0x1cd: {  	v2 =	vmul.f32 v0, v10;
	v50 =	vmul.f32 v49, v37  }
0x1ce: {  	v3 =	vmul.f32 v0, v18;
	v55 =	vmul.f32 v49, v25  }
0x1cf: {  	v53 =	vmul.f32 v49, v17;
	v59 =	vmul.f32 v57, v39  }
0x1d0: {  	v54 =	vmul.f32 v51, v36;
	v5 =	vmul.f32 v0, v22  }
0x1d1: {  	v58 =	vadd.f32 v2, v42;
	v2 =	vadd.f32 v3, v44;
	v3 =	vmul.f32 v57, v19  }
0x1d2: {  	p0 =	sne.s32 s3, $0x7F;
	v6 =	vmul.f32 v0, v38;
	v60 =	vmul.f32 v0, v14  }
.Ltmp5:
0x1d3: {  	v62 =	vmul.f32 v0, v34;
	v8 =	vmul.f32 v0, v26;
	v2 =	vadd.f32 v3, v2;
	(pc) =	sbr.rel @p0 .LBB2_5-.Ltmp5, $4  }
0x1d4: {  	v61 =	vmul.f32 v57, v31;
	v0 =	vmul.f32 v0, v30  }
0x1d5: {  	v7 =	vmul.f32 v57, v23;
	v63 =	vadd.f32 v6, v48;
	v9 =	vadd.f32 v1, v2  }
0x1d6: {  	s0 =	sadd.s32 $0x80, s0;
	v6 =	vadd.f32 v5, v45;
	v5 =	vadd.f32 v0, v47;
	v3 =	vmul.f32 v57, v11  }
0x1d7: {  	s3 =	sadd.s32 $0x1, s3;
	s31 =	smov.u32 s0;
	v1 =	vadd.f32 v8, v46;
	v2 =	vmul.f32 v57, v15;
	v4 =	vadd.f32 v4, v9  }
0x1d8: {  	v0 =	vadd.f32 v7, v6;
	v42 =	vmul.f32 v57, v40;
	v44 =	vadd.f32 v59, v63  }
0x1d9: {  	v3 =	vadd.f32 v3, v58;
	v8 =	vmul.f32 v57, v16;
	v9 =	vadd.f32 v62, v43  }
0x1da: {  	v45 =	vadd.f32 v60, v13;
	v46 =	vmul.f32 v51, v32;
	v5 =	vadd.f32 v61, v5  }
0x1db: {  	v47 =	vmul.f32 v51, v35;
	v57 =	vmul.f32 v51, v12;
	v0 =	vadd.f32 v56, v0  }
0x1dc: {  	v1 =	vadd.f32 v8, v1;
	v2 =	vadd.f32 v2, v45;
	v8 =	vmul.f32 v51, v28  }
0x1dd: {  	v59 =	vld [tilespmem:$0x1FD80];
	v6 =	vadd.f32 v42, v9;
	v5 =	vadd.f32 v47, v5;
	v9 =	vmul.f32 v49, v33  }
0x1de: {  	v61 =	vmul.f32 v49, v41;
	v60 =	vadd.f32 v57, v44;
	v0 =	vadd.f32 v55, v0  }
0x1df: {  	[tilespmem:s31+$0xFFFFFFE0] =	vst v4;
	v1 =	vadd.f32 v8, v1;
	v56 =	vadd.f32 v9, v5  }
0x1e0: {  	v48 =	vmul.f32 v51, v27;
	v2 =	vadd.f32 v46, v2;
	v63 =	vadd.f32 v61, v60;
	[tilespmem:s31+$0xFFFFFFF0] =	vst v0  }
0x1e1: {  	v6 =	vadd.f32 v54, v6;
	v1 =	vadd.f32 v52, v1;
	[tilespmem:s31+$0x10] =	vst v56  }
0x1e2: {  	v58 =	vadd.f32 v48, v3;
	v3 =	vmul.f32 v49, v59;
	v2 =	vadd.f32 v53, v2;
	[tilespmem:s31+$0x30] =	vst v63  }
0x1e3: {  	v62 =	vadd.f32 v50, v6;
	[tilespmem:s31+$0x0] =	vst v1  }
0x1e4: {  	v0 =	vadd.f32 v3, v58;
	[tilespmem:s31+$0xFFFFFFD0] =	vst v2  }
0x1e5: {  	[tilespmem:s31+$0x20] =	vst v62  }
0x1e6: {  	s0 =	simm.s32 $0xC00;
	[tilespmem:s31+$0xFFFFFFC0] =	vst v0  }
0x1e7: {  	[tilespmem:s14], [sflag:$0x3] =	stream.indirect.gather.add.f32 [hbm:s4], $0x80, s0, s10, $0xb8;
	[tilespmem:$0x9400] =	vst v63  }
0x1e8: {  	s9 =	simm.s32 $0xC80  }
0x1e9: {  	[tilespmem:s14], [sflag:$0x3] =	stream.indirect.gather.add.f32 [hbm:s5], $0x80, s9, s10, $0xb8;
	[tilespmem:$0x9400] =	vst v63  }
0x1ea: {  	s12 =	simm.s32 $0xD00  }
0x1eb: {  	[tilespmem:s14], [sflag:$0x3] =	stream.indirect.gather.add.f32 [hbm:s6], $0x80, s12, s10, $0xb8;
	[tilespmem:$0x9400] =	vst v63  }
0x1ec: {  	s20 =	simm.s32 $0xD80  }
0x1ed: {  	[tilespmem:s14], [sflag:$0x3] =	stream.indirect.gather.add.f32 [hbm:s7], $0x80, s20, s10, $0xb8;
	[tilespmem:$0x9400] =	vst v63  }
0x1ee: {  	_ =	swait.ge [sflag:s17], $0x4000  }
0x1ef: {  	[sflag:s17] =	ssyncset.done $0x0  }
0x1f0: {  	[sflag:s17] =	ssyncadd.s32 $0xFFFFC000  }
0x1f1: {  	_ =	swait.ge [sflag:s17], $0x4000  }
0x1f2: {  	[sflag:s17] =	ssyncset.done $0x0  }
0x1f3: {  	[sflag:s17] =	ssyncadd.s32 $0xFFFFC000  }
0x1f4: {  	_ =	swait.ge [sflag:s17], $0x4000  }
0x1f5: {  	[sflag:s17] =	ssyncset.done $0x0  }
0x1f6: {  	p0 =	seq.s32 s1, $0x63;
	[sflag:s17] =	ssyncadd.s32 $0xFFFFC000  }
.Ltmp6:
0x1f7: {  	_ =	swait.ge [sflag:s17], $0x4000;
	(pc) =	sbr.rel @p0 .LBB2_10-.Ltmp6, $4  }
0x1f8: {  	[sflag:s17] =	ssyncset.done $0x0  }
0x1f9: {  	[sflag:s17] =	ssyncadd.s32 $0xFFFFC000  }
0x1fa: {  	v26 =	vmov v16;
	s3 =	simm.s32 $0xA00;
	s31 =	rddreg [dreg:$0x1]  }
0x1fb: {  	v11 =	vmovc v27;
	v16 =	vmovc v32;
	v31 =	vmov v35;
	v34 =	vmov v40;
	v39 =	vmov v12;
	[hbm4b:s31+s10] =	stream.indirect.scatter [tilespmem:s15], [sflag:$0x4], $0x80, s3, s10, $0xb8;
	[tilespmem:$0x9400] =	vst v63  }
0x1fc: {  	s31 =	sadd.s32 $0x2, s30  }
0x1fd: {  	s3 =	rddreg [dreg:$0xd];
	s0 =	sshll.u32 s31, $0xC  }
0x1fe: {  	s0 =	sor.u32 s3, s0  }
0x1ff: {  	s0 =	sshrl.u32 s0, $0x3  }
0x200: {  	s30 =	simm.s32 $0x0;
	s20 =	rddreg [dreg:$0x15];
	s0 =	sadd.s32 s8, s0  }
0x201: {  	[tilespmem:s30], [sflag:$0x1] =	stream.linear.gather [hbm4b:s0+s30], $0x80, $0x38;
	[tilespmem:$0x9400] =	vst v63  }
0x202: {  	s0 =	sadd.s32 s20, s29  }
0x203: {  	s0 =	sshrl.u32 s0, $0x3  }
0x204: {  	s3 =	rddreg [dreg:$0x16];
	s0 =	sadd.s32 s8, s0  }
0x205: {  	[tilespmem:s10], [sflag:$0x1] =	stream.linear.gather [hbm4b:s0+s30], $0x80, $0x38;
	[tilespmem:$0x9400] =	vst v63  }
0x206: {  	s0 =	sadd.s32 s3, s29  }
0x207: {  	s0 =	sshrl.u32 s0, $0x3  }
0x208: {  	s9 =	simm.s32 $0x100;
	s12 =	rddreg [dreg:$0x17];
	s0 =	sadd.s32 s8, s0  }
0x209: {  	[tilespmem:s9], [sflag:$0x1] =	stream.linear.gather [hbm4b:s0+s30], $0x80, $0x38;
	[tilespmem:$0x9400] =	vst v63  }
0x20a: {  	s0 =	sadd.s32 s12, s29  }
0x20b: {  	s0 =	sshrl.u32 s0, $0x3  }
0x20c: {  	s20 =	simm.s32 $0x180;
	s3 =	rddreg [dreg:$0x18];
	s0 =	sadd.s32 s8, s0  }
0x20d: {  	[tilespmem:s20], [sflag:$0x1] =	stream.linear.gather [hbm4b:s0+s30], $0x80, $0x38;
	[tilespmem:$0x9400] =	vst v63  }
0x20e: {  	s0 =	sadd.s32 s3, s29  }
0x20f: {  	s0 =	sshrl.u32 s0, $0x3  }
0x210: {  	s9 =	simm.s32 $0x200;
	s12 =	rddreg [dreg:$0x19];
	s0 =	sadd.s32 s8, s0  }
0x211: {  	[tilespmem:s9], [sflag:$0x1] =	stream.linear.gather [hbm4b:s0+s30], $0x80, $0x38;
	[tilespmem:$0x9400] =	vst v63  }
0x212: {  	s0 =	sadd.s32 s12, s29  }
0x213: {  	s0 =	sshrl.u32 s0, $0x3  }
0x214: {  	s20 =	simm.s32 $0x280;
	s3 =	rddreg [dreg:$0x1a];
	s0 =	sadd.s32 s8, s0  }
0x215: {  	[tilespmem:s20], [sflag:$0x1] =	stream.linear.gather [hbm4b:s0+s30], $0x80, $0x38;
	[tilespmem:$0x9400] =	vst v63  }
0x216: {  	s0 =	sadd.s32 s3, s29  }
0x217: {  	s0 =	sshrl.u32 s0, $0x3  }
0x218: {  	s9 =	simm.s32 $0x300;
	s12 =	rddreg [dreg:$0x1b];
	s0 =	sadd.s32 s8, s0  }
0x219: {  	[tilespmem:s9], [sflag:$0x1] =	stream.linear.gather [hbm4b:s0+s30], $0x80, $0x38;
	[tilespmem:$0x9400] =	vst v63  }
0x21a: {  	s0 =	sadd.s32 s12, s29  }
0x21b: {  	s0 =	sshrl.u32 s0, $0x3  }
0x21c: {  	s20 =	simm.s32 $0x380;
	s0 =	sadd.s32 s8, s0  }
0x21d: {  	[tilespmem:s20], [sflag:$0x1] =	stream.linear.gather [hbm4b:s0+s30], $0x80, $0x38;
	[tilespmem:$0x9400] =	vst v63  }
0x21e: {  	_ =	swait.ge [sflag:s13], $0x80  }
0x21f: {  	[sflag:s13] =	ssyncset.done $0x0  }
0x220: {  	[sflag:s13] =	ssyncadd.s32 $0xFFFFFF80  }
0x221: {  	_ =	swait.ge [sflag:s13], $0x80  }
0x222: {  	[sflag:s13] =	ssyncset.done $0x0  }
0x223: {  	[sflag:s13] =	ssyncadd.s32 $0xFFFFFF80  }
0x224: {  	_ =	swait.ge [sflag:s13], $0x80  }
0x225: {  	[sflag:s13] =	ssyncset.done $0x0  }
0x226: {  	[sflag:s13] =	ssyncadd.s32 $0xFFFFFF80  }
0x227: {  	_ =	swait.ge [sflag:s13], $0x80  }
0x228: {  	[sflag:s13] =	ssyncset.done $0x0  }
0x229: {  	[sflag:s13] =	ssyncadd.s32 $0xFFFFFF80  }
0x22a: {  	_ =	swait.ge [sflag:s13], $0x80  }
0x22b: {  	[sflag:s13] =	ssyncset.done $0x0  }
0x22c: {  	[sflag:s13] =	ssyncadd.s32 $0xFFFFFF80  }
0x22d: {  	_ =	swait.ge [sflag:s13], $0x80  }
0x22e: {  	[sflag:s13] =	ssyncset.done $0x0  }
0x22f: {  	[sflag:s13] =	ssyncadd.s32 $0xFFFFFF80  }
0x230: {  	_ =	swait.ge [sflag:s13], $0x80  }
0x231: {  	[sflag:s13] =	ssyncset.done $0x0  }
0x232: {  	[sflag:s13] =	ssyncadd.s32 $0xFFFFFF80  }
0x233: {  	_ =	swait.ge [sflag:s13], $0x80  }
0x234: {  	[sflag:s13] =	ssyncset.done $0x0  }
0x235: {  	[sflag:s13] =	ssyncadd.s32 $0xFFFFFF80  }
0x236: {  	v0 =	vld [tilespmem:$0x200]  }
0x237: {  	v1 =	vld [tilespmem:$0x210]  }
0x238: {  	v2 =	vld [tilespmem:$0x220]  }
0x239: {  	v3 =	vld [tilespmem:$0x230]  }
0x23a: {  	v4 =	vld [tilespmem:$0x240]  }
0x23b: {  	v5 =	vld [tilespmem:$0x250];
	v0 =	vtrunc.f32 v0  }
0x23c: {  	v6 =	vld [tilespmem:$0x260];
	v1 =	vtrunc.f32 v1;
	v0 =	vcvt.f32.s32 v0  }
0x23d: {  	v7 =	vld [tilespmem:$0x270];
	v2 =	vtrunc.f32 v2;
	v1 =	vcvt.f32.s32 v1  }
0x23e: {  	[tilespmem:$0x800] =	vst v0;
	v0 =	vcvt.f32.s32 v2;
	v2 =	vtrunc.f32 v3;
	v3 =	vld [tilespmem:$0x280]  }
0x23f: {  	[tilespmem:$0x810] =	vst v1;
	v1 =	vcvt.f32.s32 v2;
	v2 =	vtrunc.f32 v4;
	v4 =	vld [tilespmem:$0x290]  }
0x240: {  	[tilespmem:$0x820] =	vst v0;
	v0 =	vcvt.f32.s32 v2;
	v2 =	vtrunc.f32 v5;
	v5 =	vld [tilespmem:$0x2A0]  }
0x241: {  	[tilespmem:$0x830] =	vst v1;
	v1 =	vcvt.f32.s32 v2;
	v2 =	vtrunc.f32 v6;
	v6 =	vld [tilespmem:$0x2B0]  }
0x242: {  	[tilespmem:$0x840] =	vst v0;
	v0 =	vcvt.f32.s32 v2;
	v2 =	vtrunc.f32 v7;
	v7 =	vld [tilespmem:$0x2C0]  }
0x243: {  	[tilespmem:$0x850] =	vst v1;
	v1 =	vcvt.f32.s32 v2;
	v2 =	vtrunc.f32 v3;
	v3 =	vld [tilespmem:$0x2D0]  }
0x244: {  	[tilespmem:$0x860] =	vst v0;
	v0 =	vcvt.f32.s32 v2;
	v2 =	vtrunc.f32 v4;
	v4 =	vld [tilespmem:$0x2E0]  }
0x245: {  	[tilespmem:$0x870] =	vst v1;
	v1 =	vcvt.f32.s32 v2;
	v2 =	vtrunc.f32 v5;
	v5 =	vld [tilespmem:$0x2F0]  }
0x246: {  	[tilespmem:$0x880] =	vst v0;
	v0 =	vcvt.f32.s32 v2;
	v2 =	vtrunc.f32 v6;
	v6 =	vld [tilespmem:$0x300]  }
0x247: {  	[tilespmem:$0x890] =	vst v1;
	v1 =	vcvt.f32.s32 v2;
	v2 =	vtrunc.f32 v7;
	v7 =	vld [tilespmem:$0x310]  }
0x248: {  	[tilespmem:$0x8A0] =	vst v0;
	v0 =	vcvt.f32.s32 v2;
	v2 =	vtrunc.f32 v3;
	v3 =	vld [tilespmem:$0x320]  }
0x249: {  	[tilespmem:$0x8B0] =	vst v1;
	v1 =	vcvt.f32.s32 v2;
	v2 =	vtrunc.f32 v4;
	v4 =	vld [tilespmem:$0x330]  }
0x24a: {  	[tilespmem:$0x8C0] =	vst v0;
	v0 =	vcvt.f32.s32 v2;
	v2 =	vtrunc.f32 v5;
	v5 =	vld [tilespmem:$0x340]  }
0x24b: {  	[tilespmem:$0x8D0] =	vst v1;
	v1 =	vcvt.f32.s32 v2;
	v2 =	vtrunc.f32 v6;
	v6 =	vld [tilespmem:$0x350]  }
0x24c: {  	[tilespmem:$0x8E0] =	vst v0;
	v0 =	vcvt.f32.s32 v2;
	v2 =	vtrunc.f32 v7;
	v7 =	vld [tilespmem:$0x360]  }
0x24d: {  	[tilespmem:$0x8F0] =	vst v1;
	v1 =	vcvt.f32.s32 v2;
	v2 =	vtrunc.f32 v3;
	v3 =	vld [tilespmem:$0x370]  }
0x24e: {  	[tilespmem:$0x900] =	vst v0;
	v0 =	vcvt.f32.s32 v2;
	v2 =	vtrunc.f32 v4;
	v4 =	vld [tilespmem:$0x380]  }
0x24f: {  	[tilespmem:$0x910] =	vst v1;
	v1 =	vcvt.f32.s32 v2;
	v2 =	vtrunc.f32 v5;
	v5 =	vld [tilespmem:$0x390]  }
0x250: {  	[tilespmem:$0x920] =	vst v0;
	v0 =	vcvt.f32.s32 v2;
	v2 =	vtrunc.f32 v6;
	v6 =	vld [tilespmem:$0x3A0]  }
0x251: {  	[tilespmem:$0x930] =	vst v1;
	v1 =	vcvt.f32.s32 v2;
	v2 =	vtrunc.f32 v7;
	v7 =	vld [tilespmem:$0x3B0]  }
0x252: {  	[tilespmem:$0x940] =	vst v0;
	v0 =	vcvt.f32.s32 v2;
	v2 =	vtrunc.f32 v3;
	v3 =	vld [tilespmem:$0x3C0]  }
0x253: {  	[tilespmem:$0x950] =	vst v1;
	v1 =	vcvt.f32.s32 v2;
	v2 =	vtrunc.f32 v4;
	v4 =	vld [tilespmem:$0x3D0]  }
0x254: {  	[tilespmem:$0x960] =	vst v0;
	v0 =	vcvt.f32.s32 v2;
	v2 =	vtrunc.f32 v5;
	v5 =	vld [tilespmem:$0x3E0]  }
0x255: {  	[tilespmem:$0x970] =	vst v1;
	v1 =	vcvt.f32.s32 v2;
	v2 =	vtrunc.f32 v6;
	v6 =	vld [tilespmem:$0x3F0]  }
0x256: {  	[tilespmem:$0x980] =	vst v0;
	v0 =	vcvt.f32.s32 v2;
	v2 =	vtrunc.f32 v7  }
0x257: {  	[tilespmem:$0x990] =	vst v1;
	v1 =	vcvt.f32.s32 v2;
	v2 =	vtrunc.f32 v3  }
0x258: {  	[tilespmem:$0x9A0] =	vst v0;
	v0 =	vcvt.f32.s32 v2;
	v2 =	vtrunc.f32 v4  }
0x259: {  	[tilespmem:$0x9B0] =	vst v1;
	v1 =	vcvt.f32.s32 v2;
	v2 =	vtrunc.f32 v5  }
0x25a: {  	[tilespmem:$0x9C0] =	vst v0;
	v0 =	vcvt.f32.s32 v2;
	v2 =	vtrunc.f32 v6  }
0x25b: {  	[tilespmem:$0x9D0] =	vst v1;
	v1 =	vcvt.f32.s32 v2;
	_ =	sdelay $0x1  }
0x25c: {  	[tilespmem:$0x9F0] =	vst v1;
	v1 =	vld [tilespmem:$0x1FFE0];
	_ =	sdelay $0x3  }
0x25d: {  	s9 =	sor.u32 s23, s31  }
0x25e: {  	s12 =	sadd.s32 s21, s31;
	[tilespmem:$0x9E0] =	vst v0;
	v0 =	vadd.s32 s9, v1  }
0x25f: {  	s20 =	sadd.s32 s22, s31;
	[tilespmem:$0xA00] =	vst v0;
	v0 =	vadd.s32 s12, v1  }
0x260: {  	s3 =	sadd.s32 s16, s31;
	[tilespmem:$0xA10] =	vst v0;
	v0 =	vadd.s32 s20, v1  }
0x261: {  	s9 =	sor.u32 s11, s31;
	[tilespmem:$0xA20] =	vst v0;
	v0 =	vadd.s32 s3, v1  }
0x262: {  	s12 =	sadd.s32 s26, s31;
	[tilespmem:$0xA30] =	vst v0;
	v0 =	vadd.s32 s9, v1  }
0x263: {  	s20 =	sadd.s32 s28, s31;
	[tilespmem:$0xA40] =	vst v0;
	v0 =	vadd.s32 s12, v1  }
0x264: {  	s3 =	sadd.s32 s24, s31;
	[tilespmem:$0xA50] =	vst v0;
	v0 =	vadd.s32 s20, v1  }
0x265: {  	[tilespmem:$0xA60] =	vst v0;
	v0 =	vadd.s32 s3, v1  }
0x266: {  	s20 =	simm.s32 $0x4;
	[tilespmem:$0xA70] =	vst v0  }
0x267: {  	_ =	swait.ge [sflag:s20], $0x4000  }
0x268: {  	v21 =	vld [tilespmem:$0x1FE20]  }
0x269: {  	v29 =	vld [tilespmem:$0x1FE80]  }
0x26a: {  	v20 =	vld [tilespmem:$0x1FE10]  }
0x26b: {  	v24 =	vld [tilespmem:$0x1FE50]  }
0x26c: {  	v10 =	vld [tilespmem:$0x1FDA0]  }
0x26d: {  	v37 =	vld [tilespmem:$0x1FED0]  }
0x26e: {  	v18 =	vld [tilespmem:$0x1FDF0]  }
0x26f: {  	v25 =	vld [tilespmem:$0x1FE60]  }
0x270: {  	v17 =	vld [tilespmem:$0x1FDE0]  }
0x271: {  	v39 =	vld [tilespmem:$0x1FEF0]  }
0x272: {  	v44 =	vld [tilespmem:$0x1FF10]  }
0x273: {  	v19 =	vld [tilespmem:$0x1FE00]  }
0x274: {  	v36 =	vld [tilespmem:$0x1FEC0]  }
0x275: {  	v35 =	vld [tilespmem:$0x1FD70]  }
0x276: {  	s9 =	simm.s32 $0x180;
	v42 =	vld [tilespmem:$0x1FF00]  }
0x277: {  	v1 =	vmov s9;
	v22 =	vld [tilespmem:$0x1FE30]  }
0x278: {  	s31 =	simm.s32 $0x80;
	v38 =	vld [tilespmem:$0x1FEE0]  }
0x279: {  	v3 =	vmov s31;
	s12 =	simm.s32 $0x100;
	v14 =	vld [tilespmem:$0x1FDC0]  }
0x27a: {  	v27 =	vmov v34;
	v0 =	vmov s12;
	[sflag:s20] =	ssyncset.done $0x0;
	v34 =	vld [tilespmem:$0x1FEB0]  }
0x27b: {  	v32 =	vmov v26;
	v2 =	vmov s30;
	v26 =	vld [tilespmem:$0x1FE70];
	[sflag:s20] =	ssyncadd.s32 $0xFFFFC000  }
0x27c: {  	v49 =	vld.idx.msk [tilespmem:v1+s2+$0x0], $0xffff  }
0x27d: {  	v12 =	vmov v31;
	v31 =	vld [tilespmem:$0x1FEA0]  }
0x27e: {  	v57 =	vld.idx.msk [tilespmem:v3+s2+$0x0], $0xffff  }
0x27f: {  	v51 =	vld.idx.msk [tilespmem:v0+s2+$0x0], $0xffff  }
0x280: {  	v0 =	vld.idx.msk [tilespmem:v2+s2+$0x0], $0xffff  }
0x281: {  	v23 =	vld [tilespmem:$0x1FE40];
	v4 =	vmul.f32 v49, v21  }
0x282: {  	v40 =	vld [tilespmem:$0x1FF50];
	v52 =	vmul.f32 v49, v29;
	v50 =	vmul.f32 v49, v37  }
0x283: {  	v43 =	vmov v11;
	v11 =	vld [tilespmem:$0x1FDB0];
	v55 =	vmul.f32 v49, v25;
	v53 =	vmul.f32 v49, v17  }
0x284: {  	v30 =	vld [tilespmem:$0x1FE90];
	v59 =	vmul.f32 v57, v39;
	v5 =	vmul.f32 v57, v19  }
0x285: {  	v45 =	vld [tilespmem:$0x1FF20];
	v61 =	vmul.f32 v57, v31;
	v3 =	vmul.f32 v0, v18  }
0x286: {  	v46 =	vld [tilespmem:$0x1FF30];
	v7 =	vmul.f32 v57, v23;
	v1 =	vmul.f32 v51, v20  }
0x287: {  	v15 =	vld [tilespmem:$0x1FDD0];
	v56 =	vmul.f32 v51, v24;
	v2 =	vmul.f32 v0, v10;
	v3 =	vadd.f32 v3, v44  }
0x288: {  	v47 =	vld [tilespmem:$0x1FF40];
	v54 =	vmul.f32 v51, v36;
	v6 =	vmul.f32 v0, v38  }
0x289: {  	v48 =	vld [tilespmem:$0x1FD40];
	v60 =	vmul.f32 v0, v14;
	v62 =	vmul.f32 v0, v34;
	v5 =	vadd.f32 v5, v3  }
0x28a: {  	v13 =	vld [tilespmem:$0x1FD80];
	v8 =	vmul.f32 v0, v26;
	v58 =	vadd.f32 v2, v42;
	v2 =	vmul.f32 v0, v22  }
0x28b: {  	v28 =	vld [tilespmem:$0x1FD60];
	v63 =	vadd.f32 v6, v40;
	v0 =	vmul.f32 v0, v30;
	v5 =	vadd.f32 v1, v5  }
0x28c: {  	v33 =	vld [tilespmem:$0x1FD50];
	v3 =	vmul.f32 v57, v11;
	v6 =	vadd.f32 v2, v45;
	v1 =	vadd.f32 v8, v46  }
0x28d: {  	s29 =	simm.s32 $0x1040;
	s0 =	simm.s32 $0x1040;
	s3 =	simm.s32 $0x1;
	v41 =	vld [tilespmem:$0x1FD90];
	v2 =	vmul.f32 v57, v15;
	v4 =	vadd.f32 v4, v5;
	v5 =	vadd.f32 v0, v47  }
.LBB2_8:
0x28e: {  	_ = 	snop  }
0x28f: {  	v0 =	vadd.f32 v7, v6;
	[tilespmem:s29+$0xFFFFFFE0] =	vst v4;
	v4 =	vmul.f32 v57, v32  }
0x290: {  	v5 =	vadd.f32 v61, v5  }
0x291: {  	v0 =	vadd.f32 v56, v0;
	v1 =	vadd.f32 v4, v1;
	v4 =	vmul.f32 v51, v12  }
0x292: {  	v8 =	vadd.f32 v62, v48;
	v9 =	vadd.f32 v60, v35  }
0x293: {  	v0 =	vadd.f32 v55, v0;
	v4 =	vadd.f32 v4, v5;
	v5 =	vmul.f32 v49, v33  }
0x294: {  	v6 =	vmul.f32 v57, v27;
	v7 =	vadd.f32 v59, v63;
	v3 =	vadd.f32 v3, v58  }
0x295: {  	v63 =	vmul.f32 v51, v16;
	v2 =	vadd.f32 v2, v9;
	[tilespmem:s29+$0xFFFFFFF0] =	vst v0;
	v0 =	vadd.f32 v5, v4;
	v5 =	vld [tilespmem:$0x1FF60]  }
0x296: {  	v9 =	vmul.f32 v51, v28;
	v6 =	vadd.f32 v6, v8;
	v8 =	vmul.f32 v51, v43  }
0x297: {  	v2 =	vadd.f32 v63, v2  }
0x298: {  	v1 =	vadd.f32 v9, v1;
	v3 =	vadd.f32 v8, v3  }
0x299: {  	v2 =	vadd.f32 v53, v2;
	v4 =	vadd.f32 v54, v6;
	v6 =	vmul.f32 v49, v13  }
0x29a: {  	s9 =	smov.u32 s3;
	v5 =	vmul.f32 v51, v5  }
0x29b: {  	s12 =	sadd.s32 $0x180, s9;
	v1 =	vadd.f32 v52, v1;
	[tilespmem:s29+$0xFFFFFFD0] =	vst v2;
	v3 =	vadd.f32 v6, v3  }
0x29c: {  	s20 =	sadd.s32 $0x100, s9;
	[tilespmem:s29+$0x10] =	vst v0;
	v0 =	vadd.f32 v5, v7;
	v5 =	vmul.f32 v49, v41;
	v7 =	vmov s12  }
0x29d: {  	[tilespmem:s29+$0x0] =	vst v1;
	v1 =	vadd.f32 v50, v4;
	v4 =	vmov s20  }
0x29e: {  	v2 =	vmov s9;
	[tilespmem:s29+$0xFFFFFFC0] =	vst v3;
	v0 =	vadd.f32 v5, v0  }
0x29f: {  	s9 =	sadd.s32 $0x80, s9;
	[tilespmem:s29+$0x20] =	vst v1  }
0x2a0: {  	v1 =	vmov s9;
	[tilespmem:s29+$0x30] =	vst v0  }
0x2a1: {  	v49 =	vld.idx.msk [tilespmem:v7+s2+$0x0], $0xffff  }
0x2a2: {  	v51 =	vld.idx.msk [tilespmem:v4+s2+$0x0], $0xffff  }
0x2a3: {  	v0 =	vld.idx.msk [tilespmem:v2+s2+$0x0], $0xffff;
	_ =	sdelay $0x1  }
0x2a4: {  	v57 =	vld.idx.msk [tilespmem:v1+s2+$0x0], $0xffff  }
0x2a5: {  	v4 =	vmul.f32 v49, v21;
	v52 =	vmul.f32 v49, v29  }
0x2a6: {  	v1 =	vmul.f32 v51, v20;
	v56 =	vmul.f32 v51, v24  }
0x2a7: {  	v2 =	vmul.f32 v0, v10;
	v50 =	vmul.f32 v49, v37  }
0x2a8: {  	v3 =	vmul.f32 v0, v18;
	v55 =	vmul.f32 v49, v25  }
0x2a9: {  	v53 =	vmul.f32 v49, v17;
	v59 =	vmul.f32 v57, v39  }
0x2aa: {  	v54 =	vmul.f32 v51, v36;
	v5 =	vmul.f32 v0, v22  }
0x2ab: {  	v58 =	vadd.f32 v2, v42;
	v2 =	vadd.f32 v3, v44;
	v3 =	vmul.f32 v57, v19  }
0x2ac: {  	p0 =	sne.s32 s3, $0x7F;
	v6 =	vmul.f32 v0, v38;
	v60 =	vmul.f32 v0, v14  }
.Ltmp7:
0x2ad: {  	v62 =	vmul.f32 v0, v34;
	v8 =	vmul.f32 v0, v26;
	v2 =	vadd.f32 v3, v2;
	(pc) =	sbr.rel @p0 .LBB2_8-.Ltmp7, $4  }
0x2ae: {  	v61 =	vmul.f32 v57, v31;
	v0 =	vmul.f32 v0, v30  }
0x2af: {  	v7 =	vmul.f32 v57, v23;
	v63 =	vadd.f32 v6, v40;
	v9 =	vadd.f32 v1, v2  }
0x2b0: {  	s0 =	sadd.s32 $0x80, s0;
	v6 =	vadd.f32 v5, v45;
	v5 =	vadd.f32 v0, v47;
	v3 =	vmul.f32 v57, v11  }
0x2b1: {  	s3 =	sadd.s32 $0x1, s3;
	s29 =	smov.u32 s0;
	v1 =	vadd.f32 v8, v46;
	v2 =	vmul.f32 v57, v15;
	v4 =	vadd.f32 v4, v9  }
0x2b2: {  	v0 =	vadd.f32 v7, v6;
	v42 =	vmul.f32 v57, v27  }
0x2b3: {  	v44 =	vadd.f32 v59, v63;
	v3 =	vadd.f32 v3, v58;
	v8 =	vmul.f32 v57, v32  }
0x2b4: {  	v9 =	vadd.f32 v62, v48;
	v45 =	vadd.f32 v60, v35;
	v46 =	vmul.f32 v51, v16  }
0x2b5: {  	v5 =	vadd.f32 v61, v5;
	v47 =	vmul.f32 v51, v12;
	v39 =	vld [tilespmem:$0x1FF60];
	v0 =	vadd.f32 v56, v0  }
0x2b6: {  	v1 =	vadd.f32 v8, v1;
	v2 =	vadd.f32 v2, v45;
	v8 =	vmul.f32 v51, v28  }
0x2b7: {  	v6 =	vadd.f32 v42, v9;
	v5 =	vadd.f32 v47, v5;
	v9 =	vmul.f32 v49, v33  }
0x2b8: {  	v48 =	vmul.f32 v51, v43;
	v0 =	vadd.f32 v55, v0;
	v1 =	vadd.f32 v8, v1  }
0x2b9: {  	v59 =	vmul.f32 v49, v13;
	[tilespmem:s29+$0xFFFFFFE0] =	vst v4;
	v2 =	vadd.f32 v46, v2;
	v56 =	vadd.f32 v9, v5  }
0x2ba: {  	v58 =	vadd.f32 v48, v3;
	v57 =	vmul.f32 v51, v39;
	[tilespmem:s29+$0xFFFFFFF0] =	vst v0;
	v1 =	vadd.f32 v52, v1  }
0x2bb: {  	v6 =	vadd.f32 v54, v6;
	v2 =	vadd.f32 v53, v2;
	[tilespmem:s29+$0x10] =	vst v56  }
.Ltmp8:
0x2bc: {  	v61 =	vmul.f32 v49, v41;
	v0 =	vadd.f32 v59, v58;
	v60 =	vadd.f32 v57, v44;
	[tilespmem:s29+$0x0] =	vst v1;
	(pc) =	sbr.rel .LBB2_10-.Ltmp8, $4  }
0x2bd: {  	v62 =	vadd.f32 v50, v6;
	[tilespmem:s29+$0xFFFFFFD0] =	vst v2  }
0x2be: {  	[tilespmem:s29+$0xFFFFFFC0] =	vst v0;
	v63 =	vadd.f32 v61, v60  }
0x2bf: {  	[tilespmem:s29+$0x20] =	vst v62  }
0x2c0: {  	v11 =	vmovc v43;
	v26 =	vmov v32;
	v31 =	vmov v12;
	v34 =	vmov v27;
	[tilespmem:s29+$0x30] =	vst v63  }
.LBB2_12:
0x2c1: {  	_ =	sfence.sel $0x180000  }
0x2c2: {  	[bflag:$0x0] =	sbarrier.arrive $0xFFFF  }
0x2c3: {  	_ =	strace $0x90000047  }
0x2c4: {  	s0 =	stileid.u32;
	[bflag:$0x2] =	sbarrier.arrive $0xFFFF  }
0x2c5: {  	p0 =	sne.s32 s0, $0x0;
	s0 =	rddreg [dreg:$0x2]  }
0x2c6: {  	s0 =	sadd.s32 @!p0 $0x100000, s0  }
0x2c7: {  	[sflag:s0] =	ssyncadd.tile.s32 @!p0 $0x1;
	_ =	shalt  }
.Lfunc_end2:
_tile_overlayer_lowered:
.L_overlay_start_2:
0x2c8: {  	(tag) =	ssettag $0x2  }
0x2c9: {  	s0 =	rddreg [dreg:$0x0];
	s2 =	stileid.u32  }
0x2ca: {  	s1 =	rddreg [dreg:$0x1];
	p0 =	sne.s32 s2, $0x0  }
0x2cb: {  	s3 =	rddreg [dreg:$0x2];
	[bflag:$0x3] =	sbarrier.arrive $0xFFFF;
	s2 =	simm.s32 @!p0 $0x1C06  }
0x2cc: {  	[timem:s3], [sflag:s2] =	dma.local @!p0 [hbm:s0], s1  }
0x2cd: {  	s0 =	simm.s32 @!p0 $0x6  }
0x2ce: {  	_ =	swait.ge @!p0 [sflag:s0], s1  }
0x2cf: {  	s1 =	ssub.s32 @!p0 $0x0, s1;
	[sflag:s0] =	ssyncset.done @!p0 $0x0  }
0x2d0: {  	[sflag:s0] =	ssyncadd.s32 @!p0 s1  }
0x2d1: {  	[bflag:$0x3] =	sbarrier.arrive $0xFFFF  }
0x2d2: {  	_ =	shalt  }

</sc_bundles>
